<compile_context>
chip_gen: v7x
topology: tpu7x:2x2x1
jax: 0.10.2.dev20260603
libtpu: 0.0.44.dev20260713+nightly
codegen_flags: <defaults>
</compile_context>

<pallas_src>
import functools

import jax
import jax.numpy as jnp
from jax import lax
from jax.experimental import pallas as pl
from jax.experimental.pallas import tpu as pltpu
from jax.experimental.pallas import tpu_sc as plsc

N = 10000
E = 320000
D = 128
DH = D // 2

NC = 2
NS = 16
CH = 104
CHZ = 32
NCHUNK = 100
EP = NC * NS * NCHUNK * CH
R = 10240
RT = R // NS
NTS = N // NS

_MESH = plsc.VectorSubcoreMesh(core_axis_name="c", subcore_axis_name="s")


@functools.partial(
    pl.kernel,
    out_type=jax.ShapeDtypeStruct((NC, R, 16), jnp.float32),
    mesh=_MESH,
    scratch_types=[
        pltpu.VMEM((NCHUNK, CH), jnp.int32),
        pltpu.VMEM((CH, 16), jnp.float32),
        pltpu.VMEM((CHZ, 16), jnp.float32),
        pltpu.VMEM_SHARED((R, 16), jnp.float32),
    ],
    compiler_params=pltpu.CompilerParams(use_tc_tiling_on_sc=False),
)
def _deg_kernel(dst_hbm, out_hbm, dst_v, ones_v, zb_v, acc_sh):
    c = lax.axis_index("c")
    s = lax.axis_index("s")
    e0 = jnp.where(lax.iota(jnp.int32, 16) == 0,
                   jnp.float32(1.0), jnp.float32(0.0))
    z16 = jnp.zeros((16,), jnp.float32)

    def init_row(j, _):
        ones_v[j, :] = e0
        return 0
    lax.fori_loop(0, CH, init_row, 0)

    def init_zrow(j, _):
        zb_v[j, :] = z16
        return 0
    lax.fori_loop(0, CHZ, init_zrow, 0)

    base = s * RT
    def zcp(k, _):
        pltpu.sync_copy(zb_v, acc_sh.at[pl.ds(base + k * CHZ, CHZ)])
        return 0
    lax.fori_loop(0, RT // CHZ, zcp, 0)
    plsc.subcore_barrier()

    pltpu.sync_copy(dst_hbm.at[c, s], dst_v)

    def scat(j, _):
        pltpu.sync_copy(ones_v, acc_sh.at[dst_v.at[j]], add=True)
        return 0
    lax.fori_loop(0, NCHUNK, scat, 0)
    plsc.subcore_barrier()

    pltpu.sync_copy(acc_sh.at[pl.ds(base, RT)], out_hbm.at[c, pl.ds(base, RT)])


@functools.partial(
    pl.kernel,
    out_type=jax.ShapeDtypeStruct((NC, 2, R, DH), jnp.float32),
    mesh=_MESH,
    scratch_types=[
        pltpu.VMEM((NCHUNK, CH), jnp.int32),
        pltpu.VMEM((NCHUNK, CH), jnp.int32),
        pltpu.VMEM((CH, DH), jnp.float32),
        pltpu.VMEM((CH, DH), jnp.float32),
        pltpu.VMEM((CH, DH), jnp.float32),
        pltpu.VMEM((CH, DH), jnp.float32),
        pltpu.VMEM((CHZ, DH), jnp.float32),
        pltpu.VMEM_SHARED((R, DH), jnp.float32),
        pltpu.VMEM_SHARED((N, DH), jnp.float32),
        pltpu.SemaphoreType.DMA,
        pltpu.SemaphoreType.DMA,
        pltpu.SemaphoreType.DMA,
        pltpu.SemaphoreType.DMA,
        pltpu.SemaphoreType.DMA,
        pltpu.SemaphoreType.DMA,
        pltpu.SemaphoreType.DMA,
        pltpu.SemaphoreType.DMA,
    ],
    compiler_params=pltpu.CompilerParams(use_tc_tiling_on_sc=False),
)
def _agg_kernel(ta_hbm, tb_hbm, src_hbm, dst_hbm, out_hbm,
                src_v, dst_v, rb0, rb1, rb2, rb3, zb_v, acc_sh, tbl_sh,
                g0, g1, g2, g3, s0, s1, s2, s3):
    c = lax.axis_index("c")
    s = lax.axis_index("s")
    z16 = jnp.zeros((16,), jnp.float32)

    def zrow(j, _):
        for k in range(DH // 16):
            zb_v[j, pl.ds(k * 16, 16)] = z16
        return 0
    lax.fori_loop(0, CHZ, zrow, 0)

    base = s * RT
    pltpu.sync_copy(src_hbm.at[c, s], src_v)
    pltpu.sync_copy(dst_hbm.at[c, s], dst_v)

    rbs = (rb0, rb1, rb2, rb3)
    gsem = (g0, g1, g2, g3)
    ssem = (s0, s1, s2, s3)

    for phase, table in ((0, ta_hbm), (1, tb_hbm)):
        pltpu.sync_copy(table.at[pl.ds(s * NTS, NTS)],
                        tbl_sh.at[pl.ds(s * NTS, NTS)])
        def zcp(k, _):
            pltpu.sync_copy(zb_v, acc_sh.at[pl.ds(base + k * CHZ, CHZ)])
            return 0
        lax.fori_loop(0, RT // CHZ, zcp, 0)
        plsc.subcore_barrier()

        pltpu.async_copy(tbl_sh.at[src_v.at[0]], rb0, g0)
        pltpu.async_copy(tbl_sh.at[src_v.at[1]], rb1, g1)

        def group(m, _):
            for b in range(4):
                j = 4 * m + b
                bg = (b + 2) % 4
                if b < 2:
                    @pl.when(m > 0)
                    def _():
                        pltpu.make_async_copy(
                            rbs[bg], acc_sh.at[dst_v.at[j - 2]],
                            ssem[bg]).wait()
                    pltpu.async_copy(tbl_sh.at[src_v.at[j + 2]],
                                     rbs[bg], gsem[bg])
                else:
                    pltpu.make_async_copy(
                        rbs[bg], acc_sh.at[dst_v.at[j - 2]], ssem[bg]).wait()

                    @pl.when(m < NCHUNK // 4 - 1)
                    def _():
                        pltpu.async_copy(tbl_sh.at[src_v.at[j + 2]],
                                         rbs[bg], gsem[bg])
                pltpu.make_async_copy(tbl_sh.at[src_v.at[j]],
                                      rbs[b], gsem[b]).wait()
                pltpu.async_copy(rbs[b], acc_sh.at[dst_v.at[j]], ssem[b],
                                 add=True)
            return 0
        lax.fori_loop(0, NCHUNK // 4, group, 0)
        pltpu.make_async_copy(rbs[2], acc_sh.at[dst_v.at[NCHUNK - 2]],
                              ssem[2]).wait()
        pltpu.make_async_copy(rbs[3], acc_sh.at[dst_v.at[NCHUNK - 1]],
                              ssem[3]).wait()
        plsc.subcore_barrier()

        pltpu.sync_copy(acc_sh.at[pl.ds(base, RT)],
                        out_hbm.at[c, phase, pl.ds(base, RT)])


_RB = 1000


def _ds_from_degp(degp_blk):
    deg = jnp.sum(degp_blk, axis=(0, 2))
    return jnp.where(deg > 0, lax.rsqrt(jnp.maximum(deg, 1.0)), 0.0)


def _l1_body(degp_ref, x_ref, w_ref, b_ref, outa_ref, outb_ref):
    ds = _ds_from_degp(degp_ref[...])
    sup = lax.dot_general(x_ref[...], w_ref[...],
                          (((1,), (1,)), ((), ())),
                          preferred_element_type=jnp.float32)
    res = (sup + b_ref[...][None, :]) * ds[:, None]
    outa_ref[...] = res[:, :DH]
    outb_ref[...] = res[:, DH:]


def _l2_body(degp_ref, p00_ref, p01_ref, p10_ref, p11_ref, w_ref, b_ref,
             outa_ref, outb_ref):
    ds = _ds_from_degp(degp_ref[...])
    agg = jnp.concatenate([p00_ref[...] + p10_ref[...],
                           p01_ref[...] + p11_ref[...]], axis=1)
    h = jnp.maximum(agg * ds[:, None], 0.0)
    sup = lax.dot_general(h, w_ref[...],
                          (((1,), (1,)), ((), ())),
                          preferred_element_type=jnp.float32)
    res = (sup + b_ref[...][None, :]) * ds[:, None]
    outa_ref[...] = res[:, :DH]
    outb_ref[...] = res[:, DH:]


def _fin_body(degp_ref, p00_ref, p01_ref, p10_ref, p11_ref, out_ref):
    ds = _ds_from_degp(degp_ref[...])
    agg = jnp.concatenate([p00_ref[...] + p10_ref[...],
                           p01_ref[...] + p11_ref[...]], axis=1)
    out_ref[...] = agg * ds[:, None]


_degp_spec = pl.BlockSpec((NC, _RB, 16), lambda i: (0, i, 0))
_row_spec = pl.BlockSpec((_RB, D), lambda i: (i, 0))
_half_spec = pl.BlockSpec((_RB, DH), lambda i: (i, 0))
_w_spec = pl.BlockSpec((D, D), lambda i: (0, 0))
_b_spec = pl.BlockSpec((D,), lambda i: (0,))
_out_struct = jax.ShapeDtypeStruct((N, D), jnp.float32)
_half_struct = jax.ShapeDtypeStruct((R, DH), jnp.float32)

_l1_call = pl.pallas_call(
    _l1_body, grid=(N // _RB,),
    in_specs=[_degp_spec, _row_spec, _w_spec, _b_spec],
    out_specs=[_half_spec, _half_spec],
    out_shape=[_half_struct, _half_struct])

_l2_call = pl.pallas_call(
    _l2_body, grid=(N // _RB,),
    in_specs=[_degp_spec, _half_spec, _half_spec, _half_spec, _half_spec,
              _w_spec, _b_spec],
    out_specs=[_half_spec, _half_spec],
    out_shape=[_half_struct, _half_struct])

_fin_call = pl.pallas_call(
    _fin_body, grid=(N // _RB,),
    in_specs=[_degp_spec, _half_spec, _half_spec, _half_spec, _half_spec],
    out_specs=_row_spec, out_shape=_out_struct)


def kernel(edge_index, feature_matrix, W1, b1, W2, b2):
    src = edge_index[0]
    dst = edge_index[1]
    src_p = jnp.concatenate(
        [src, jnp.zeros((EP - E,), jnp.int32)]).reshape(NC, NS, NCHUNK, CH)
    dst_p = jnp.concatenate(
        [dst, jnp.full((EP - E,), N, jnp.int32)]).reshape(NC, NS, NCHUNK, CH)

    degp = _deg_kernel(dst_p)

    ta, tb = _l1_call(degp, feature_matrix, W1, b1)
    p = _agg_kernel(ta, tb, src_p, dst_p)
    ta2, tb2 = _l2_call(degp, p[0, 0], p[0, 1], p[1, 0], p[1, 1], W2, b2)
    q = _agg_kernel(ta2, tb2, src_p, dst_p)
    return _fin_call(degp, q[0, 0], q[0, 1], q[1, 0], q[1, 1])

# --- scband reference (transcript-rebuilt; emitter-appended) ---
"""Pipeline reference for scband-stack-gcn-34531537059964 (READ-ONLY COPY).

The authoritative reference and input builder live on the scoring server;
editing this copy changes nothing except your own understanding.
"""

import jax, jax.numpy as jnp
import numpy as np

N = 10000
E = 320000
D_IN = 128
D_H = 128
D_OUT = 128


def _xavier(key, fan_out, fan_in):
    limit = np.sqrt(6.0 / (fan_in + fan_out))
    return jax.random.uniform(key, (fan_out, fan_in), minval=-limit, maxval=limit, dtype=jnp.float32)


def setup_inputs(seed: int = 0) -> dict:
    key = jax.random.key(seed)
    k1, k2, k3, k4 = jax.random.split(key, 4)
    edge_index = jax.random.randint(k1, (2, E), 0, N, dtype=jnp.int32)
    feature_matrix = jax.random.normal(k2, (N, D_IN), dtype=jnp.float32)
    W1 = _xavier(k3, D_H, D_IN)
    b1 = jnp.zeros((D_H,), dtype=jnp.float32)
    W2 = _xavier(k4, D_OUT, D_H)
    b2 = jnp.zeros((D_OUT,), dtype=jnp.float32)
    return {"edge_index": edge_index, "feature_matrix": feature_matrix, "W1": W1, "b1": b1, "W2": W2, "b2": b2}


def reference(edge_index, feature_matrix, W1, b1, W2, b2):
    src = edge_index[0]
    dst = edge_index[1]
    # symmetric normalization: D^{-1/2} A D^{-1/2}
    ones = jnp.ones((E,), dtype=jnp.float32)
    deg = jax.ops.segment_sum(ones, dst, num_segments=N)
    d_inv_sqrt = jnp.where(deg > 0, 1.0 / jnp.sqrt(jnp.maximum(deg, 1.0)), 0.0)
    norm = d_inv_sqrt[src] * d_inv_sqrt[dst]

    def gcn_layer(x, W, b):
        support = x @ W.T + b
        msgs = jnp.take(support, src, axis=0) * norm[:, None]
        return jax.ops.segment_sum(msgs, dst, num_segments=N)

    # dropout=0.0 -> identity
    h = gcn_layer(feature_matrix, W1, b1)
    h = jax.nn.relu(h)
    out = gcn_layer(h, W2, b2)
    return out

if __name__ == "__main__":
    import jax
    _d = setup_inputs()
    print(jax.jit(kernel)(*tuple(_d.values())))

</pallas_src>

<mosaic_0001>
#map = affine_map<(d0, d1) -> (0, 0, 0, 0)>
#map1 = affine_map<(d0, d1) -> (0, 0, 0)>
module attributes {stable_mosaic.version = 14 : i64} {
  func.func @_deg_kernel(%arg0: i32, %arg1: i32, %arg2: memref<2x16x100x104xi32, #tpu.memory_space<hbm>>, %arg3: memref<2x10240x16xf32, #tpu.memory_space<hbm>>, %arg4: memref<100x104xi32, #tpu.memory_space<vmem>>, %arg5: memref<104x16xf32, #tpu.memory_space<vmem>>, %arg6: memref<32x16xf32, #tpu.memory_space<vmem>>, %arg7: memref<10240x16xf32, #tpu.memory_space<vmem_shared>>) attributes {dimension_semantics = [#tpu.dimension_semantics<core_parallel>, #tpu.dimension_semantics<subcore_parallel>], iteration_bounds = array<i64: 2, 16>, scalar_prefetch = 0 : i64, scratch_operands = 4 : i64, tpu.core_type = #tpu.core_type<sc_vector_subcore>, window_params = [{transform_indices = #map}, {transform_indices = #map1}]} {
    %iota3A = tpu.iota {dimensions = array<i32: 0>} : vector<16xi32>
    %eq3A = arith.constant 0 : i32
    %eq3A_0 = vector.broadcast %eq3A : i32 to vector<16xi32>
    %eq3A_1 = arith.cmpi eq, %iota3A, %eq3A_0 : vector<16xi32>
    %jit3A = arith.constant 1.000000e+00 : f32
    %jit3A_2 = arith.constant 0.000000e+00 : f32
    %broadcast_in_dim3A = vector.broadcast %jit3A : f32 to vector<16xf32>
    %broadcast_in_dim3A_3 = vector.broadcast %jit3A_2 : f32 to vector<16xf32>
    %select_n3A = arith.select %eq3A_1, %broadcast_in_dim3A, %broadcast_in_dim3A_3 : vector<16xi1>, vector<16xf32>
    %broadcast_in_dim3A_4 = arith.constant 0.000000e+00 : f32
    %broadcast_in_dim3A_5 = vector.broadcast %broadcast_in_dim3A_4 : f32 to vector<16xf32>
    %scan3A = arith.constant 0 : i32
    %scan3A_6 = arith.constant 0 : i32
    %scan3A_7 = arith.constant 104 : i32
    %scan3A_8 = arith.addi %scan3A_6, %scan3A_7 : i32
    %scan3A_9 = arith.constant 1 : i32
    %scan3A_10 = scf.for %scan3A_35 = %scan3A_6 to %scan3A_8 step %scan3A_9 iter_args(%scan3A_36 = %scan3A) -> (i32)  : i32 {
      %swap3A = arith.index_cast %scan3A_35 : i32 to index
      %swap3A_37 = arith.constant 0 : index
      %swap3A_38 = tpu.vector_load %arg5[%swap3A, %swap3A_37] {strides = array<i32>} : memref<104x16xf32, #tpu.memory_space<vmem>>, vector<1x16xf32>,
      %swap3A_39 = vector.shape_cast %swap3A_38 : vector<1x16xf32> to vector<16xf32>
      %swap3A_40 = vector.shape_cast %select_n3A : vector<16xf32> to vector<1x16xf32>
      tpu.vector_store %arg5[%swap3A, %swap3A_37], %swap3A_40 {strides = array<i32>} : memref<104x16xf32, #tpu.memory_space<vmem>>, vector<1x16xf32>,
      %scan3A_41 = arith.constant 0 : i32
      scf.yield %scan3A_41 : i32
    }
    %scan3A_11 = arith.constant 104 : i32
    %scan3A_12 = arith.constant 0 : i32
    %scan3A_13 = arith.constant 0 : i32
    %scan3A_14 = arith.constant 32 : i32
    %scan3A_15 = arith.addi %scan3A_13, %scan3A_14 : i32
    %scan3A_16 = arith.constant 1 : i32
    %scan3A_17 = scf.for %scan3A_35 = %scan3A_13 to %scan3A_15 step %scan3A_16 iter_args(%scan3A_36 = %scan3A_12) -> (i32)  : i32 {
      %swap3A = arith.index_cast %scan3A_35 : i32 to index
      %swap3A_37 = arith.constant 0 : index
      %swap3A_38 = tpu.vector_load %arg6[%swap3A, %swap3A_37] {strides = array<i32>} : memref<32x16xf32, #tpu.memory_space<vmem>>, vector<1x16xf32>,
      %swap3A_39 = vector.shape_cast %swap3A_38 : vector<1x16xf32> to vector<16xf32>
      %swap3A_40 = vector.shape_cast %broadcast_in_dim3A_5 : vector<16xf32> to vector<1x16xf32>
      tpu.vector_store %arg6[%swap3A, %swap3A_37], %swap3A_40 {strides = array<i32>} : memref<32x16xf32, #tpu.memory_space<vmem>>, vector<1x16xf32>,
      %scan3A_41 = arith.constant 0 : i32
      scf.yield %scan3A_41 : i32
    }
    %scan3A_18 = arith.constant 32 : i32
    %mul3A = arith.constant 640 : i32
    %mul3A_19 = arith.muli %arg1, %mul3A : i32
    %scan3A_20 = arith.constant 0 : i32
    %scan3A_21 = arith.constant 0 : i32
    %scan3A_22 = arith.constant 20 : i32
    %scan3A_23 = arith.addi %scan3A_21, %scan3A_22 : i32
    %scan3A_24 = arith.constant 1 : i32
    %scan3A_25 = scf.for %scan3A_35 = %scan3A_21 to %scan3A_23 step %scan3A_24 iter_args(%scan3A_36 = %scan3A_20) -> (i32)  : i32 {
      %mul3A_37 = arith.constant 32 : i32
      %mul3A_38 = arith.muli %scan3A_35, %mul3A_37 : i32
      %add3A = arith.addi %mul3A_19, %mul3A_38 : i32
      "tpu.region"() ({
        %run_scoped3A = tpu.sem_alloc : memref<!tpu.dma_semaphore, #tpu.memory_space<semaphore_mem>>
        %dma_start3A = arith.constant 0 : i32
        %dma_start3A_40 = tpu.memref_slice %arg7[%add3A, %dma_start3A] : memref<10240x16xf32, #tpu.memory_space<vmem_shared>> -> memref<32x16xf32, #tpu.memory_space<vmem_shared>>
        %dma_start3A_41 = arith.constant 0 : i32
        %dma_start3A_42 = tpu.memref_slice %arg7[%add3A, %dma_start3A_41] : memref<10240x16xf32, #tpu.memory_space<vmem_shared>> -> memref<32x16xf32, #tpu.memory_space<vmem_shared>>
        tpu.enqueue_dma source(%arg6 : memref<32x16xf32, #tpu.memory_space<vmem>>) target(%dma_start3A_42 : memref<32x16xf32, #tpu.memory_space<vmem_shared>>) target_semaphore(%run_scoped3A : memref<!tpu.dma_semaphore, #tpu.memory_space<semaphore_mem>>)
        %dma_wait3A = arith.constant 0 : i32
        %dma_wait3A_43 = tpu.memref_slice %arg7[%add3A, %dma_wait3A] : memref<10240x16xf32, #tpu.memory_space<vmem_shared>> -> memref<32x16xf32, #tpu.memory_space<vmem_shared>>
        %dma_wait3A_44 = arith.constant 0 : i32
        %dma_wait3A_45 = tpu.memref_slice %arg7[%add3A, %dma_wait3A_44] : memref<10240x16xf32, #tpu.memory_space<vmem_shared>> -> memref<32x16xf32, #tpu.memory_space<vmem_shared>>
        tpu.wait_dma2 semaphore(%run_scoped3A : memref<!tpu.dma_semaphore, #tpu.memory_space<semaphore_mem>>) src(%arg6 : memref<32x16xf32, #tpu.memory_space<vmem>>) dst(%dma_wait3A_45 : memref<32x16xf32, #tpu.memory_space<vmem_shared>>)
        tpu.yield
      }) : () -> ()
      %scan3A_39 = arith.constant 0 : i32
      scf.yield %scan3A_39 : i32
    }
    %scan3A_26 = arith.constant 20 : i32
    %barrier3A = arith.constant 0 : index
    tpu.barrier barrier_id(%barrier3A)
    "tpu.region"() ({
      %run_scoped3A = tpu.sem_alloc : memref<!tpu.dma_semaphore, #tpu.memory_space<semaphore_mem>>
      %dma_start3A = arith.constant 0 : i32
      %dma_start3A_35 = arith.constant 0 : i32
      %dma_start3A_36 = tpu.memref_slice %arg2[%arg0, %arg1, %dma_start3A, %dma_start3A_35] : memref<2x16x100x104xi32, #tpu.memory_space<hbm>> -> memref<1x1x100x104xi32, #tpu.memory_space<hbm>>
      %dma_start3A_37 = tpu.memref_squeeze %dma_start3A_36 : memref<1x1x100x104xi32, #tpu.memory_space<hbm>> -> memref<100x104xi32, #tpu.memory_space<hbm>>
      %dma_start3A_38 = arith.constant 0 : i32
      %dma_start3A_39 = arith.constant 0 : i32
      %dma_start3A_40 = tpu.memref_slice %arg2[%arg0, %arg1, %dma_start3A_38, %dma_start3A_39] : memref<2x16x100x104xi32, #tpu.memory_space<hbm>> -> memref<1x1x100x104xi32, #tpu.memory_space<hbm>>
      %dma_start3A_41 = tpu.memref_squeeze %dma_start3A_40 : memref<1x1x100x104xi32, #tpu.memory_space<hbm>> -> memref<100x104xi32, #tpu.memory_space<hbm>>
      tpu.enqueue_dma source(%dma_start3A_41 : memref<100x104xi32, #tpu.memory_space<hbm>>) target(%arg4 : memref<100x104xi32, #tpu.memory_space<vmem>>) target_semaphore(%run_scoped3A : memref<!tpu.dma_semaphore, #tpu.memory_space<semaphore_mem>>)
      %dma_wait3A = arith.constant 0 : i32
      %dma_wait3A_42 = arith.constant 0 : i32
      %dma_wait3A_43 = tpu.memref_slice %arg2[%arg0, %arg1, %dma_wait3A, %dma_wait3A_42] : memref<2x16x100x104xi32, #tpu.memory_space<hbm>> -> memref<1x1x100x104xi32, #tpu.memory_space<hbm>>
      %dma_wait3A_44 = tpu.memref_squeeze %dma_wait3A_43 : memref<1x1x100x104xi32, #tpu.memory_space<hbm>> -> memref<100x104xi32, #tpu.memory_space<hbm>>
      %dma_wait3A_45 = arith.constant 0 : i32
      %dma_wait3A_46 = arith.constant 0 : i32
      %dma_wait3A_47 = tpu.memref_slice %arg2[%arg0, %arg1, %dma_wait3A_45, %dma_wait3A_46] : memref<2x16x100x104xi32, #tpu.memory_space<hbm>> -> memref<1x1x100x104xi32, #tpu.memory_space<hbm>>
      %dma_wait3A_48 = tpu.memref_squeeze %dma_wait3A_47 : memref<1x1x100x104xi32, #tpu.memory_space<hbm>> -> memref<100x104xi32, #tpu.memory_space<hbm>>
      tpu.wait_dma2 semaphore(%run_scoped3A : memref<!tpu.dma_semaphore, #tpu.memory_space<semaphore_mem>>) src(%dma_wait3A_48 : memref<100x104xi32, #tpu.memory_space<hbm>>) dst(%arg4 : memref<100x104xi32, #tpu.memory_space<vmem>>)
      tpu.yield
    }) : () -> ()
    %scan3A_27 = arith.constant 0 : i32
    %scan3A_28 = arith.constant 0 : i32
    %scan3A_29 = arith.constant 100 : i32
    %scan3A_30 = arith.addi %scan3A_28, %scan3A_29 : i32
    %scan3A_31 = arith.constant 1 : i32
    %scan3A_32 = scf.for %scan3A_35 = %scan3A_28 to %scan3A_30 step %scan3A_31 iter_args(%scan3A_36 = %scan3A_27) -> (i32)  : i32 {
      "tpu.region"() ({
        %run_scoped3A = tpu.sem_alloc : memref<!tpu.dma_semaphore, #tpu.memory_space<semaphore_mem>>
        %dma_start3A = arith.constant 0 : i32
        %dma_start3A_38 = tpu.memref_slice %arg4[%scan3A_35, %dma_start3A] : memref<100x104xi32, #tpu.memory_space<vmem>> -> memref<1x104xi32, #tpu.memory_space<vmem>>
        %dma_start3A_39 = tpu.memref_squeeze %dma_start3A_38 : memref<1x104xi32, #tpu.memory_space<vmem>> -> memref<104xi32, #tpu.memory_space<vmem>>
        %dma_start3A_40 = arith.constant 0 : i32
        %dma_start3A_41 = arith.constant 0 : i32
        %dma_start3A_42 = tpu.memref_slice %arg7[%dma_start3A_40, %dma_start3A_41] : memref<10240x16xf32, #tpu.memory_space<vmem_shared>> -> memref<10240x16xf32, #tpu.memory_space<vmem_shared>>
        tpu.enqueue_indirect_dma source(%arg5 : memref<104x16xf32, #tpu.memory_space<vmem>>) target(%dma_start3A_42 : memref<10240x16xf32, #tpu.memory_space<vmem_shared>>) offsets(%dma_start3A_39 : memref<104xi32, #tpu.memory_space<vmem>>) semaphore(%run_scoped3A : memref<!tpu.dma_semaphore, #tpu.memory_space<semaphore_mem>>) {add = true}
        %dma_wait3A = arith.constant 0 : i32
        %dma_wait3A_43 = tpu.memref_slice %arg4[%scan3A_35, %dma_wait3A] : memref<100x104xi32, #tpu.memory_space<vmem>> -> memref<1x104xi32, #tpu.memory_space<vmem>>
        %dma_wait3A_44 = tpu.memref_squeeze %dma_wait3A_43 : memref<1x104xi32, #tpu.memory_space<vmem>> -> memref<104xi32, #tpu.memory_space<vmem>>
        %dma_wait3A_45 = arith.constant 0 : i32
        %dma_wait3A_46 = arith.constant 0 : i32
        %dma_wait3A_47 = tpu.memref_slice %arg7[%dma_wait3A_45, %dma_wait3A_46] : memref<10240x16xf32, #tpu.memory_space<vmem_shared>> -> memref<10240x16xf32, #tpu.memory_space<vmem_shared>>
        tpu.wait_indirect_dma semaphore(%run_scoped3A : memref<!tpu.dma_semaphore, #tpu.memory_space<semaphore_mem>>) src(%arg5 : memref<104x16xf32, #tpu.memory_space<vmem>>) dst(%dma_wait3A_47 : memref<10240x16xf32, #tpu.memory_space<vmem_shared>>)
        tpu.yield
      }) : () -> ()
      %scan3A_37 = arith.constant 0 : i32
      scf.yield %scan3A_37 : i32
    }
    %scan3A_33 = arith.constant 100 : i32
    %barrier3A_34 = arith.constant 0 : index
    tpu.barrier barrier_id(%barrier3A_34)
    "tpu.region"() ({
      %run_scoped3A = tpu.sem_alloc : memref<!tpu.dma_semaphore, #tpu.memory_space<semaphore_mem>>
      %dma_start3A = arith.constant 0 : i32
      %dma_start3A_35 = tpu.memref_slice %arg3[%arg0, %mul3A_19, %dma_start3A] : memref<2x10240x16xf32, #tpu.memory_space<hbm>> -> memref<1x640x16xf32, #tpu.memory_space<hbm>>
      %dma_start3A_36 = tpu.memref_squeeze %dma_start3A_35 : memref<1x640x16xf32, #tpu.memory_space<hbm>> -> memref<640x16xf32, #tpu.memory_space<hbm>>
      %dma_start3A_37 = arith.constant 0 : i32
      %dma_start3A_38 = tpu.memref_slice %arg7[%mul3A_19, %dma_start3A_37] : memref<10240x16xf32, #tpu.memory_space<vmem_shared>> -> memref<640x16xf32, #tpu.memory_space<vmem_shared>>
      tpu.enqueue_dma source(%dma_start3A_38 : memref<640x16xf32, #tpu.memory_space<vmem_shared>>) target(%dma_start3A_36 : memref<640x16xf32, #tpu.memory_space<hbm>>) target_semaphore(%run_scoped3A : memref<!tpu.dma_semaphore, #tpu.memory_space<semaphore_mem>>)
      %dma_wait3A = arith.constant 0 : i32
      %dma_wait3A_39 = tpu.memref_slice %arg3[%arg0, %mul3A_19, %dma_wait3A] : memref<2x10240x16xf32, #tpu.memory_space<hbm>> -> memref<1x640x16xf32, #tpu.memory_space<hbm>>
      %dma_wait3A_40 = tpu.memref_squeeze %dma_wait3A_39 : memref<1x640x16xf32, #tpu.memory_space<hbm>> -> memref<640x16xf32, #tpu.memory_space<hbm>>
      %dma_wait3A_41 = arith.constant 0 : i32
      %dma_wait3A_42 = tpu.memref_slice %arg7[%mul3A_19, %dma_wait3A_41] : memref<10240x16xf32, #tpu.memory_space<vmem_shared>> -> memref<640x16xf32, #tpu.memory_space<vmem_shared>>
      tpu.wait_dma2 semaphore(%run_scoped3A : memref<!tpu.dma_semaphore, #tpu.memory_space<semaphore_mem>>) src(%dma_wait3A_42 : memref<640x16xf32, #tpu.memory_space<vmem_shared>>) dst(%dma_wait3A_40 : memref<640x16xf32, #tpu.memory_space<hbm>>)
      tpu.yield
    }) : () -> ()
    return
  }
}

#map = affine_map<(d0, d1) -> (0, 0)>
#map1 = affine_map<(d0, d1) -> (0, 0, 0, 0)>
module attributes {stable_mosaic.version = 14 : i64} {
  func.func @_agg_kernel(%arg0: i32, %arg1: i32, %arg2: memref<10240x64xf32, #tpu.memory_space<hbm>>, %arg3: memref<10240x64xf32, #tpu.memory_space<hbm>>, %arg4: memref<2x16x100x104xi32, #tpu.memory_space<hbm>>, %arg5: memref<2x16x100x104xi32, #tpu.memory_space<hbm>>, %arg6: memref<2x2x10240x64xf32, #tpu.memory_space<hbm>>, %arg7: memref<100x104xi32, #tpu.memory_space<vmem>>, %arg8: memref<100x104xi32, #tpu.memory_space<vmem>>, %arg9: memref<104x64xf32, #tpu.memory_space<vmem>>, %arg10: memref<104x64xf32, #tpu.memory_space<vmem>>, %arg11: memref<104x64xf32, #tpu.memory_space<vmem>>, %arg12: memref<104x64xf32, #tpu.memory_space<vmem>>, %arg13: memref<32x64xf32, #tpu.memory_space<vmem>>, %arg14: memref<10240x64xf32, #tpu.memory_space<vmem_shared>>, %arg15: memref<10000x64xf32, #tpu.memory_space<vmem_shared>>, %arg16: memref<!tpu.dma_semaphore, #tpu.memory_space<semaphore_mem>>, %arg17: memref<!tpu.dma_semaphore, #tpu.memory_space<semaphore_mem>>, %arg18: memref<!tpu.dma_semaphore, #tpu.memory_space<semaphore_mem>>, %arg19: memref<!tpu.dma_semaphore, #tpu.memory_space<semaphore_mem>>, %arg20: memref<!tpu.dma_semaphore, #tpu.memory_space<semaphore_mem>>, %arg21: memref<!tpu.dma_semaphore, #tpu.memory_space<semaphore_mem>>, %arg22: memref<!tpu.dma_semaphore, #tpu.memory_space<semaphore_mem>>, %arg23: memref<!tpu.dma_semaphore, #tpu.memory_space<semaphore_mem>>) attributes {dimension_semantics = [#tpu.dimension_semantics<core_parallel>, #tpu.dimension_semantics<subcore_parallel>], iteration_bounds = array<i64: 2, 16>, scalar_prefetch = 0 : i64, scratch_operands = 17 : i64, tpu.core_type = #tpu.core_type<sc_vector_subcore>, window_params = [{transform_indices = #map}, {transform_indices = #map}, {transform_indices = #map1}, {transform_indices = #map1}, {transform_indices = #map1}]} {
    %broadcast_in_dim3A = arith.constant 0.000000e+00 : f32
    %broadcast_in_dim3A_0 = vector.broadcast %broadcast_in_dim3A : f32 to vector<16xf32>
    %scan3A = arith.constant 0 : i32
    %scan3A_1 = arith.constant 0 : i32
    %scan3A_2 = arith.constant 32 : i32
    %scan3A_3 = arith.addi %scan3A_1, %scan3A_2 : i32
    %scan3A_4 = arith.constant 1 : i32
    %scan3A_5 = scf.for %scan3A_102 = %scan3A_1 to %scan3A_3 step %scan3A_4 iter_args(%scan3A_103 = %scan3A) -> (i32)  : i32 {
      %swap3A = arith.index_cast %scan3A_102 : i32 to index
      %swap3A_104 = arith.constant 0 : index
      %swap3A_105 = tpu.vector_load %arg13[%swap3A, %swap3A_104] {strides = array<i32>} : memref<32x64xf32, #tpu.memory_space<vmem>>, vector<1x16xf32>,
      %swap3A_106 = vector.shape_cast %swap3A_105 : vector<1x16xf32> to vector<16xf32>
      %swap3A_107 = vector.shape_cast %broadcast_in_dim3A_0 : vector<16xf32> to vector<1x16xf32>
      tpu.vector_store %arg13[%swap3A, %swap3A_104], %swap3A_107 {strides = array<i32>} : memref<32x64xf32, #tpu.memory_space<vmem>>, vector<1x16xf32>,
      %swap3A_108 = arith.index_cast %scan3A_102 : i32 to index
      %swap3A_109 = arith.constant 16 : index
      %swap3A_110 = tpu.vector_load %arg13[%swap3A_108, %swap3A_109] {strides = array<i32>} : memref<32x64xf32, #tpu.memory_space<vmem>>, vector<1x16xf32>,
      %swap3A_111 = vector.shape_cast %swap3A_110 : vector<1x16xf32> to vector<16xf32>
      %swap3A_112 = vector.shape_cast %broadcast_in_dim3A_0 : vector<16xf32> to vector<1x16xf32>
      tpu.vector_store %arg13[%swap3A_108, %swap3A_109], %swap3A_112 {strides = array<i32>} : memref<32x64xf32, #tpu.memory_space<vmem>>, vector<1x16xf32>,
      %swap3A_113 = arith.index_cast %scan3A_102 : i32 to index
      %swap3A_114 = arith.constant 32 : index
      %swap3A_115 = tpu.vector_load %arg13[%swap3A_113, %swap3A_114] {strides = array<i32>} : memref<32x64xf32, #tpu.memory_space<vmem>>, vector<1x16xf32>,
      %swap3A_116 = vector.shape_cast %swap3A_115 : vector<1x16xf32> to vector<16xf32>
      %swap3A_117 = vector.shape_cast %broadcast_in_dim3A_0 : vector<16xf32> to vector<1x16xf32>
      tpu.vector_store %arg13[%swap3A_113, %swap3A_114], %swap3A_117 {strides = array<i32>} : memref<32x64xf32, #tpu.memory_space<vmem>>, vector<1x16xf32>,
      %swap3A_118 = arith.index_cast %scan3A_102 : i32 to index
      %swap3A_119 = arith.constant 48 : index
      %swap3A_120 = tpu.vector_load %arg13[%swap3A_118, %swap3A_119] {strides = array<i32>} : memref<32x64xf32, #tpu.memory_space<vmem>>, vector<1x16xf32>,
      %swap3A_121 = vector.shape_cast %swap3A_120 : vector<1x16xf32> to vector<16xf32>
      %swap3A_122 = vector.shape_cast %broadcast_in_dim3A_0 : vector<16xf32> to vector<1x16xf32>
      tpu.vector_store %arg13[%swap3A_118, %swap3A_119], %swap3A_122 {strides = array<i32>} : memref<32x64xf32, #tpu.memory_space<vmem>>, vector<1x16xf32>,
      %scan3A_123 = arith.constant 0 : i32
      scf.yield %scan3A_123 : i32
    }
    %scan3A_6 = arith.constant 32 : i32
    %mul3A = arith.constant 640 : i32
    %mul3A_7 = arith.muli %arg1, %mul3A : i32
    "tpu.region"() ({
      %run_scoped3A_102 = tpu.sem_alloc : memref<!tpu.dma_semaphore, #tpu.memory_space<semaphore_mem>>
      %dma_start3A_103 = arith.constant 0 : i32
      %dma_start3A_104 = arith.constant 0 : i32
      %dma_start3A_105 = tpu.memref_slice %arg4[%arg0, %arg1, %dma_start3A_103, %dma_start3A_104] : memref<2x16x100x104xi32, #tpu.memory_space<hbm>> -> memref<1x1x100x104xi32, #tpu.memory_space<hbm>>
      %dma_start3A_106 = tpu.memref_squeeze %dma_start3A_105 : memref<1x1x100x104xi32, #tpu.memory_space<hbm>> -> memref<100x104xi32, #tpu.memory_space<hbm>>
      %dma_start3A_107 = arith.constant 0 : i32
      %dma_start3A_108 = arith.constant 0 : i32
      %dma_start3A_109 = tpu.memref_slice %arg4[%arg0, %arg1, %dma_start3A_107, %dma_start3A_108] : memref<2x16x100x104xi32, #tpu.memory_space<hbm>> -> memref<1x1x100x104xi32, #tpu.memory_space<hbm>>
      %dma_start3A_110 = tpu.memref_squeeze %dma_start3A_109 : memref<1x1x100x104xi32, #tpu.memory_space<hbm>> -> memref<100x104xi32, #tpu.memory_space<hbm>>
      tpu.enqueue_dma source(%dma_start3A_110 : memref<100x104xi32, #tpu.memory_space<hbm>>) target(%arg7 : memref<100x104xi32, #tpu.memory_space<vmem>>) target_semaphore(%run_scoped3A_102 : memref<!tpu.dma_semaphore, #tpu.memory_space<semaphore_mem>>)
      %dma_wait3A_111 = arith.constant 0 : i32
      %dma_wait3A_112 = arith.constant 0 : i32
      %dma_wait3A_113 = tpu.memref_slice %arg4[%arg0, %arg1, %dma_wait3A_111, %dma_wait3A_112] : memref<2x16x100x104xi32, #tpu.memory_space<hbm>> -> memref<1x1x100x104xi32, #tpu.memory_space<hbm>>
      %dma_wait3A_114 = tpu.memref_squeeze %dma_wait3A_113 : memref<1x1x100x104xi32, #tpu.memory_space<hbm>> -> memref<100x104xi32, #tpu.memory_space<hbm>>
      %dma_wait3A_115 = arith.constant 0 : i32
      %dma_wait3A_116 = arith.constant 0 : i32
      %dma_wait3A_117 = tpu.memref_slice %arg4[%arg0, %arg1, %dma_wait3A_115, %dma_wait3A_116] : memref<2x16x100x104xi32, #tpu.memory_space<hbm>> -> memref<1x1x100x104xi32, #tpu.memory_space<hbm>>
      %dma_wait3A_118 = tpu.memref_squeeze %dma_wait3A_117 : memref<1x1x100x104xi32, #tpu.memory_space<hbm>> -> memref<100x104xi32, #tpu.memory_space<hbm>>
      tpu.wait_dma2 semaphore(%run_scoped3A_102 : memref<!tpu.dma_semaphore, #tpu.memory_space<semaphore_mem>>) src(%dma_wait3A_118 : memref<100x104xi32, #tpu.memory_space<hbm>>) dst(%arg7 : memref<100x104xi32, #tpu.memory_space<vmem>>)
      tpu.yield
    }) : () -> ()
    "tpu.region"() ({
      %run_scoped3A_102 = tpu.sem_alloc : memref<!tpu.dma_semaphore, #tpu.memory_space<semaphore_mem>>
      %dma_start3A_103 = arith.constant 0 : i32
      %dma_start3A_104 = arith.constant 0 : i32
      %dma_start3A_105 = tpu.memref_slice %arg5[%arg0, %arg1, %dma_start3A_103, %dma_start3A_104] : memref<2x16x100x104xi32, #tpu.memory_space<hbm>> -> memref<1x1x100x104xi32, #tpu.memory_space<hbm>>
      %dma_start3A_106 = tpu.memref_squeeze %dma_start3A_105 : memref<1x1x100x104xi32, #tpu.memory_space<hbm>> -> memref<100x104xi32, #tpu.memory_space<hbm>>
      %dma_start3A_107 = arith.constant 0 : i32
      %dma_start3A_108 = arith.constant 0 : i32
      %dma_start3A_109 = tpu.memref_slice %arg5[%arg0, %arg1, %dma_start3A_107, %dma_start3A_108] : memref<2x16x100x104xi32, #tpu.memory_space<hbm>> -> memref<1x1x100x104xi32, #tpu.memory_space<hbm>>
      %dma_start3A_110 = tpu.memref_squeeze %dma_start3A_109 : memref<1x1x100x104xi32, #tpu.memory_space<hbm>> -> memref<100x104xi32, #tpu.memory_space<hbm>>
      tpu.enqueue_dma source(%dma_start3A_110 : memref<100x104xi32, #tpu.memory_space<hbm>>) target(%arg8 : memref<100x104xi32, #tpu.memory_space<vmem>>) target_semaphore(%run_scoped3A_102 : memref<!tpu.dma_semaphore, #tpu.memory_space<semaphore_mem>>)
      %dma_wait3A_111 = arith.constant 0 : i32
      %dma_wait3A_112 = arith.constant 0 : i32
      %dma_wait3A_113 = tpu.memref_slice %arg5[%arg0, %arg1, %dma_wait3A_111, %dma_wait3A_112] : memref<2x16x100x104xi32, #tpu.memory_space<hbm>> -> memref<1x1x100x104xi32, #tpu.memory_space<hbm>>
      %dma_wait3A_114 = tpu.memref_squeeze %dma_wait3A_113 : memref<1x1x100x104xi32, #tpu.memory_space<hbm>> -> memref<100x104xi32, #tpu.memory_space<hbm>>
      %dma_wait3A_115 = arith.constant 0 : i32
      %dma_wait3A_116 = arith.constant 0 : i32
      %dma_wait3A_117 = tpu.memref_slice %arg5[%arg0, %arg1, %dma_wait3A_115, %dma_wait3A_116] : memref<2x16x100x104xi32, #tpu.memory_space<hbm>> -> memref<1x1x100x104xi32, #tpu.memory_space<hbm>>
      %dma_wait3A_118 = tpu.memref_squeeze %dma_wait3A_117 : memref<1x1x100x104xi32, #tpu.memory_space<hbm>> -> memref<100x104xi32, #tpu.memory_space<hbm>>
      tpu.wait_dma2 semaphore(%run_scoped3A_102 : memref<!tpu.dma_semaphore, #tpu.memory_space<semaphore_mem>>) src(%dma_wait3A_118 : memref<100x104xi32, #tpu.memory_space<hbm>>) dst(%arg8 : memref<100x104xi32, #tpu.memory_space<vmem>>)
      tpu.yield
    }) : () -> ()
    %mul3A_8 = arith.constant 625 : i32
    %mul3A_9 = arith.muli %arg1, %mul3A_8 : i32
    %mul3A_10 = arith.constant 625 : i32
    %mul3A_11 = arith.muli %arg1, %mul3A_10 : i32
    "tpu.region"() ({
      %run_scoped3A_102 = tpu.sem_alloc : memref<!tpu.dma_semaphore, #tpu.memory_space<semaphore_mem>>
      %dma_start3A_103 = arith.constant 0 : i32
      %dma_start3A_104 = tpu.memref_slice %arg15[%mul3A_11, %dma_start3A_103] : memref<10000x64xf32, #tpu.memory_space<vmem_shared>> -> memref<625x64xf32, #tpu.memory_space<vmem_shared>>
      %dma_start3A_105 = arith.constant 0 : i32
      %dma_start3A_106 = tpu.memref_slice %arg2[%mul3A_9, %dma_start3A_105] : memref<10240x64xf32, #tpu.memory_space<hbm>> -> memref<625x64xf32, #tpu.memory_space<hbm>>
      tpu.enqueue_dma source(%dma_start3A_106 : memref<625x64xf32, #tpu.memory_space<hbm>>) target(%dma_start3A_104 : memref<625x64xf32, #tpu.memory_space<vmem_shared>>) target_semaphore(%run_scoped3A_102 : memref<!tpu.dma_semaphore, #tpu.memory_space<semaphore_mem>>)
      %dma_wait3A_107 = arith.constant 0 : i32
      %dma_wait3A_108 = tpu.memref_slice %arg15[%mul3A_11, %dma_wait3A_107] : memref<10000x64xf32, #tpu.memory_space<vmem_shared>> -> memref<625x64xf32, #tpu.memory_space<vmem_shared>>
      %dma_wait3A_109 = arith.constant 0 : i32
      %dma_wait3A_110 = tpu.memref_slice %arg2[%mul3A_9, %dma_wait3A_109] : memref<10240x64xf32, #tpu.memory_space<hbm>> -> memref<625x64xf32, #tpu.memory_space<hbm>>
      tpu.wait_dma2 semaphore(%run_scoped3A_102 : memref<!tpu.dma_semaphore, #tpu.memory_space<semaphore_mem>>) src(%dma_wait3A_110 : memref<625x64xf32, #tpu.memory_space<hbm>>) dst(%dma_wait3A_108 : memref<625x64xf32, #tpu.memory_space<vmem_shared>>)
      tpu.yield
    }) : () -> ()
    %scan3A_12 = arith.constant 0 : i32
    %scan3A_13 = arith.constant 0 : i32
    %scan3A_14 = arith.constant 20 : i32
    %scan3A_15 = arith.addi %scan3A_13, %scan3A_14 : i32
    %scan3A_16 = arith.constant 1 : i32
    %scan3A_17 = scf.for %scan3A_102 = %scan3A_13 to %scan3A_15 step %scan3A_16 iter_args(%scan3A_103 = %scan3A_12) -> (i32)  : i32 {
      %mul3A_104 = arith.constant 32 : i32
      %mul3A_105 = arith.muli %scan3A_102, %mul3A_104 : i32
      %add3A = arith.addi %mul3A_7, %mul3A_105 : i32
      "tpu.region"() ({
        %run_scoped3A_107 = tpu.sem_alloc : memref<!tpu.dma_semaphore, #tpu.memory_space<semaphore_mem>>
        %dma_start3A_108 = arith.constant 0 : i32
        %dma_start3A_109 = tpu.memref_slice %arg14[%add3A, %dma_start3A_108] : memref<10240x64xf32, #tpu.memory_space<vmem_shared>> -> memref<32x64xf32, #tpu.memory_space<vmem_shared>>
        %dma_start3A_110 = arith.constant 0 : i32
        %dma_start3A_111 = tpu.memref_slice %arg14[%add3A, %dma_start3A_110] : memref<10240x64xf32, #tpu.memory_space<vmem_shared>> -> memref<32x64xf32, #tpu.memory_space<vmem_shared>>
        tpu.enqueue_dma source(%arg13 : memref<32x64xf32, #tpu.memory_space<vmem>>) target(%dma_start3A_111 : memref<32x64xf32, #tpu.memory_space<vmem_shared>>) target_semaphore(%run_scoped3A_107 : memref<!tpu.dma_semaphore, #tpu.memory_space<semaphore_mem>>)
        %dma_wait3A_112 = arith.constant 0 : i32
        %dma_wait3A_113 = tpu.memref_slice %arg14[%add3A, %dma_wait3A_112] : memref<10240x64xf32, #tpu.memory_space<vmem_shared>> -> memref<32x64xf32, #tpu.memory_space<vmem_shared>>
        %dma_wait3A_114 = arith.constant 0 : i32
        %dma_wait3A_115 = tpu.memref_slice %arg14[%add3A, %dma_wait3A_114] : memref<10240x64xf32, #tpu.memory_space<vmem_shared>> -> memref<32x64xf32, #tpu.memory_space<vmem_shared>>
        tpu.wait_dma2 semaphore(%run_scoped3A_107 : memref<!tpu.dma_semaphore, #tpu.memory_space<semaphore_mem>>) src(%arg13 : memref<32x64xf32, #tpu.memory_space<vmem>>) dst(%dma_wait3A_115 : memref<32x64xf32, #tpu.memory_space<vmem_shared>>)
        tpu.yield
      }) : () -> ()
      %scan3A_106 = arith.constant 0 : i32
      scf.yield %scan3A_106 : i32
    }
    %scan3A_18 = arith.constant 20 : i32
    %barrier3A = arith.constant 0 : index
    tpu.barrier barrier_id(%barrier3A)
    %dma_start3A = arith.constant 0 : i32
    %dma_start3A_19 = arith.constant 0 : i32
    %dma_start3A_20 = tpu.memref_slice %arg7[%dma_start3A, %dma_start3A_19] : memref<100x104xi32, #tpu.memory_space<vmem>> -> memref<1x104xi32, #tpu.memory_space<vmem>>
    %dma_start3A_21 = tpu.memref_squeeze %dma_start3A_20 : memref<1x104xi32, #tpu.memory_space<vmem>> -> memref<104xi32, #tpu.memory_space<vmem>>
    %dma_start3A_22 = arith.constant 0 : i32
    %dma_start3A_23 = arith.constant 0 : i32
    %dma_start3A_24 = tpu.memref_slice %arg15[%dma_start3A_22, %dma_start3A_23] : memref<10000x64xf32, #tpu.memory_space<vmem_shared>> -> memref<10000x64xf32, #tpu.memory_space<vmem_shared>>
    tpu.enqueue_indirect_dma source(%dma_start3A_24 : memref<10000x64xf32, #tpu.memory_space<vmem_shared>>) target(%arg9 : memref<104x64xf32, #tpu.memory_space<vmem>>) offsets(%dma_start3A_21 : memref<104xi32, #tpu.memory_space<vmem>>) semaphore(%arg16 : memref<!tpu.dma_semaphore, #tpu.memory_space<semaphore_mem>>)
    %dma_start3A_25 = arith.constant 1 : i32
    %dma_start3A_26 = arith.constant 0 : i32
    %dma_start3A_27 = tpu.memref_slice %arg7[%dma_start3A_25, %dma_start3A_26] : memref<100x104xi32, #tpu.memory_space<vmem>> -> memref<1x104xi32, #tpu.memory_space<vmem>>
    %dma_start3A_28 = tpu.memref_squeeze %dma_start3A_27 : memref<1x104xi32, #tpu.memory_space<vmem>> -> memref<104xi32, #tpu.memory_space<vmem>>
    %dma_start3A_29 = arith.constant 0 : i32
    %dma_start3A_30 = arith.constant 0 : i32
    %dma_start3A_31 = tpu.memref_slice %arg15[%dma_start3A_29, %dma_start3A_30] : memref<10000x64xf32, #tpu.memory_space<vmem_shared>> -> memref<10000x64xf32, #tpu.memory_space<vmem_shared>>
    tpu.enqueue_indirect_dma source(%dma_start3A_31 : memref<10000x64xf32, #tpu.memory_space<vmem_shared>>) target(%arg10 : memref<104x64xf32, #tpu.memory_space<vmem>>) offsets(%dma_start3A_28 : memref<104xi32, #tpu.memory_space<vmem>>) semaphore(%arg17 : memref<!tpu.dma_semaphore, #tpu.memory_space<semaphore_mem>>)
    %scan3A_32 = arith.constant 0 : i32
    %scan3A_33 = arith.constant 0 : i32
    %scan3A_34 = arith.constant 25 : i32
    %scan3A_35 = arith.addi %scan3A_33, %scan3A_34 : i32
    %scan3A_36 = arith.constant 1 : i32
    %scan3A_37 = scf.for %scan3A_102 = %scan3A_33 to %scan3A_35 step %scan3A_36 iter_args(%scan3A_103 = %scan3A_32) -> (i32)  : i32 {
      %mul3A_104 = arith.constant 4 : i32
      %mul3A_105 = arith.muli %mul3A_104, %scan3A_102 : i32
      %add3A = arith.constant 0 : i32
      %add3A_106 = arith.addi %mul3A_105, %add3A : i32
      %gt3A = arith.constant 0 : i32
      %gt3A_107 = arith.cmpi sgt, %scan3A_102, %gt3A : i32
      %convert_element_type3A = arith.extui %gt3A_107 : i1 to i32
      %cond3A = arith.constant 0 : i32
      %cond3A_108 = arith.cmpi ne, %convert_element_type3A, %cond3A : i32
      scf.if %cond3A_108 {
        %sub3A_215 = arith.constant 2 : i32
        %sub3A_216 = arith.subi %add3A_106, %sub3A_215 : i32
        %dma_wait3A_217 = arith.constant 0 : i32
        %dma_wait3A_218 = tpu.memref_slice %arg8[%sub3A_216, %dma_wait3A_217] : memref<100x104xi32, #tpu.memory_space<vmem>> -> memref<1x104xi32, #tpu.memory_space<vmem>>
        %dma_wait3A_219 = tpu.memref_squeeze %dma_wait3A_218 : memref<1x104xi32, #tpu.memory_space<vmem>> -> memref<104xi32, #tpu.memory_space<vmem>>
        %dma_wait3A_220 = arith.constant 0 : i32
        %dma_wait3A_221 = arith.constant 0 : i32
        %dma_wait3A_222 = tpu.memref_slice %arg14[%dma_wait3A_220, %dma_wait3A_221] : memref<10240x64xf32, #tpu.memory_space<vmem_shared>> -> memref<10240x64xf32, #tpu.memory_space<vmem_shared>>
        tpu.wait_indirect_dma semaphore(%arg22 : memref<!tpu.dma_semaphore, #tpu.memory_space<semaphore_mem>>) src(%arg11 : memref<104x64xf32, #tpu.memory_space<vmem>>) dst(%dma_wait3A_222 : memref<10240x64xf32, #tpu.memory_space<vmem_shared>>)
      } else {
      }
      %add3A_109 = arith.constant 2 : i32
      %add3A_110 = arith.addi %add3A_106, %add3A_109 : i32
      %dma_start3A_111 = arith.constant 0 : i32
      %dma_start3A_112 = tpu.memref_slice %arg7[%add3A_110, %dma_start3A_111] : memref<100x104xi32, #tpu.memory_space<vmem>> -> memref<1x104xi32, #tpu.memory_space<vmem>>
      %dma_start3A_113 = tpu.memref_squeeze %dma_start3A_112 : memref<1x104xi32, #tpu.memory_space<vmem>> -> memref<104xi32, #tpu.memory_space<vmem>>
      %dma_start3A_114 = arith.constant 0 : i32
      %dma_start3A_115 = arith.constant 0 : i32
      %dma_start3A_116 = tpu.memref_slice %arg15[%dma_start3A_114, %dma_start3A_115] : memref<10000x64xf32, #tpu.memory_space<vmem_shared>> -> memref<10000x64xf32, #tpu.memory_space<vmem_shared>>
      tpu.enqueue_indirect_dma source(%dma_start3A_116 : memref<10000x64xf32, #tpu.memory_space<vmem_shared>>) target(%arg11 : memref<104x64xf32, #tpu.memory_space<vmem>>) offsets(%dma_start3A_113 : memref<104xi32, #tpu.memory_space<vmem>>) semaphore(%arg18 : memref<!tpu.dma_semaphore, #tpu.memory_space<semaphore_mem>>)
      %dma_wait3A_117 = arith.constant 0 : i32
      %dma_wait3A_118 = tpu.memref_slice %arg7[%add3A_106, %dma_wait3A_117] : memref<100x104xi32, #tpu.memory_space<vmem>> -> memref<1x104xi32, #tpu.memory_space<vmem>>
      %dma_wait3A_119 = tpu.memref_squeeze %dma_wait3A_118 : memref<1x104xi32, #tpu.memory_space<vmem>> -> memref<104xi32, #tpu.memory_space<vmem>>
      %dma_wait3A_120 = arith.constant 0 : i32
      %dma_wait3A_121 = arith.constant 0 : i32
      %dma_wait3A_122 = tpu.memref_slice %arg15[%dma_wait3A_120, %dma_wait3A_121] : memref<10000x64xf32, #tpu.memory_space<vmem_shared>> -> memref<10000x64xf32, #tpu.memory_space<vmem_shared>>
      tpu.wait_indirect_dma semaphore(%arg16 : memref<!tpu.dma_semaphore, #tpu.memory_space<semaphore_mem>>) src(%dma_wait3A_122 : memref<10000x64xf32, #tpu.memory_space<vmem_shared>>) dst(%arg9 : memref<104x64xf32, #tpu.memory_space<vmem>>)
      %dma_start3A_123 = arith.constant 0 : i32
      %dma_start3A_124 = tpu.memref_slice %arg8[%add3A_106, %dma_start3A_123] : memref<100x104xi32, #tpu.memory_space<vmem>> -> memref<1x104xi32, #tpu.memory_space<vmem>>
      %dma_start3A_125 = tpu.memref_squeeze %dma_start3A_124 : memref<1x104xi32, #tpu.memory_space<vmem>> -> memref<104xi32, #tpu.memory_space<vmem>>
      %dma_start3A_126 = arith.constant 0 : i32
      %dma_start3A_127 = arith.constant 0 : i32
      %dma_start3A_128 = tpu.memref_slice %arg14[%dma_start3A_126, %dma_start3A_127] : memref<10240x64xf32, #tpu.memory_space<vmem_shared>> -> memref<10240x64xf32, #tpu.memory_space<vmem_shared>>
      tpu.enqueue_indirect_dma source(%arg9 : memref<104x64xf32, #tpu.memory_space<vmem>>) target(%dma_start3A_128 : memref<10240x64xf32, #tpu.memory_space<vmem_shared>>) offsets(%dma_start3A_125 : memref<104xi32, #tpu.memory_space<vmem>>) semaphore(%arg20 : memref<!tpu.dma_semaphore, #tpu.memory_space<semaphore_mem>>) {add = true}
      %mul3A_129 = arith.constant 4 : i32
      %mul3A_130 = arith.muli %mul3A_129, %scan3A_102 : i32
      %add3A_131 = arith.constant 1 : i32
      %add3A_132 = arith.addi %mul3A_130, %add3A_131 : i32
      %gt3A_133 = arith.constant 0 : i32
      %gt3A_134 = arith.cmpi sgt, %scan3A_102, %gt3A_133 : i32
      %convert_element_type3A_135 = arith.extui %gt3A_134 : i1 to i32
      %cond3A_136 = arith.constant 0 : i32
      %cond3A_137 = arith.cmpi ne, %convert_element_type3A_135, %cond3A_136 : i32
      scf.if %cond3A_137 {
        %sub3A_215 = arith.constant 2 : i32
        %sub3A_216 = arith.subi %add3A_132, %sub3A_215 : i32
        %dma_wait3A_217 = arith.constant 0 : i32
        %dma_wait3A_218 = tpu.memref_slice %arg8[%sub3A_216, %dma_wait3A_217] : memref<100x104xi32, #tpu.memory_space<vmem>> -> memref<1x104xi32, #tpu.memory_space<vmem>>
        %dma_wait3A_219 = tpu.memref_squeeze %dma_wait3A_218 : memref<1x104xi32, #tpu.memory_space<vmem>> -> memref<104xi32, #tpu.memory_space<vmem>>
        %dma_wait3A_220 = arith.constant 0 : i32
        %dma_wait3A_221 = arith.constant 0 : i32
        %dma_wait3A_222 = tpu.memref_slice %arg14[%dma_wait3A_220, %dma_wait3A_221] : memref<10240x64xf32, #tpu.memory_space<vmem_shared>> -> memref<10240x64xf32, #tpu.memory_space<vmem_shared>>
        tpu.wait_indirect_dma semaphore(%arg23 : memref<!tpu.dma_semaphore, #tpu.memory_space<semaphore_mem>>) src(%arg12 : memref<104x64xf32, #tpu.memory_space<vmem>>) dst(%dma_wait3A_222 : memref<10240x64xf32, #tpu.memory_space<vmem_shared>>)
      } else {
      }
      %add3A_138 = arith.constant 2 : i32
      %add3A_139 = arith.addi %add3A_132, %add3A_138 : i32
      %dma_start3A_140 = arith.constant 0 : i32
      %dma_start3A_141 = tpu.memref_slice %arg7[%add3A_139, %dma_start3A_140] : memref<100x104xi32, #tpu.memory_space<vmem>> -> memref<1x104xi32, #tpu.memory_space<vmem>>
      %dma_start3A_142 = tpu.memref_squeeze %dma_start3A_141 : memref<1x104xi32, #tpu.memory_space<vmem>> -> memref<104xi32, #tpu.memory_space<vmem>>
      %dma_start3A_143 = arith.constant 0 : i32
      %dma_start3A_144 = arith.constant 0 : i32
      %dma_start3A_145 = tpu.memref_slice %arg15[%dma_start3A_143, %dma_start3A_144] : memref<10000x64xf32, #tpu.memory_space<vmem_shared>> -> memref<10000x64xf32, #tpu.memory_space<vmem_shared>>
      tpu.enqueue_indirect_dma source(%dma_start3A_145 : memref<10000x64xf32, #tpu.memory_space<vmem_shared>>) target(%arg12 : memref<104x64xf32, #tpu.memory_space<vmem>>) offsets(%dma_start3A_142 : memref<104xi32, #tpu.memory_space<vmem>>) semaphore(%arg19 : memref<!tpu.dma_semaphore, #tpu.memory_space<semaphore_mem>>)
      %dma_wait3A_146 = arith.constant 0 : i32
      %dma_wait3A_147 = tpu.memref_slice %arg7[%add3A_132, %dma_wait3A_146] : memref<100x104xi32, #tpu.memory_space<vmem>> -> memref<1x104xi32, #tpu.memory_space<vmem>>
      %dma_wait3A_148 = tpu.memref_squeeze %dma_wait3A_147 : memref<1x104xi32, #tpu.memory_space<vmem>> -> memref<104xi32, #tpu.memory_space<vmem>>
      %dma_wait3A_149 = arith.constant 0 : i32
      %dma_wait3A_150 = arith.constant 0 : i32
      %dma_wait3A_151 = tpu.memref_slice %arg15[%dma_wait3A_149, %dma_wait3A_150] : memref<10000x64xf32, #tpu.memory_space<vmem_shared>> -> memref<10000x64xf32, #tpu.memory_space<vmem_shared>>
      tpu.wait_indirect_dma semaphore(%arg17 : memref<!tpu.dma_semaphore, #tpu.memory_space<semaphore_mem>>) src(%dma_wait3A_151 : memref<10000x64xf32, #tpu.memory_space<vmem_shared>>) dst(%arg10 : memref<104x64xf32, #tpu.memory_space<vmem>>)
      %dma_start3A_152 = arith.constant 0 : i32
      %dma_start3A_153 = tpu.memref_slice %arg8[%add3A_132, %dma_start3A_152] : memref<100x104xi32, #tpu.memory_space<vmem>> -> memref<1x104xi32, #tpu.memory_space<vmem>>
      %dma_start3A_154 = tpu.memref_squeeze %dma_start3A_153 : memref<1x104xi32, #tpu.memory_space<vmem>> -> memref<104xi32, #tpu.memory_space<vmem>>
      %dma_start3A_155 = arith.constant 0 : i32
      %dma_start3A_156 = arith.constant 0 : i32
      %dma_start3A_157 = tpu.memref_slice %arg14[%dma_start3A_155, %dma_start3A_156] : memref<10240x64xf32, #tpu.memory_space<vmem_shared>> -> memref<10240x64xf32, #tpu.memory_space<vmem_shared>>
      tpu.enqueue_indirect_dma source(%arg10 : memref<104x64xf32, #tpu.memory_space<vmem>>) target(%dma_start3A_157 : memref<10240x64xf32, #tpu.memory_space<vmem_shared>>) offsets(%dma_start3A_154 : memref<104xi32, #tpu.memory_space<vmem>>) semaphore(%arg21 : memref<!tpu.dma_semaphore, #tpu.memory_space<semaphore_mem>>) {add = true}
      %mul3A_158 = arith.constant 4 : i32
      %mul3A_159 = arith.muli %mul3A_158, %scan3A_102 : i32
      %add3A_160 = arith.constant 2 : i32
      %add3A_161 = arith.addi %mul3A_159, %add3A_160 : i32
      %sub3A = arith.constant 2 : i32
      %sub3A_162 = arith.subi %add3A_161, %sub3A : i32
      %dma_wait3A_163 = arith.constant 0 : i32
      %dma_wait3A_164 = tpu.memref_slice %arg8[%sub3A_162, %dma_wait3A_163] : memref<100x104xi32, #tpu.memory_space<vmem>> -> memref<1x104xi32, #tpu.memory_space<vmem>>
      %dma_wait3A_165 = tpu.memref_squeeze %dma_wait3A_164 : memref<1x104xi32, #tpu.memory_space<vmem>> -> memref<104xi32, #tpu.memory_space<vmem>>
      %dma_wait3A_166 = arith.constant 0 : i32
      %dma_wait3A_167 = arith.constant 0 : i32
      %dma_wait3A_168 = tpu.memref_slice %arg14[%dma_wait3A_166, %dma_wait3A_167] : memref<10240x64xf32, #tpu.memory_space<vmem_shared>> -> memref<10240x64xf32, #tpu.memory_space<vmem_shared>>
      tpu.wait_indirect_dma semaphore(%arg20 : memref<!tpu.dma_semaphore, #tpu.memory_space<semaphore_mem>>) src(%arg9 : memref<104x64xf32, #tpu.memory_space<vmem>>) dst(%dma_wait3A_168 : memref<10240x64xf32, #tpu.memory_space<vmem_shared>>)
      %lt3A = arith.constant 24 : i32
      %lt3A_169 = arith.cmpi slt, %scan3A_102, %lt3A : i32
      %convert_element_type3A_170 = arith.extui %lt3A_169 : i1 to i32
      %cond3A_171 = arith.constant 0 : i32
      %cond3A_172 = arith.cmpi ne, %convert_element_type3A_170, %cond3A_171 : i32
      scf.if %cond3A_172 {
        %add3A_215 = arith.constant 2 : i32
        %add3A_216 = arith.addi %add3A_161, %add3A_215 : i32
        %dma_start3A_217 = arith.constant 0 : i32
        %dma_start3A_218 = tpu.memref_slice %arg7[%add3A_216, %dma_start3A_217] : memref<100x104xi32, #tpu.memory_space<vmem>> -> memref<1x104xi32, #tpu.memory_space<vmem>>
        %dma_start3A_219 = tpu.memref_squeeze %dma_start3A_218 : memref<1x104xi32, #tpu.memory_space<vmem>> -> memref<104xi32, #tpu.memory_space<vmem>>
        %dma_start3A_220 = arith.constant 0 : i32
        %dma_start3A_221 = arith.constant 0 : i32
        %dma_start3A_222 = tpu.memref_slice %arg15[%dma_start3A_220, %dma_start3A_221] : memref<10000x64xf32, #tpu.memory_space<vmem_shared>> -> memref<10000x64xf32, #tpu.memory_space<vmem_shared>>
        tpu.enqueue_indirect_dma source(%dma_start3A_222 : memref<10000x64xf32, #tpu.memory_space<vmem_shared>>) target(%arg9 : memref<104x64xf32, #tpu.memory_space<vmem>>) offsets(%dma_start3A_219 : memref<104xi32, #tpu.memory_space<vmem>>) semaphore(%arg16 : memref<!tpu.dma_semaphore, #tpu.memory_space<semaphore_mem>>)
      } else {
      }
      %dma_wait3A_173 = arith.constant 0 : i32
      %dma_wait3A_174 = tpu.memref_slice %arg7[%add3A_161, %dma_wait3A_173] : memref<100x104xi32, #tpu.memory_space<vmem>> -> memref<1x104xi32, #tpu.memory_space<vmem>>
      %dma_wait3A_175 = tpu.memref_squeeze %dma_wait3A_174 : memref<1x104xi32, #tpu.memory_space<vmem>> -> memref<104xi32, #tpu.memory_space<vmem>>
      %dma_wait3A_176 = arith.constant 0 : i32
      %dma_wait3A_177 = arith.constant 0 : i32
      %dma_wait3A_178 = tpu.memref_slice %arg15[%dma_wait3A_176, %dma_wait3A_177] : memref<10000x64xf32, #tpu.memory_space<vmem_shared>> -> memref<10000x64xf32, #tpu.memory_space<vmem_shared>>
      tpu.wait_indirect_dma semaphore(%arg18 : memref<!tpu.dma_semaphore, #tpu.memory_space<semaphore_mem>>) src(%dma_wait3A_178 : memref<10000x64xf32, #tpu.memory_space<vmem_shared>>) dst(%arg11 : memref<104x64xf32, #tpu.memory_space<vmem>>)
      %dma_start3A_179 = arith.constant 0 : i32
      %dma_start3A_180 = tpu.memref_slice %arg8[%add3A_161, %dma_start3A_179] : memref<100x104xi32, #tpu.memory_space<vmem>> -> memref<1x104xi32, #tpu.memory_space<vmem>>
      %dma_start3A_181 = tpu.memref_squeeze %dma_start3A_180 : memref<1x104xi32, #tpu.memory_space<vmem>> -> memref<104xi32, #tpu.memory_space<vmem>>
      %dma_start3A_182 = arith.constant 0 : i32
      %dma_start3A_183 = arith.constant 0 : i32
      %dma_start3A_184 = tpu.memref_slice %arg14[%dma_start3A_182, %dma_start3A_183] : memref<10240x64xf32, #tpu.memory_space<vmem_shared>> -> memref<10240x64xf32, #tpu.memory_space<vmem_shared>>
      tpu.enqueue_indirect_dma source(%arg11 : memref<104x64xf32, #tpu.memory_space<vmem>>) target(%dma_start3A_184 : memref<10240x64xf32, #tpu.memory_space<vmem_shared>>) offsets(%dma_start3A_181 : memref<104xi32, #tpu.memory_space<vmem>>) semaphore(%arg22 : memref<!tpu.dma_semaphore, #tpu.memory_space<semaphore_mem>>) {add = true}
      %mul3A_185 = arith.constant 4 : i32
      %mul3A_186 = arith.muli %mul3A_185, %scan3A_102 : i32
      %add3A_187 = arith.constant 3 : i32
      %add3A_188 = arith.addi %mul3A_186, %add3A_187 : i32
      %sub3A_189 = arith.constant 2 : i32
      %sub3A_190 = arith.subi %add3A_188, %sub3A_189 : i32
      %dma_wait3A_191 = arith.constant 0 : i32
      %dma_wait3A_192 = tpu.memref_slice %arg8[%sub3A_190, %dma_wait3A_191] : memref<100x104xi32, #tpu.memory_space<vmem>> -> memref<1x104xi32, #tpu.memory_space<vmem>>
      %dma_wait3A_193 = tpu.memref_squeeze %dma_wait3A_192 : memref<1x104xi32, #tpu.memory_space<vmem>> -> memref<104xi32, #tpu.memory_space<vmem>>
      %dma_wait3A_194 = arith.constant 0 : i32
      %dma_wait3A_195 = arith.constant 0 : i32
      %dma_wait3A_196 = tpu.memref_slice %arg14[%dma_wait3A_194, %dma_wait3A_195] : memref<10240x64xf32, #tpu.memory_space<vmem_shared>> -> memref<10240x64xf32, #tpu.memory_space<vmem_shared>>
      tpu.wait_indirect_dma semaphore(%arg21 : memref<!tpu.dma_semaphore, #tpu.memory_space<semaphore_mem>>) src(%arg10 : memref<104x64xf32, #tpu.memory_space<vmem>>) dst(%dma_wait3A_196 : memref<10240x64xf32, #tpu.memory_space<vmem_shared>>)
      %lt3A_197 = arith.constant 24 : i32
      %lt3A_198 = arith.cmpi slt, %scan3A_102, %lt3A_197 : i32
      %convert_element_type3A_199 = arith.extui %lt3A_198 : i1 to i32
      %cond3A_200 = arith.constant 0 : i32
      %cond3A_201 = arith.cmpi ne, %convert_element_type3A_199, %cond3A_200 : i32
      scf.if %cond3A_201 {
        %add3A_215 = arith.constant 2 : i32
        %add3A_216 = arith.addi %add3A_188, %add3A_215 : i32
        %dma_start3A_217 = arith.constant 0 : i32
        %dma_start3A_218 = tpu.memref_slice %arg7[%add3A_216, %dma_start3A_217] : memref<100x104xi32, #tpu.memory_space<vmem>> -> memref<1x104xi32, #tpu.memory_space<vmem>>
        %dma_start3A_219 = tpu.memref_squeeze %dma_start3A_218 : memref<1x104xi32, #tpu.memory_space<vmem>> -> memref<104xi32, #tpu.memory_space<vmem>>
        %dma_start3A_220 = arith.constant 0 : i32
        %dma_start3A_221 = arith.constant 0 : i32
        %dma_start3A_222 = tpu.memref_slice %arg15[%dma_start3A_220, %dma_start3A_221] : memref<10000x64xf32, #tpu.memory_space<vmem_shared>> -> memref<10000x64xf32, #tpu.memory_space<vmem_shared>>
        tpu.enqueue_indirect_dma source(%dma_start3A_222 : memref<10000x64xf32, #tpu.memory_space<vmem_shared>>) target(%arg10 : memref<104x64xf32, #tpu.memory_space<vmem>>) offsets(%dma_start3A_219 : memref<104xi32, #tpu.memory_space<vmem>>) semaphore(%arg17 : memref<!tpu.dma_semaphore, #tpu.memory_space<semaphore_mem>>)
      } else {
      }
      %dma_wait3A_202 = arith.constant 0 : i32
      %dma_wait3A_203 = tpu.memref_slice %arg7[%add3A_188, %dma_wait3A_202] : memref<100x104xi32, #tpu.memory_space<vmem>> -> memref<1x104xi32, #tpu.memory_space<vmem>>
      %dma_wait3A_204 = tpu.memref_squeeze %dma_wait3A_203 : memref<1x104xi32, #tpu.memory_space<vmem>> -> memref<104xi32, #tpu.memory_space<vmem>>
      %dma_wait3A_205 = arith.constant 0 : i32
      %dma_wait3A_206 = arith.constant 0 : i32
      %dma_wait3A_207 = tpu.memref_slice %arg15[%dma_wait3A_205, %dma_wait3A_206] : memref<10000x64xf32, #tpu.memory_space<vmem_shared>> -> memref<10000x64xf32, #tpu.memory_space<vmem_shared>>
      tpu.wait_indirect_dma semaphore(%arg19 : memref<!tpu.dma_semaphore, #tpu.memory_space<semaphore_mem>>) src(%dma_wait3A_207 : memref<10000x64xf32, #tpu.memory_space<vmem_shared>>) dst(%arg12 : memref<104x64xf32, #tpu.memory_space<vmem>>)
      %dma_start3A_208 = arith.constant 0 : i32
      %dma_start3A_209 = tpu.memref_slice %arg8[%add3A_188, %dma_start3A_208] : memref<100x104xi32, #tpu.memory_space<vmem>> -> memref<1x104xi32, #tpu.memory_space<vmem>>
      %dma_start3A_210 = tpu.memref_squeeze %dma_start3A_209 : memref<1x104xi32, #tpu.memory_space<vmem>> -> memref<104xi32, #tpu.memory_space<vmem>>
      %dma_start3A_211 = arith.constant 0 : i32
      %dma_start3A_212 = arith.constant 0 : i32
      %dma_start3A_213 = tpu.memref_slice %arg14[%dma_start3A_211, %dma_start3A_212] : memref<10240x64xf32, #tpu.memory_space<vmem_shared>> -> memref<10240x64xf32, #tpu.memory_space<vmem_shared>>
      tpu.enqueue_indirect_dma source(%arg12 : memref<104x64xf32, #tpu.memory_space<vmem>>) target(%dma_start3A_213 : memref<10240x64xf32, #tpu.memory_space<vmem_shared>>) offsets(%dma_start3A_210 : memref<104xi32, #tpu.memory_space<vmem>>) semaphore(%arg23 : memref<!tpu.dma_semaphore, #tpu.memory_space<semaphore_mem>>) {add = true}
      %scan3A_214 = arith.constant 0 : i32
      scf.yield %scan3A_214 : i32
    }
    %scan3A_38 = arith.constant 25 : i32
    %dma_wait3A = arith.constant 98 : i32
    %dma_wait3A_39 = arith.constant 0 : i32
    %dma_wait3A_40 = tpu.memref_slice %arg8[%dma_wait3A, %dma_wait3A_39] : memref<100x104xi32, #tpu.memory_space<vmem>> -> memref<1x104xi32, #tpu.memory_space<vmem>>
    %dma_wait3A_41 = tpu.memref_squeeze %dma_wait3A_40 : memref<1x104xi32, #tpu.memory_space<vmem>> -> memref<104xi32, #tpu.memory_space<vmem>>
    %dma_wait3A_42 = arith.constant 0 : i32
    %dma_wait3A_43 = arith.constant 0 : i32
    %dma_wait3A_44 = tpu.memref_slice %arg14[%dma_wait3A_42, %dma_wait3A_43] : memref<10240x64xf32, #tpu.memory_space<vmem_shared>> -> memref<10240x64xf32, #tpu.memory_space<vmem_shared>>
    tpu.wait_indirect_dma semaphore(%arg22 : memref<!tpu.dma_semaphore, #tpu.memory_space<semaphore_mem>>) src(%arg11 : memref<104x64xf32, #tpu.memory_space<vmem>>) dst(%dma_wait3A_44 : memref<10240x64xf32, #tpu.memory_space<vmem_shared>>)
    %dma_wait3A_45 = arith.constant 99 : i32
    %dma_wait3A_46 = arith.constant 0 : i32
    %dma_wait3A_47 = tpu.memref_slice %arg8[%dma_wait3A_45, %dma_wait3A_46] : memref<100x104xi32, #tpu.memory_space<vmem>> -> memref<1x104xi32, #tpu.memory_space<vmem>>
    %dma_wait3A_48 = tpu.memref_squeeze %dma_wait3A_47 : memref<1x104xi32, #tpu.memory_space<vmem>> -> memref<104xi32, #tpu.memory_space<vmem>>
    %dma_wait3A_49 = arith.constant 0 : i32
    %dma_wait3A_50 = arith.constant 0 : i32
    %dma_wait3A_51 = tpu.memref_slice %arg14[%dma_wait3A_49, %dma_wait3A_50] : memref<10240x64xf32, #tpu.memory_space<vmem_shared>> -> memref<10240x64xf32, #tpu.memory_space<vmem_shared>>
    tpu.wait_indirect_dma semaphore(%arg23 : memref<!tpu.dma_semaphore, #tpu.memory_space<semaphore_mem>>) src(%arg12 : memref<104x64xf32, #tpu.memory_space<vmem>>) dst(%dma_wait3A_51 : memref<10240x64xf32, #tpu.memory_space<vmem_shared>>)
    %barrier3A_52 = arith.constant 0 : index
    tpu.barrier barrier_id(%barrier3A_52)
    %run_scoped3A = arith.constant 0 : i32
    "tpu.region"() ({
      %run_scoped3A_102 = tpu.sem_alloc : memref<!tpu.dma_semaphore, #tpu.memory_space<semaphore_mem>>
      %dma_start3A_103 = arith.constant 0 : i32
      %dma_start3A_104 = tpu.memref_slice %arg6[%arg0, %run_scoped3A, %mul3A_7, %dma_start3A_103] : memref<2x2x10240x64xf32, #tpu.memory_space<hbm>> -> memref<1x1x640x64xf32, #tpu.memory_space<hbm>>
      %dma_start3A_105 = tpu.memref_squeeze %dma_start3A_104 : memref<1x1x640x64xf32, #tpu.memory_space<hbm>> -> memref<640x64xf32, #tpu.memory_space<hbm>>
      %dma_start3A_106 = arith.constant 0 : i32
      %dma_start3A_107 = tpu.memref_slice %arg14[%mul3A_7, %dma_start3A_106] : memref<10240x64xf32, #tpu.memory_space<vmem_shared>> -> memref<640x64xf32, #tpu.memory_space<vmem_shared>>
      tpu.enqueue_dma source(%dma_start3A_107 : memref<640x64xf32, #tpu.memory_space<vmem_shared>>) target(%dma_start3A_105 : memref<640x64xf32, #tpu.memory_space<hbm>>) target_semaphore(%run_scoped3A_102 : memref<!tpu.dma_semaphore, #tpu.memory_space<semaphore_mem>>)
      %dma_wait3A_108 = arith.constant 0 : i32
      %dma_wait3A_109 = tpu.memref_slice %arg6[%arg0, %run_scoped3A, %mul3A_7, %dma_wait3A_108] : memref<2x2x10240x64xf32, #tpu.memory_space<hbm>> -> memref<1x1x640x64xf32, #tpu.memory_space<hbm>>
      %dma_wait3A_110 = tpu.memref_squeeze %dma_wait3A_109 : memref<1x1x640x64xf32, #tpu.memory_space<hbm>> -> memref<640x64xf32, #tpu.memory_space<hbm>>
      %dma_wait3A_111 = arith.constant 0 : i32
      %dma_wait3A_112 = tpu.memref_slice %arg14[%mul3A_7, %dma_wait3A_111] : memref<10240x64xf32, #tpu.memory_space<vmem_shared>> -> memref<640x64xf32, #tpu.memory_space<vmem_shared>>
      tpu.wait_dma2 semaphore(%run_scoped3A_102 : memref<!tpu.dma_semaphore, #tpu.memory_space<semaphore_mem>>) src(%dma_wait3A_112 : memref<640x64xf32, #tpu.memory_space<vmem_shared>>) dst(%dma_wait3A_110 : memref<640x64xf32, #tpu.memory_space<hbm>>)
      tpu.yield
    }) : () -> ()
    %mul3A_53 = arith.constant 625 : i32
    %mul3A_54 = arith.muli %arg1, %mul3A_53 : i32
    %mul3A_55 = arith.constant 625 : i32
    %mul3A_56 = arith.muli %arg1, %mul3A_55 : i32
    "tpu.region"() ({
      %run_scoped3A_102 = tpu.sem_alloc : memref<!tpu.dma_semaphore, #tpu.memory_space<semaphore_mem>>
      %dma_start3A_103 = arith.constant 0 : i32
      %dma_start3A_104 = tpu.memref_slice %arg15[%mul3A_56, %dma_start3A_103] : memref<10000x64xf32, #tpu.memory_space<vmem_shared>> -> memref<625x64xf32, #tpu.memory_space<vmem_shared>>
      %dma_start3A_105 = arith.constant 0 : i32
      %dma_start3A_106 = tpu.memref_slice %arg3[%mul3A_54, %dma_start3A_105] : memref<10240x64xf32, #tpu.memory_space<hbm>> -> memref<625x64xf32, #tpu.memory_space<hbm>>
      tpu.enqueue_dma source(%dma_start3A_106 : memref<625x64xf32, #tpu.memory_space<hbm>>) target(%dma_start3A_104 : memref<625x64xf32, #tpu.memory_space<vmem_shared>>) target_semaphore(%run_scoped3A_102 : memref<!tpu.dma_semaphore, #tpu.memory_space<semaphore_mem>>)
      %dma_wait3A_107 = arith.constant 0 : i32
      %dma_wait3A_108 = tpu.memref_slice %arg15[%mul3A_56, %dma_wait3A_107] : memref<10000x64xf32, #tpu.memory_space<vmem_shared>> -> memref<625x64xf32, #tpu.memory_space<vmem_shared>>
      %dma_wait3A_109 = arith.constant 0 : i32
      %dma_wait3A_110 = tpu.memref_slice %arg3[%mul3A_54, %dma_wait3A_109] : memref<10240x64xf32, #tpu.memory_space<hbm>> -> memref<625x64xf32, #tpu.memory_space<hbm>>
      tpu.wait_dma2 semaphore(%run_scoped3A_102 : memref<!tpu.dma_semaphore, #tpu.memory_space<semaphore_mem>>) src(%dma_wait3A_110 : memref<625x64xf32, #tpu.memory_space<hbm>>) dst(%dma_wait3A_108 : memref<625x64xf32, #tpu.memory_space<vmem_shared>>)
      tpu.yield
    }) : () -> ()
    %scan3A_57 = arith.constant 0 : i32
    %scan3A_58 = arith.constant 0 : i32
    %scan3A_59 = arith.constant 20 : i32
    %scan3A_60 = arith.addi %scan3A_58, %scan3A_59 : i32
    %scan3A_61 = arith.constant 1 : i32
    %scan3A_62 = scf.for %scan3A_102 = %scan3A_58 to %scan3A_60 step %scan3A_61 iter_args(%scan3A_103 = %scan3A_57) -> (i32)  : i32 {
      %mul3A_104 = arith.constant 32 : i32
      %mul3A_105 = arith.muli %scan3A_102, %mul3A_104 : i32
      %add3A = arith.addi %mul3A_7, %mul3A_105 : i32
      "tpu.region"() ({
        %run_scoped3A_107 = tpu.sem_alloc : memref<!tpu.dma_semaphore, #tpu.memory_space<semaphore_mem>>
        %dma_start3A_108 = arith.constant 0 : i32
        %dma_start3A_109 = tpu.memref_slice %arg14[%add3A, %dma_start3A_108] : memref<10240x64xf32, #tpu.memory_space<vmem_shared>> -> memref<32x64xf32, #tpu.memory_space<vmem_shared>>
        %dma_start3A_110 = arith.constant 0 : i32
        %dma_start3A_111 = tpu.memref_slice %arg14[%add3A, %dma_start3A_110] : memref<10240x64xf32, #tpu.memory_space<vmem_shared>> -> memref<32x64xf32, #tpu.memory_space<vmem_shared>>
        tpu.enqueue_dma source(%arg13 : memref<32x64xf32, #tpu.memory_space<vmem>>) target(%dma_start3A_111 : memref<32x64xf32, #tpu.memory_space<vmem_shared>>) target_semaphore(%run_scoped3A_107 : memref<!tpu.dma_semaphore, #tpu.memory_space<semaphore_mem>>)
        %dma_wait3A_112 = arith.constant 0 : i32
        %dma_wait3A_113 = tpu.memref_slice %arg14[%add3A, %dma_wait3A_112] : memref<10240x64xf32, #tpu.memory_space<vmem_shared>> -> memref<32x64xf32, #tpu.memory_space<vmem_shared>>
        %dma_wait3A_114 = arith.constant 0 : i32
        %dma_wait3A_115 = tpu.memref_slice %arg14[%add3A, %dma_wait3A_114] : memref<10240x64xf32, #tpu.memory_space<vmem_shared>> -> memref<32x64xf32, #tpu.memory_space<vmem_shared>>
        tpu.wait_dma2 semaphore(%run_scoped3A_107 : memref<!tpu.dma_semaphore, #tpu.memory_space<semaphore_mem>>) src(%arg13 : memref<32x64xf32, #tpu.memory_space<vmem>>) dst(%dma_wait3A_115 : memref<32x64xf32, #tpu.memory_space<vmem_shared>>)
        tpu.yield
      }) : () -> ()
      %scan3A_106 = arith.constant 0 : i32
      scf.yield %scan3A_106 : i32
    }
    %scan3A_63 = arith.constant 20 : i32
    %barrier3A_64 = arith.constant 0 : index
    tpu.barrier barrier_id(%barrier3A_64)
    %dma_start3A_65 = arith.constant 0 : i32
    %dma_start3A_66 = arith.constant 0 : i32
    %dma_start3A_67 = tpu.memref_slice %arg7[%dma_start3A_65, %dma_start3A_66] : memref<100x104xi32, #tpu.memory_space<vmem>> -> memref<1x104xi32, #tpu.memory_space<vmem>>
    %dma_start3A_68 = tpu.memref_squeeze %dma_start3A_67 : memref<1x104xi32, #tpu.memory_space<vmem>> -> memref<104xi32, #tpu.memory_space<vmem>>
    %dma_start3A_69 = arith.constant 0 : i32
    %dma_start3A_70 = arith.constant 0 : i32
    %dma_start3A_71 = tpu.memref_slice %arg15[%dma_start3A_69, %dma_start3A_70] : memref<10000x64xf32, #tpu.memory_space<vmem_shared>> -> memref<10000x64xf32, #tpu.memory_space<vmem_shared>>
    tpu.enqueue_indirect_dma source(%dma_start3A_71 : memref<10000x64xf32, #tpu.memory_space<vmem_shared>>) target(%arg9 : memref<104x64xf32, #tpu.memory_space<vmem>>) offsets(%dma_start3A_68 : memref<104xi32, #tpu.memory_space<vmem>>) semaphore(%arg16 : memref<!tpu.dma_semaphore, #tpu.memory_space<semaphore_mem>>)
    %dma_start3A_72 = arith.constant 1 : i32
    %dma_start3A_73 = arith.constant 0 : i32
    %dma_start3A_74 = tpu.memref_slice %arg7[%dma_start3A_72, %dma_start3A_73] : memref<100x104xi32, #tpu.memory_space<vmem>> -> memref<1x104xi32, #tpu.memory_space<vmem>>
    %dma_start3A_75 = tpu.memref_squeeze %dma_start3A_74 : memref<1x104xi32, #tpu.memory_space<vmem>> -> memref<104xi32, #tpu.memory_space<vmem>>
    %dma_start3A_76 = arith.constant 0 : i32
    %dma_start3A_77 = arith.constant 0 : i32
    %dma_start3A_78 = tpu.memref_slice %arg15[%dma_start3A_76, %dma_start3A_77] : memref<10000x64xf32, #tpu.memory_space<vmem_shared>> -> memref<10000x64xf32, #tpu.memory_space<vmem_shared>>
    tpu.enqueue_indirect_dma source(%dma_start3A_78 : memref<10000x64xf32, #tpu.memory_space<vmem_shared>>) target(%arg10 : memref<104x64xf32, #tpu.memory_space<vmem>>) offsets(%dma_start3A_75 : memref<104xi32, #tpu.memory_space<vmem>>) semaphore(%arg17 : memref<!tpu.dma_semaphore, #tpu.memory_space<semaphore_mem>>)
    %scan3A_79 = arith.constant 0 : i32
    %scan3A_80 = arith.constant 0 : i32
    %scan3A_81 = arith.constant 25 : i32
    %scan3A_82 = arith.addi %scan3A_80, %scan3A_81 : i32
    %scan3A_83 = arith.constant 1 : i32
    %scan3A_84 = scf.for %scan3A_102 = %scan3A_80 to %scan3A_82 step %scan3A_83 iter_args(%scan3A_103 = %scan3A_79) -> (i32)  : i32 {
      %mul3A_104 = arith.constant 4 : i32
      %mul3A_105 = arith.muli %mul3A_104, %scan3A_102 : i32
      %add3A = arith.constant 0 : i32
      %add3A_106 = arith.addi %mul3A_105, %add3A : i32
      %gt3A = arith.constant 0 : i32
      %gt3A_107 = arith.cmpi sgt, %scan3A_102, %gt3A : i32
      %convert_element_type3A = arith.extui %gt3A_107 : i1 to i32
      %cond3A = arith.constant 0 : i32
      %cond3A_108 = arith.cmpi ne, %convert_element_type3A, %cond3A : i32
      scf.if %cond3A_108 {
        %sub3A_215 = arith.constant 2 : i32
        %sub3A_216 = arith.subi %add3A_106, %sub3A_215 : i32
        %dma_wait3A_217 = arith.constant 0 : i32
        %dma_wait3A_218 = tpu.memref_slice %arg8[%sub3A_216, %dma_wait3A_217] : memref<100x104xi32, #tpu.memory_space<vmem>> -> memref<1x104xi32, #tpu.memory_space<vmem>>
        %dma_wait3A_219 = tpu.memref_squeeze %dma_wait3A_218 : memref<1x104xi32, #tpu.memory_space<vmem>> -> memref<104xi32, #tpu.memory_space<vmem>>
        %dma_wait3A_220 = arith.constant 0 : i32
        %dma_wait3A_221 = arith.constant 0 : i32
        %dma_wait3A_222 = tpu.memref_slice %arg14[%dma_wait3A_220, %dma_wait3A_221] : memref<10240x64xf32, #tpu.memory_space<vmem_shared>> -> memref<10240x64xf32, #tpu.memory_space<vmem_shared>>
        tpu.wait_indirect_dma semaphore(%arg22 : memref<!tpu.dma_semaphore, #tpu.memory_space<semaphore_mem>>) src(%arg11 : memref<104x64xf32, #tpu.memory_space<vmem>>) dst(%dma_wait3A_222 : memref<10240x64xf32, #tpu.memory_space<vmem_shared>>)
      } else {
      }
      %add3A_109 = arith.constant 2 : i32
      %add3A_110 = arith.addi %add3A_106, %add3A_109 : i32
      %dma_start3A_111 = arith.constant 0 : i32
      %dma_start3A_112 = tpu.memref_slice %arg7[%add3A_110, %dma_start3A_111] : memref<100x104xi32, #tpu.memory_space<vmem>> -> memref<1x104xi32, #tpu.memory_space<vmem>>
      %dma_start3A_113 = tpu.memref_squeeze %dma_start3A_112 : memref<1x104xi32, #tpu.memory_space<vmem>> -> memref<104xi32, #tpu.memory_space<vmem>>
      %dma_start3A_114 = arith.constant 0 : i32
      %dma_start3A_115 = arith.constant 0 : i32
      %dma_start3A_116 = tpu.memref_slice %arg15[%dma_start3A_114, %dma_start3A_115] : memref<10000x64xf32, #tpu.memory_space<vmem_shared>> -> memref<10000x64xf32, #tpu.memory_space<vmem_shared>>
      tpu.enqueue_indirect_dma source(%dma_start3A_116 : memref<10000x64xf32, #tpu.memory_space<vmem_shared>>) target(%arg11 : memref<104x64xf32, #tpu.memory_space<vmem>>) offsets(%dma_start3A_113 : memref<104xi32, #tpu.memory_space<vmem>>) semaphore(%arg18 : memref<!tpu.dma_semaphore, #tpu.memory_space<semaphore_mem>>)
      %dma_wait3A_117 = arith.constant 0 : i32
      %dma_wait3A_118 = tpu.memref_slice %arg7[%add3A_106, %dma_wait3A_117] : memref<100x104xi32, #tpu.memory_space<vmem>> -> memref<1x104xi32, #tpu.memory_space<vmem>>
      %dma_wait3A_119 = tpu.memref_squeeze %dma_wait3A_118 : memref<1x104xi32, #tpu.memory_space<vmem>> -> memref<104xi32, #tpu.memory_space<vmem>>
      %dma_wait3A_120 = arith.constant 0 : i32
      %dma_wait3A_121 = arith.constant 0 : i32
      %dma_wait3A_122 = tpu.memref_slice %arg15[%dma_wait3A_120, %dma_wait3A_121] : memref<10000x64xf32, #tpu.memory_space<vmem_shared>> -> memref<10000x64xf32, #tpu.memory_space<vmem_shared>>
      tpu.wait_indirect_dma semaphore(%arg16 : memref<!tpu.dma_semaphore, #tpu.memory_space<semaphore_mem>>) src(%dma_wait3A_122 : memref<10000x64xf32, #tpu.memory_space<vmem_shared>>) dst(%arg9 : memref<104x64xf32, #tpu.memory_space<vmem>>)
      %dma_start3A_123 = arith.constant 0 : i32
      %dma_start3A_124 = tpu.memref_slice %arg8[%add3A_106, %dma_start3A_123] : memref<100x104xi32, #tpu.memory_space<vmem>> -> memref<1x104xi32, #tpu.memory_space<vmem>>
      %dma_start3A_125 = tpu.memref_squeeze %dma_start3A_124 : memref<1x104xi32, #tpu.memory_space<vmem>> -> memref<104xi32, #tpu.memory_space<vmem>>
      %dma_start3A_126 = arith.constant 0 : i32
      %dma_start3A_127 = arith.constant 0 : i32
      %dma_start3A_128 = tpu.memref_slice %arg14[%dma_start3A_126, %dma_start3A_127] : memref<10240x64xf32, #tpu.memory_space<vmem_shared>> -> memref<10240x64xf32, #tpu.memory_space<vmem_shared>>
      tpu.enqueue_indirect_dma source(%arg9 : memref<104x64xf32, #tpu.memory_space<vmem>>) target(%dma_start3A_128 : memref<10240x64xf32, #tpu.memory_space<vmem_shared>>) offsets(%dma_start3A_125 : memref<104xi32, #tpu.memory_space<vmem>>) semaphore(%arg20 : memref<!tpu.dma_semaphore, #tpu.memory_space<semaphore_mem>>) {add = true}
      %mul3A_129 = arith.constant 4 : i32
      %mul3A_130 = arith.muli %mul3A_129, %scan3A_102 : i32
      %add3A_131 = arith.constant 1 : i32
      %add3A_132 = arith.addi %mul3A_130, %add3A_131 : i32
      %gt3A_133 = arith.constant 0 : i32
      %gt3A_134 = arith.cmpi sgt, %scan3A_102, %gt3A_133 : i32
      %convert_element_type3A_135 = arith.extui %gt3A_134 : i1 to i32
      %cond3A_136 = arith.constant 0 : i32
      %cond3A_137 = arith.cmpi ne, %convert_element_type3A_135, %cond3A_136 : i32
      scf.if %cond3A_137 {
        %sub3A_215 = arith.constant 2 : i32
        %sub3A_216 = arith.subi %add3A_132, %sub3A_215 : i32
        %dma_wait3A_217 = arith.constant 0 : i32
        %dma_wait3A_218 = tpu.memref_slice %arg8[%sub3A_216, %dma_wait3A_217] : memref<100x104xi32, #tpu.memory_space<vmem>> -> memref<1x104xi32, #tpu.memory_space<vmem>>
        %dma_wait3A_219 = tpu.memref_squeeze %dma_wait3A_218 : memref<1x104xi32, #tpu.memory_space<vmem>> -> memref<104xi32, #tpu.memory_space<vmem>>
        %dma_wait3A_220 = arith.constant 0 : i32
        %dma_wait3A_221 = arith.constant 0 : i32
        %dma_wait3A_222 = tpu.memref_slice %arg14[%dma_wait3A_220, %dma_wait3A_221] : memref<10240x64xf32, #tpu.memory_space<vmem_shared>> -> memref<10240x64xf32, #tpu.memory_space<vmem_shared>>
        tpu.wait_indirect_dma semaphore(%arg23 : memref<!tpu.dma_semaphore, #tpu.memory_space<semaphore_mem>>) src(%arg12 : memref<104x64xf32, #tpu.memory_space<vmem>>) dst(%dma_wait3A_222 : memref<10240x64xf32, #tpu.memory_space<vmem_shared>>)
      } else {
      }
      %add3A_138 = arith.constant 2 : i32
      %add3A_139 = arith.addi %add3A_132, %add3A_138 : i32
      %dma_start3A_140 = arith.constant 0 : i32
      %dma_start3A_141 = tpu.memref_slice %arg7[%add3A_139, %dma_start3A_140] : memref<100x104xi32, #tpu.memory_space<vmem>> -> memref<1x104xi32, #tpu.memory_space<vmem>>
      %dma_start3A_142 = tpu.memref_squeeze %dma_start3A_141 : memref<1x104xi32, #tpu.memory_space<vmem>> -> memref<104xi32, #tpu.memory_space<vmem>>
      %dma_start3A_143 = arith.constant 0 : i32
      %dma_start3A_144 = arith.constant 0 : i32
      %dma_start3A_145 = tpu.memref_slice %arg15[%dma_start3A_143, %dma_start3A_144] : memref<10000x64xf32, #tpu.memory_space<vmem_shared>> -> memref<10000x64xf32, #tpu.memory_space<vmem_shared>>
      tpu.enqueue_indirect_dma source(%dma_start3A_145 : memref<10000x64xf32, #tpu.memory_space<vmem_shared>>) target(%arg12 : memref<104x64xf32, #tpu.memory_space<vmem>>) offsets(%dma_start3A_142 : memref<104xi32, #tpu.memory_space<vmem>>) semaphore(%arg19 : memref<!tpu.dma_semaphore, #tpu.memory_space<semaphore_mem>>)
      %dma_wait3A_146 = arith.constant 0 : i32
      %dma_wait3A_147 = tpu.memref_slice %arg7[%add3A_132, %dma_wait3A_146] : memref<100x104xi32, #tpu.memory_space<vmem>> -> memref<1x104xi32, #tpu.memory_space<vmem>>
      %dma_wait3A_148 = tpu.memref_squeeze %dma_wait3A_147 : memref<1x104xi32, #tpu.memory_space<vmem>> -> memref<104xi32, #tpu.memory_space<vmem>>
      %dma_wait3A_149 = arith.constant 0 : i32
      %dma_wait3A_150 = arith.constant 0 : i32
      %dma_wait3A_151 = tpu.memref_slice %arg15[%dma_wait3A_149, %dma_wait3A_150] : memref<10000x64xf32, #tpu.memory_space<vmem_shared>> -> memref<10000x64xf32, #tpu.memory_space<vmem_shared>>
      tpu.wait_indirect_dma semaphore(%arg17 : memref<!tpu.dma_semaphore, #tpu.memory_space<semaphore_mem>>) src(%dma_wait3A_151 : memref<10000x64xf32, #tpu.memory_space<vmem_shared>>) dst(%arg10 : memref<104x64xf32, #tpu.memory_space<vmem>>)
      %dma_start3A_152 = arith.constant 0 : i32
      %dma_start3A_153 = tpu.memref_slice %arg8[%add3A_132, %dma_start3A_152] : memref<100x104xi32, #tpu.memory_space<vmem>> -> memref<1x104xi32, #tpu.memory_space<vmem>>
      %dma_start3A_154 = tpu.memref_squeeze %dma_start3A_153 : memref<1x104xi32, #tpu.memory_space<vmem>> -> memref<104xi32, #tpu.memory_space<vmem>>
      %dma_start3A_155 = arith.constant 0 : i32
      %dma_start3A_156 = arith.constant 0 : i32
      %dma_start3A_157 = tpu.memref_slice %arg14[%dma_start3A_155, %dma_start3A_156] : memref<10240x64xf32, #tpu.memory_space<vmem_shared>> -> memref<10240x64xf32, #tpu.memory_space<vmem_shared>>
      tpu.enqueue_indirect_dma source(%arg10 : memref<104x64xf32, #tpu.memory_space<vmem>>) target(%dma_start3A_157 : memref<10240x64xf32, #tpu.memory_space<vmem_shared>>) offsets(%dma_start3A_154 : memref<104xi32, #tpu.memory_space<vmem>>) semaphore(%arg21 : memref<!tpu.dma_semaphore, #tpu.memory_space<semaphore_mem>>) {add = true}
      %mul3A_158 = arith.constant 4 : i32
      %mul3A_159 = arith.muli %mul3A_158, %scan3A_102 : i32
      %add3A_160 = arith.constant 2 : i32
      %add3A_161 = arith.addi %mul3A_159, %add3A_160 : i32
      %sub3A = arith.constant 2 : i32
      %sub3A_162 = arith.subi %add3A_161, %sub3A : i32
      %dma_wait3A_163 = arith.constant 0 : i32
      %dma_wait3A_164 = tpu.memref_slice %arg8[%sub3A_162, %dma_wait3A_163] : memref<100x104xi32, #tpu.memory_space<vmem>> -> memref<1x104xi32, #tpu.memory_space<vmem>>
      %dma_wait3A_165 = tpu.memref_squeeze %dma_wait3A_164 : memref<1x104xi32, #tpu.memory_space<vmem>> -> memref<104xi32, #tpu.memory_space<vmem>>
      %dma_wait3A_166 = arith.constant 0 : i32
      %dma_wait3A_167 = arith.constant 0 : i32
      %dma_wait3A_168 = tpu.memref_slice %arg14[%dma_wait3A_166, %dma_wait3A_167] : memref<10240x64xf32, #tpu.memory_space<vmem_shared>> -> memref<10240x64xf32, #tpu.memory_space<vmem_shared>>
      tpu.wait_indirect_dma semaphore(%arg20 : memref<!tpu.dma_semaphore, #tpu.memory_space<semaphore_mem>>) src(%arg9 : memref<104x64xf32, #tpu.memory_space<vmem>>) dst(%dma_wait3A_168 : memref<10240x64xf32, #tpu.memory_space<vmem_shared>>)
      %lt3A = arith.constant 24 : i32
      %lt3A_169 = arith.cmpi slt, %scan3A_102, %lt3A : i32
      %convert_element_type3A_170 = arith.extui %lt3A_169 : i1 to i32
      %cond3A_171 = arith.constant 0 : i32
      %cond3A_172 = arith.cmpi ne, %convert_element_type3A_170, %cond3A_171 : i32
      scf.if %cond3A_172 {
        %add3A_215 = arith.constant 2 : i32
        %add3A_216 = arith.addi %add3A_161, %add3A_215 : i32
        %dma_start3A_217 = arith.constant 0 : i32
        %dma_start3A_218 = tpu.memref_slice %arg7[%add3A_216, %dma_start3A_217] : memref<100x104xi32, #tpu.memory_space<vmem>> -> memref<1x104xi32, #tpu.memory_space<vmem>>
        %dma_start3A_219 = tpu.memref_squeeze %dma_start3A_218 : memref<1x104xi32, #tpu.memory_space<vmem>> -> memref<104xi32, #tpu.memory_space<vmem>>
        %dma_start3A_220 = arith.constant 0 : i32
        %dma_start3A_221 = arith.constant 0 : i32
        %dma_start3A_222 = tpu.memref_slice %arg15[%dma_start3A_220, %dma_start3A_221] : memref<10000x64xf32, #tpu.memory_space<vmem_shared>> -> memref<10000x64xf32, #tpu.memory_space<vmem_shared>>
        tpu.enqueue_indirect_dma source(%dma_start3A_222 : memref<10000x64xf32, #tpu.memory_space<vmem_shared>>) target(%arg9 : memref<104x64xf32, #tpu.memory_space<vmem>>) offsets(%dma_start3A_219 : memref<104xi32, #tpu.memory_space<vmem>>) semaphore(%arg16 : memref<!tpu.dma_semaphore, #tpu.memory_space<semaphore_mem>>)
      } else {
      }
      %dma_wait3A_173 = arith.constant 0 : i32
      %dma_wait3A_174 = tpu.memref_slice %arg7[%add3A_161, %dma_wait3A_173] : memref<100x104xi32, #tpu.memory_space<vmem>> -> memref<1x104xi32, #tpu.memory_space<vmem>>
      %dma_wait3A_175 = tpu.memref_squeeze %dma_wait3A_174 : memref<1x104xi32, #tpu.memory_space<vmem>> -> memref<104xi32, #tpu.memory_space<vmem>>
      %dma_wait3A_176 = arith.constant 0 : i32
      %dma_wait3A_177 = arith.constant 0 : i32
      %dma_wait3A_178 = tpu.memref_slice %arg15[%dma_wait3A_176, %dma_wait3A_177] : memref<10000x64xf32, #tpu.memory_space<vmem_shared>> -> memref<10000x64xf32, #tpu.memory_space<vmem_shared>>
      tpu.wait_indirect_dma semaphore(%arg18 : memref<!tpu.dma_semaphore, #tpu.memory_space<semaphore_mem>>) src(%dma_wait3A_178 : memref<10000x64xf32, #tpu.memory_space<vmem_shared>>) dst(%arg11 : memref<104x64xf32, #tpu.memory_space<vmem>>)
      %dma_start3A_179 = arith.constant 0 : i32
      %dma_start3A_180 = tpu.memref_slice %arg8[%add3A_161, %dma_start3A_179] : memref<100x104xi32, #tpu.memory_space<vmem>> -> memref<1x104xi32, #tpu.memory_space<vmem>>
      %dma_start3A_181 = tpu.memref_squeeze %dma_start3A_180 : memref<1x104xi32, #tpu.memory_space<vmem>> -> memref<104xi32, #tpu.memory_space<vmem>>
      %dma_start3A_182 = arith.constant 0 : i32
      %dma_start3A_183 = arith.constant 0 : i32
      %dma_start3A_184 = tpu.memref_slice %arg14[%dma_start3A_182, %dma_start3A_183] : memref<10240x64xf32, #tpu.memory_space<vmem_shared>> -> memref<10240x64xf32, #tpu.memory_space<vmem_shared>>
      tpu.enqueue_indirect_dma source(%arg11 : memref<104x64xf32, #tpu.memory_space<vmem>>) target(%dma_start3A_184 : memref<10240x64xf32, #tpu.memory_space<vmem_shared>>) offsets(%dma_start3A_181 : memref<104xi32, #tpu.memory_space<vmem>>) semaphore(%arg22 : memref<!tpu.dma_semaphore, #tpu.memory_space<semaphore_mem>>) {add = true}
      %mul3A_185 = arith.constant 4 : i32
      %mul3A_186 = arith.muli %mul3A_185, %scan3A_102 : i32
      %add3A_187 = arith.constant 3 : i32
      %add3A_188 = arith.addi %mul3A_186, %add3A_187 : i32
      %sub3A_189 = arith.constant 2 : i32
      %sub3A_190 = arith.subi %add3A_188, %sub3A_189 : i32
      %dma_wait3A_191 = arith.constant 0 : i32
      %dma_wait3A_192 = tpu.memref_slice %arg8[%sub3A_190, %dma_wait3A_191] : memref<100x104xi32, #tpu.memory_space<vmem>> -> memref<1x104xi32, #tpu.memory_space<vmem>>
      %dma_wait3A_193 = tpu.memref_squeeze %dma_wait3A_192 : memref<1x104xi32, #tpu.memory_space<vmem>> -> memref<104xi32, #tpu.memory_space<vmem>>
      %dma_wait3A_194 = arith.constant 0 : i32
      %dma_wait3A_195 = arith.constant 0 : i32
      %dma_wait3A_196 = tpu.memref_slice %arg14[%dma_wait3A_194, %dma_wait3A_195] : memref<10240x64xf32, #tpu.memory_space<vmem_shared>> -> memref<10240x64xf32, #tpu.memory_space<vmem_shared>>
      tpu.wait_indirect_dma semaphore(%arg21 : memref<!tpu.dma_semaphore, #tpu.memory_space<semaphore_mem>>) src(%arg10 : memref<104x64xf32, #tpu.memory_space<vmem>>) dst(%dma_wait3A_196 : memref<10240x64xf32, #tpu.memory_space<vmem_shared>>)
      %lt3A_197 = arith.constant 24 : i32
      %lt3A_198 = arith.cmpi slt, %scan3A_102, %lt3A_197 : i32
      %convert_element_type3A_199 = arith.extui %lt3A_198 : i1 to i32
      %cond3A_200 = arith.constant 0 : i32
      %cond3A_201 = arith.cmpi ne, %convert_element_type3A_199, %cond3A_200 : i32
      scf.if %cond3A_201 {
        %add3A_215 = arith.constant 2 : i32
        %add3A_216 = arith.addi %add3A_188, %add3A_215 : i32
        %dma_start3A_217 = arith.constant 0 : i32
        %dma_start3A_218 = tpu.memref_slice %arg7[%add3A_216, %dma_start3A_217] : memref<100x104xi32, #tpu.memory_space<vmem>> -> memref<1x104xi32, #tpu.memory_space<vmem>>
        %dma_start3A_219 = tpu.memref_squeeze %dma_start3A_218 : memref<1x104xi32, #tpu.memory_space<vmem>> -> memref<104xi32, #tpu.memory_space<vmem>>
        %dma_start3A_220 = arith.constant 0 : i32
        %dma_start3A_221 = arith.constant 0 : i32
        %dma_start3A_222 = tpu.memref_slice %arg15[%dma_start3A_220, %dma_start3A_221] : memref<10000x64xf32, #tpu.memory_space<vmem_shared>> -> memref<10000x64xf32, #tpu.memory_space<vmem_shared>>
        tpu.enqueue_indirect_dma source(%dma_start3A_222 : memref<10000x64xf32, #tpu.memory_space<vmem_shared>>) target(%arg10 : memref<104x64xf32, #tpu.memory_space<vmem>>) offsets(%dma_start3A_219 : memref<104xi32, #tpu.memory_space<vmem>>) semaphore(%arg17 : memref<!tpu.dma_semaphore, #tpu.memory_space<semaphore_mem>>)
      } else {
      }
      %dma_wait3A_202 = arith.constant 0 : i32
      %dma_wait3A_203 = tpu.memref_slice %arg7[%add3A_188, %dma_wait3A_202] : memref<100x104xi32, #tpu.memory_space<vmem>> -> memref<1x104xi32, #tpu.memory_space<vmem>>
      %dma_wait3A_204 = tpu.memref_squeeze %dma_wait3A_203 : memref<1x104xi32, #tpu.memory_space<vmem>> -> memref<104xi32, #tpu.memory_space<vmem>>
      %dma_wait3A_205 = arith.constant 0 : i32
      %dma_wait3A_206 = arith.constant 0 : i32
      %dma_wait3A_207 = tpu.memref_slice %arg15[%dma_wait3A_205, %dma_wait3A_206] : memref<10000x64xf32, #tpu.memory_space<vmem_shared>> -> memref<10000x64xf32, #tpu.memory_space<vmem_shared>>
      tpu.wait_indirect_dma semaphore(%arg19 : memref<!tpu.dma_semaphore, #tpu.memory_space<semaphore_mem>>) src(%dma_wait3A_207 : memref<10000x64xf32, #tpu.memory_space<vmem_shared>>) dst(%arg12 : memref<104x64xf32, #tpu.memory_space<vmem>>)
      %dma_start3A_208 = arith.constant 0 : i32
      %dma_start3A_209 = tpu.memref_slice %arg8[%add3A_188, %dma_start3A_208] : memref<100x104xi32, #tpu.memory_space<vmem>> -> memref<1x104xi32, #tpu.memory_space<vmem>>
      %dma_start3A_210 = tpu.memref_squeeze %dma_start3A_209 : memref<1x104xi32, #tpu.memory_space<vmem>> -> memref<104xi32, #tpu.memory_space<vmem>>
      %dma_start3A_211 = arith.constant 0 : i32
      %dma_start3A_212 = arith.constant 0 : i32
      %dma_start3A_213 = tpu.memref_slice %arg14[%dma_start3A_211, %dma_start3A_212] : memref<10240x64xf32, #tpu.memory_space<vmem_shared>> -> memref<10240x64xf32, #tpu.memory_space<vmem_shared>>
      tpu.enqueue_indirect_dma source(%arg12 : memref<104x64xf32, #tpu.memory_space<vmem>>) target(%dma_start3A_213 : memref<10240x64xf32, #tpu.memory_space<vmem_shared>>) offsets(%dma_start3A_210 : memref<104xi32, #tpu.memory_space<vmem>>) semaphore(%arg23 : memref<!tpu.dma_semaphore, #tpu.memory_space<semaphore_mem>>) {add = true}
      %scan3A_214 = arith.constant 0 : i32
      scf.yield %scan3A_214 : i32
    }
    %scan3A_85 = arith.constant 25 : i32
    %dma_wait3A_86 = arith.constant 98 : i32
    %dma_wait3A_87 = arith.constant 0 : i32
    %dma_wait3A_88 = tpu.memref_slice %arg8[%dma_wait3A_86, %dma_wait3A_87] : memref<100x104xi32, #tpu.memory_space<vmem>> -> memref<1x104xi32, #tpu.memory_space<vmem>>
    %dma_wait3A_89 = tpu.memref_squeeze %dma_wait3A_88 : memref<1x104xi32, #tpu.memory_space<vmem>> -> memref<104xi32, #tpu.memory_space<vmem>>
    %dma_wait3A_90 = arith.constant 0 : i32
    %dma_wait3A_91 = arith.constant 0 : i32
    %dma_wait3A_92 = tpu.memref_slice %arg14[%dma_wait3A_90, %dma_wait3A_91] : memref<10240x64xf32, #tpu.memory_space<vmem_shared>> -> memref<10240x64xf32, #tpu.memory_space<vmem_shared>>
    tpu.wait_indirect_dma semaphore(%arg22 : memref<!tpu.dma_semaphore, #tpu.memory_space<semaphore_mem>>) src(%arg11 : memref<104x64xf32, #tpu.memory_space<vmem>>) dst(%dma_wait3A_92 : memref<10240x64xf32, #tpu.memory_space<vmem_shared>>)
    %dma_wait3A_93 = arith.constant 99 : i32
    %dma_wait3A_94 = arith.constant 0 : i32
    %dma_wait3A_95 = tpu.memref_slice %arg8[%dma_wait3A_93, %dma_wait3A_94] : memref<100x104xi32, #tpu.memory_space<vmem>> -> memref<1x104xi32, #tpu.memory_space<vmem>>
    %dma_wait3A_96 = tpu.memref_squeeze %dma_wait3A_95 : memref<1x104xi32, #tpu.memory_space<vmem>> -> memref<104xi32, #tpu.memory_space<vmem>>
    %dma_wait3A_97 = arith.constant 0 : i32
    %dma_wait3A_98 = arith.constant 0 : i32
    %dma_wait3A_99 = tpu.memref_slice %arg14[%dma_wait3A_97, %dma_wait3A_98] : memref<10240x64xf32, #tpu.memory_space<vmem_shared>> -> memref<10240x64xf32, #tpu.memory_space<vmem_shared>>
    tpu.wait_indirect_dma semaphore(%arg23 : memref<!tpu.dma_semaphore, #tpu.memory_space<semaphore_mem>>) src(%arg12 : memref<104x64xf32, #tpu.memory_space<vmem>>) dst(%dma_wait3A_99 : memref<10240x64xf32, #tpu.memory_space<vmem_shared>>)
    %barrier3A_100 = arith.constant 0 : index
    tpu.barrier barrier_id(%barrier3A_100)
    %run_scoped3A_101 = arith.constant 1 : i32
    "tpu.region"() ({
      %run_scoped3A_102 = tpu.sem_alloc : memref<!tpu.dma_semaphore, #tpu.memory_space<semaphore_mem>>
      %dma_start3A_103 = arith.constant 0 : i32
      %dma_start3A_104 = tpu.memref_slice %arg6[%arg0, %run_scoped3A_101, %mul3A_7, %dma_start3A_103] : memref<2x2x10240x64xf32, #tpu.memory_space<hbm>> -> memref<1x1x640x64xf32, #tpu.memory_space<hbm>>
      %dma_start3A_105 = tpu.memref_squeeze %dma_start3A_104 : memref<1x1x640x64xf32, #tpu.memory_space<hbm>> -> memref<640x64xf32, #tpu.memory_space<hbm>>
      %dma_start3A_106 = arith.constant 0 : i32
      %dma_start3A_107 = tpu.memref_slice %arg14[%mul3A_7, %dma_start3A_106] : memref<10240x64xf32, #tpu.memory_space<vmem_shared>> -> memref<640x64xf32, #tpu.memory_space<vmem_shared>>
      tpu.enqueue_dma source(%dma_start3A_107 : memref<640x64xf32, #tpu.memory_space<vmem_shared>>) target(%dma_start3A_105 : memref<640x64xf32, #tpu.memory_space<hbm>>) target_semaphore(%run_scoped3A_102 : memref<!tpu.dma_semaphore, #tpu.memory_space<semaphore_mem>>)
      %dma_wait3A_108 = arith.constant 0 : i32
      %dma_wait3A_109 = tpu.memref_slice %arg6[%arg0, %run_scoped3A_101, %mul3A_7, %dma_wait3A_108] : memref<2x2x10240x64xf32, #tpu.memory_space<hbm>> -> memref<1x1x640x64xf32, #tpu.memory_space<hbm>>
      %dma_wait3A_110 = tpu.memref_squeeze %dma_wait3A_109 : memref<1x1x640x64xf32, #tpu.memory_space<hbm>> -> memref<640x64xf32, #tpu.memory_space<hbm>>
      %dma_wait3A_111 = arith.constant 0 : i32
      %dma_wait3A_112 = tpu.memref_slice %arg14[%mul3A_7, %dma_wait3A_111] : memref<10240x64xf32, #tpu.memory_space<vmem_shared>> -> memref<640x64xf32, #tpu.memory_space<vmem_shared>>
      tpu.wait_dma2 semaphore(%run_scoped3A_102 : memref<!tpu.dma_semaphore, #tpu.memory_space<semaphore_mem>>) src(%dma_wait3A_112 : memref<640x64xf32, #tpu.memory_space<vmem_shared>>) dst(%dma_wait3A_110 : memref<640x64xf32, #tpu.memory_space<hbm>>)
      tpu.yield
    }) : () -> ()
    return
  }
}

#map = affine_map<(d0, d1) -> (0, 0)>
#map1 = affine_map<(d0, d1) -> (0, 0, 0, 0)>
module attributes {stable_mosaic.version = 14 : i64} {
  func.func @_agg_kernel(%arg0: i32, %arg1: i32, %arg2: memref<10240x64xf32, #tpu.memory_space<hbm>>, %arg3: memref<10240x64xf32, #tpu.memory_space<hbm>>, %arg4: memref<2x16x100x104xi32, #tpu.memory_space<hbm>>, %arg5: memref<2x16x100x104xi32, #tpu.memory_space<hbm>>, %arg6: memref<2x2x10240x64xf32, #tpu.memory_space<hbm>>, %arg7: memref<100x104xi32, #tpu.memory_space<vmem>>, %arg8: memref<100x104xi32, #tpu.memory_space<vmem>>, %arg9: memref<104x64xf32, #tpu.memory_space<vmem>>, %arg10: memref<104x64xf32, #tpu.memory_space<vmem>>, %arg11: memref<104x64xf32, #tpu.memory_space<vmem>>, %arg12: memref<104x64xf32, #tpu.memory_space<vmem>>, %arg13: memref<32x64xf32, #tpu.memory_space<vmem>>, %arg14: memref<10240x64xf32, #tpu.memory_space<vmem_shared>>, %arg15: memref<10000x64xf32, #tpu.memory_space<vmem_shared>>, %arg16: memref<!tpu.dma_semaphore, #tpu.memory_space<semaphore_mem>>, %arg17: memref<!tpu.dma_semaphore, #tpu.memory_space<semaphore_mem>>, %arg18: memref<!tpu.dma_semaphore, #tpu.memory_space<semaphore_mem>>, %arg19: memref<!tpu.dma_semaphore, #tpu.memory_space<semaphore_mem>>, %arg20: memref<!tpu.dma_semaphore, #tpu.memory_space<semaphore_mem>>, %arg21: memref<!tpu.dma_semaphore, #tpu.memory_space<semaphore_mem>>, %arg22: memref<!tpu.dma_semaphore, #tpu.memory_space<semaphore_mem>>, %arg23: memref<!tpu.dma_semaphore, #tpu.memory_space<semaphore_mem>>) attributes {dimension_semantics = [#tpu.dimension_semantics<core_parallel>, #tpu.dimension_semantics<subcore_parallel>], iteration_bounds = array<i64: 2, 16>, scalar_prefetch = 0 : i64, scratch_operands = 17 : i64, tpu.core_type = #tpu.core_type<sc_vector_subcore>, window_params = [{transform_indices = #map}, {transform_indices = #map}, {transform_indices = #map1}, {transform_indices = #map1}, {transform_indices = #map1}]} {
    %broadcast_in_dim3A = arith.constant 0.000000e+00 : f32
    %broadcast_in_dim3A_0 = vector.broadcast %broadcast_in_dim3A : f32 to vector<16xf32>
    %scan3A = arith.constant 0 : i32
    %scan3A_1 = arith.constant 0 : i32
    %scan3A_2 = arith.constant 32 : i32
    %scan3A_3 = arith.addi %scan3A_1, %scan3A_2 : i32
    %scan3A_4 = arith.constant 1 : i32
    %scan3A_5 = scf.for %scan3A_102 = %scan3A_1 to %scan3A_3 step %scan3A_4 iter_args(%scan3A_103 = %scan3A) -> (i32)  : i32 {
      %swap3A = arith.index_cast %scan3A_102 : i32 to index
      %swap3A_104 = arith.constant 0 : index
      %swap3A_105 = tpu.vector_load %arg13[%swap3A, %swap3A_104] {strides = array<i32>} : memref<32x64xf32, #tpu.memory_space<vmem>>, vector<1x16xf32>,
      %swap3A_106 = vector.shape_cast %swap3A_105 : vector<1x16xf32> to vector<16xf32>
      %swap3A_107 = vector.shape_cast %broadcast_in_dim3A_0 : vector<16xf32> to vector<1x16xf32>
      tpu.vector_store %arg13[%swap3A, %swap3A_104], %swap3A_107 {strides = array<i32>} : memref<32x64xf32, #tpu.memory_space<vmem>>, vector<1x16xf32>,
      %swap3A_108 = arith.index_cast %scan3A_102 : i32 to index
      %swap3A_109 = arith.constant 16 : index
      %swap3A_110 = tpu.vector_load %arg13[%swap3A_108, %swap3A_109] {strides = array<i32>} : memref<32x64xf32, #tpu.memory_space<vmem>>, vector<1x16xf32>,
      %swap3A_111 = vector.shape_cast %swap3A_110 : vector<1x16xf32> to vector<16xf32>
      %swap3A_112 = vector.shape_cast %broadcast_in_dim3A_0 : vector<16xf32> to vector<1x16xf32>
      tpu.vector_store %arg13[%swap3A_108, %swap3A_109], %swap3A_112 {strides = array<i32>} : memref<32x64xf32, #tpu.memory_space<vmem>>, vector<1x16xf32>,
      %swap3A_113 = arith.index_cast %scan3A_102 : i32 to index
      %swap3A_114 = arith.constant 32 : index
      %swap3A_115 = tpu.vector_load %arg13[%swap3A_113, %swap3A_114] {strides = array<i32>} : memref<32x64xf32, #tpu.memory_space<vmem>>, vector<1x16xf32>,
      %swap3A_116 = vector.shape_cast %swap3A_115 : vector<1x16xf32> to vector<16xf32>
      %swap3A_117 = vector.shape_cast %broadcast_in_dim3A_0 : vector<16xf32> to vector<1x16xf32>
      tpu.vector_store %arg13[%swap3A_113, %swap3A_114], %swap3A_117 {strides = array<i32>} : memref<32x64xf32, #tpu.memory_space<vmem>>, vector<1x16xf32>,
      %swap3A_118 = arith.index_cast %scan3A_102 : i32 to index
      %swap3A_119 = arith.constant 48 : index
      %swap3A_120 = tpu.vector_load %arg13[%swap3A_118, %swap3A_119] {strides = array<i32>} : memref<32x64xf32, #tpu.memory_space<vmem>>, vector<1x16xf32>,
      %swap3A_121 = vector.shape_cast %swap3A_120 : vector<1x16xf32> to vector<16xf32>
      %swap3A_122 = vector.shape_cast %broadcast_in_dim3A_0 : vector<16xf32> to vector<1x16xf32>
      tpu.vector_store %arg13[%swap3A_118, %swap3A_119], %swap3A_122 {strides = array<i32>} : memref<32x64xf32, #tpu.memory_space<vmem>>, vector<1x16xf32>,
      %scan3A_123 = arith.constant 0 : i32
      scf.yield %scan3A_123 : i32
    }
    %scan3A_6 = arith.constant 32 : i32
    %mul3A = arith.constant 640 : i32
    %mul3A_7 = arith.muli %arg1, %mul3A : i32
    "tpu.region"() ({
      %run_scoped3A_102 = tpu.sem_alloc : memref<!tpu.dma_semaphore, #tpu.memory_space<semaphore_mem>>
      %dma_start3A_103 = arith.constant 0 : i32
      %dma_start3A_104 = arith.constant 0 : i32
      %dma_start3A_105 = tpu.memref_slice %arg4[%arg0, %arg1, %dma_start3A_103, %dma_start3A_104] : memref<2x16x100x104xi32, #tpu.memory_space<hbm>> -> memref<1x1x100x104xi32, #tpu.memory_space<hbm>>
      %dma_start3A_106 = tpu.memref_squeeze %dma_start3A_105 : memref<1x1x100x104xi32, #tpu.memory_space<hbm>> -> memref<100x104xi32, #tpu.memory_space<hbm>>
      %dma_start3A_107 = arith.constant 0 : i32
      %dma_start3A_108 = arith.constant 0 : i32
      %dma_start3A_109 = tpu.memref_slice %arg4[%arg0, %arg1, %dma_start3A_107, %dma_start3A_108] : memref<2x16x100x104xi32, #tpu.memory_space<hbm>> -> memref<1x1x100x104xi32, #tpu.memory_space<hbm>>
      %dma_start3A_110 = tpu.memref_squeeze %dma_start3A_109 : memref<1x1x100x104xi32, #tpu.memory_space<hbm>> -> memref<100x104xi32, #tpu.memory_space<hbm>>
      tpu.enqueue_dma source(%dma_start3A_110 : memref<100x104xi32, #tpu.memory_space<hbm>>) target(%arg7 : memref<100x104xi32, #tpu.memory_space<vmem>>) target_semaphore(%run_scoped3A_102 : memref<!tpu.dma_semaphore, #tpu.memory_space<semaphore_mem>>)
      %dma_wait3A_111 = arith.constant 0 : i32
      %dma_wait3A_112 = arith.constant 0 : i32
      %dma_wait3A_113 = tpu.memref_slice %arg4[%arg0, %arg1, %dma_wait3A_111, %dma_wait3A_112] : memref<2x16x100x104xi32, #tpu.memory_space<hbm>> -> memref<1x1x100x104xi32, #tpu.memory_space<hbm>>
      %dma_wait3A_114 = tpu.memref_squeeze %dma_wait3A_113 : memref<1x1x100x104xi32, #tpu.memory_space<hbm>> -> memref<100x104xi32, #tpu.memory_space<hbm>>
      %dma_wait3A_115 = arith.constant 0 : i32
      %dma_wait3A_116 = arith.constant 0 : i32
      %dma_wait3A_117 = tpu.memref_slice %arg4[%arg0, %arg1, %dma_wait3A_115, %dma_wait3A_116] : memref<2x16x100x104xi32, #tpu.memory_space<hbm>> -> memref<1x1x100x104xi32, #tpu.memory_space<hbm>>
      %dma_wait3A_118 = tpu.memref_squeeze %dma_wait3A_117 : memref<1x1x100x104xi32, #tpu.memory_space<hbm>> -> memref<100x104xi32, #tpu.memory_space<hbm>>
      tpu.wait_dma2 semaphore(%run_scoped3A_102 : memref<!tpu.dma_semaphore, #tpu.memory_space<semaphore_mem>>) src(%dma_wait3A_118 : memref<100x104xi32, #tpu.memory_space<hbm>>) dst(%arg7 : memref<100x104xi32, #tpu.memory_space<vmem>>)
      tpu.yield
    }) : () -> ()
    "tpu.region"() ({
      %run_scoped3A_102 = tpu.sem_alloc : memref<!tpu.dma_semaphore, #tpu.memory_space<semaphore_mem>>
      %dma_start3A_103 = arith.constant 0 : i32
      %dma_start3A_104 = arith.constant 0 : i32
      %dma_start3A_105 = tpu.memref_slice %arg5[%arg0, %arg1, %dma_start3A_103, %dma_start3A_104] : memref<2x16x100x104xi32, #tpu.memory_space<hbm>> -> memref<1x1x100x104xi32, #tpu.memory_space<hbm>>
      %dma_start3A_106 = tpu.memref_squeeze %dma_start3A_105 : memref<1x1x100x104xi32, #tpu.memory_space<hbm>> -> memref<100x104xi32, #tpu.memory_space<hbm>>
      %dma_start3A_107 = arith.constant 0 : i32
      %dma_start3A_108 = arith.constant 0 : i32
      %dma_start3A_109 = tpu.memref_slice %arg5[%arg0, %arg1, %dma_start3A_107, %dma_start3A_108] : memref<2x16x100x104xi32, #tpu.memory_space<hbm>> -> memref<1x1x100x104xi32, #tpu.memory_space<hbm>>
      %dma_start3A_110 = tpu.memref_squeeze %dma_start3A_109 : memref<1x1x100x104xi32, #tpu.memory_space<hbm>> -> memref<100x104xi32, #tpu.memory_space<hbm>>
      tpu.enqueue_dma source(%dma_start3A_110 : memref<100x104xi32, #tpu.memory_space<hbm>>) target(%arg8 : memref<100x104xi32, #tpu.memory_space<vmem>>) target_semaphore(%run_scoped3A_102 : memref<!tpu.dma_semaphore, #tpu.memory_space<semaphore_mem>>)
      %dma_wait3A_111 = arith.constant 0 : i32
      %dma_wait3A_112 = arith.constant 0 : i32
      %dma_wait3A_113 = tpu.memref_slice %arg5[%arg0, %arg1, %dma_wait3A_111, %dma_wait3A_112] : memref<2x16x100x104xi32, #tpu.memory_space<hbm>> -> memref<1x1x100x104xi32, #tpu.memory_space<hbm>>
      %dma_wait3A_114 = tpu.memref_squeeze %dma_wait3A_113 : memref<1x1x100x104xi32, #tpu.memory_space<hbm>> -> memref<100x104xi32, #tpu.memory_space<hbm>>
      %dma_wait3A_115 = arith.constant 0 : i32
      %dma_wait3A_116 = arith.constant 0 : i32
      %dma_wait3A_117 = tpu.memref_slice %arg5[%arg0, %arg1, %dma_wait3A_115, %dma_wait3A_116] : memref<2x16x100x104xi32, #tpu.memory_space<hbm>> -> memref<1x1x100x104xi32, #tpu.memory_space<hbm>>
      %dma_wait3A_118 = tpu.memref_squeeze %dma_wait3A_117 : memref<1x1x100x104xi32, #tpu.memory_space<hbm>> -> memref<100x104xi32, #tpu.memory_space<hbm>>
      tpu.wait_dma2 semaphore(%run_scoped3A_102 : memref<!tpu.dma_semaphore, #tpu.memory_space<semaphore_mem>>) src(%dma_wait3A_118 : memref<100x104xi32, #tpu.memory_space<hbm>>) dst(%arg8 : memref<100x104xi32, #tpu.memory_space<vmem>>)
      tpu.yield
    }) : () -> ()
    %mul3A_8 = arith.constant 625 : i32
    %mul3A_9 = arith.muli %arg1, %mul3A_8 : i32
    %mul3A_10 = arith.constant 625 : i32
    %mul3A_11 = arith.muli %arg1, %mul3A_10 : i32
    "tpu.region"() ({
      %run_scoped3A_102 = tpu.sem_alloc : memref<!tpu.dma_semaphore, #tpu.memory_space<semaphore_mem>>
      %dma_start3A_103 = arith.constant 0 : i32
      %dma_start3A_104 = tpu.memref_slice %arg15[%mul3A_11, %dma_start3A_103] : memref<10000x64xf32, #tpu.memory_space<vmem_shared>> -> memref<625x64xf32, #tpu.memory_space<vmem_shared>>
      %dma_start3A_105 = arith.constant 0 : i32
      %dma_start3A_106 = tpu.memref_slice %arg2[%mul3A_9, %dma_start3A_105] : memref<10240x64xf32, #tpu.memory_space<hbm>> -> memref<625x64xf32, #tpu.memory_space<hbm>>
      tpu.enqueue_dma source(%dma_start3A_106 : memref<625x64xf32, #tpu.memory_space<hbm>>) target(%dma_start3A_104 : memref<625x64xf32, #tpu.memory_space<vmem_shared>>) target_semaphore(%run_scoped3A_102 : memref<!tpu.dma_semaphore, #tpu.memory_space<semaphore_mem>>)
      %dma_wait3A_107 = arith.constant 0 : i32
      %dma_wait3A_108 = tpu.memref_slice %arg15[%mul3A_11, %dma_wait3A_107] : memref<10000x64xf32, #tpu.memory_space<vmem_shared>> -> memref<625x64xf32, #tpu.memory_space<vmem_shared>>
      %dma_wait3A_109 = arith.constant 0 : i32
      %dma_wait3A_110 = tpu.memref_slice %arg2[%mul3A_9, %dma_wait3A_109] : memref<10240x64xf32, #tpu.memory_space<hbm>> -> memref<625x64xf32, #tpu.memory_space<hbm>>
      tpu.wait_dma2 semaphore(%run_scoped3A_102 : memref<!tpu.dma_semaphore, #tpu.memory_space<semaphore_mem>>) src(%dma_wait3A_110 : memref<625x64xf32, #tpu.memory_space<hbm>>) dst(%dma_wait3A_108 : memref<625x64xf32, #tpu.memory_space<vmem_shared>>)
      tpu.yield
    }) : () -> ()
    %scan3A_12 = arith.constant 0 : i32
    %scan3A_13 = arith.constant 0 : i32
    %scan3A_14 = arith.constant 20 : i32
    %scan3A_15 = arith.addi %scan3A_13, %scan3A_14 : i32
    %scan3A_16 = arith.constant 1 : i32
    %scan3A_17 = scf.for %scan3A_102 = %scan3A_13 to %scan3A_15 step %scan3A_16 iter_args(%scan3A_103 = %scan3A_12) -> (i32)  : i32 {
      %mul3A_104 = arith.constant 32 : i32
      %mul3A_105 = arith.muli %scan3A_102, %mul3A_104 : i32
      %add3A = arith.addi %mul3A_7, %mul3A_105 : i32
      "tpu.region"() ({
        %run_scoped3A_107 = tpu.sem_alloc : memref<!tpu.dma_semaphore, #tpu.memory_space<semaphore_mem>>
        %dma_start3A_108 = arith.constant 0 : i32
        %dma_start3A_109 = tpu.memref_slice %arg14[%add3A, %dma_start3A_108] : memref<10240x64xf32, #tpu.memory_space<vmem_shared>> -> memref<32x64xf32, #tpu.memory_space<vmem_shared>>
        %dma_start3A_110 = arith.constant 0 : i32
        %dma_start3A_111 = tpu.memref_slice %arg14[%add3A, %dma_start3A_110] : memref<10240x64xf32, #tpu.memory_space<vmem_shared>> -> memref<32x64xf32, #tpu.memory_space<vmem_shared>>
        tpu.enqueue_dma source(%arg13 : memref<32x64xf32, #tpu.memory_space<vmem>>) target(%dma_start3A_111 : memref<32x64xf32, #tpu.memory_space<vmem_shared>>) target_semaphore(%run_scoped3A_107 : memref<!tpu.dma_semaphore, #tpu.memory_space<semaphore_mem>>)
        %dma_wait3A_112 = arith.constant 0 : i32
        %dma_wait3A_113 = tpu.memref_slice %arg14[%add3A, %dma_wait3A_112] : memref<10240x64xf32, #tpu.memory_space<vmem_shared>> -> memref<32x64xf32, #tpu.memory_space<vmem_shared>>
        %dma_wait3A_114 = arith.constant 0 : i32
        %dma_wait3A_115 = tpu.memref_slice %arg14[%add3A, %dma_wait3A_114] : memref<10240x64xf32, #tpu.memory_space<vmem_shared>> -> memref<32x64xf32, #tpu.memory_space<vmem_shared>>
        tpu.wait_dma2 semaphore(%run_scoped3A_107 : memref<!tpu.dma_semaphore, #tpu.memory_space<semaphore_mem>>) src(%arg13 : memref<32x64xf32, #tpu.memory_space<vmem>>) dst(%dma_wait3A_115 : memref<32x64xf32, #tpu.memory_space<vmem_shared>>)
        tpu.yield
      }) : () -> ()
      %scan3A_106 = arith.constant 0 : i32
      scf.yield %scan3A_106 : i32
    }
    %scan3A_18 = arith.constant 20 : i32
    %barrier3A = arith.constant 0 : index
    tpu.barrier barrier_id(%barrier3A)
    %dma_start3A = arith.constant 0 : i32
    %dma_start3A_19 = arith.constant 0 : i32
    %dma_start3A_20 = tpu.memref_slice %arg7[%dma_start3A, %dma_start3A_19] : memref<100x104xi32, #tpu.memory_space<vmem>> -> memref<1x104xi32, #tpu.memory_space<vmem>>
    %dma_start3A_21 = tpu.memref_squeeze %dma_start3A_20 : memref<1x104xi32, #tpu.memory_space<vmem>> -> memref<104xi32, #tpu.memory_space<vmem>>
    %dma_start3A_22 = arith.constant 0 : i32
    %dma_start3A_23 = arith.constant 0 : i32
    %dma_start3A_24 = tpu.memref_slice %arg15[%dma_start3A_22, %dma_start3A_23] : memref<10000x64xf32, #tpu.memory_space<vmem_shared>> -> memref<10000x64xf32, #tpu.memory_space<vmem_shared>>
    tpu.enqueue_indirect_dma source(%dma_start3A_24 : memref<10000x64xf32, #tpu.memory_space<vmem_shared>>) target(%arg9 : memref<104x64xf32, #tpu.memory_space<vmem>>) offsets(%dma_start3A_21 : memref<104xi32, #tpu.memory_space<vmem>>) semaphore(%arg16 : memref<!tpu.dma_semaphore, #tpu.memory_space<semaphore_mem>>)
    %dma_start3A_25 = arith.constant 1 : i32
    %dma_start3A_26 = arith.constant 0 : i32
    %dma_start3A_27 = tpu.memref_slice %arg7[%dma_start3A_25, %dma_start3A_26] : memref<100x104xi32, #tpu.memory_space<vmem>> -> memref<1x104xi32, #tpu.memory_space<vmem>>
    %dma_start3A_28 = tpu.memref_squeeze %dma_start3A_27 : memref<1x104xi32, #tpu.memory_space<vmem>> -> memref<104xi32, #tpu.memory_space<vmem>>
    %dma_start3A_29 = arith.constant 0 : i32
    %dma_start3A_30 = arith.constant 0 : i32
    %dma_start3A_31 = tpu.memref_slice %arg15[%dma_start3A_29, %dma_start3A_30] : memref<10000x64xf32, #tpu.memory_space<vmem_shared>> -> memref<10000x64xf32, #tpu.memory_space<vmem_shared>>
    tpu.enqueue_indirect_dma source(%dma_start3A_31 : memref<10000x64xf32, #tpu.memory_space<vmem_shared>>) target(%arg10 : memref<104x64xf32, #tpu.memory_space<vmem>>) offsets(%dma_start3A_28 : memref<104xi32, #tpu.memory_space<vmem>>) semaphore(%arg17 : memref<!tpu.dma_semaphore, #tpu.memory_space<semaphore_mem>>)
    %scan3A_32 = arith.constant 0 : i32
    %scan3A_33 = arith.constant 0 : i32
    %scan3A_34 = arith.constant 25 : i32
    %scan3A_35 = arith.addi %scan3A_33, %scan3A_34 : i32
    %scan3A_36 = arith.constant 1 : i32
    %scan3A_37 = scf.for %scan3A_102 = %scan3A_33 to %scan3A_35 step %scan3A_36 iter_args(%scan3A_103 = %scan3A_32) -> (i32)  : i32 {
      %mul3A_104 = arith.constant 4 : i32
      %mul3A_105 = arith.muli %mul3A_104, %scan3A_102 : i32
      %add3A = arith.constant 0 : i32
      %add3A_106 = arith.addi %mul3A_105, %add3A : i32
      %gt3A = arith.constant 0 : i32
      %gt3A_107 = arith.cmpi sgt, %scan3A_102, %gt3A : i32
      %convert_element_type3A = arith.extui %gt3A_107 : i1 to i32
      %cond3A = arith.constant 0 : i32
      %cond3A_108 = arith.cmpi ne, %convert_element_type3A, %cond3A : i32
      scf.if %cond3A_108 {
        %sub3A_215 = arith.constant 2 : i32
        %sub3A_216 = arith.subi %add3A_106, %sub3A_215 : i32
        %dma_wait3A_217 = arith.constant 0 : i32
        %dma_wait3A_218 = tpu.memref_slice %arg8[%sub3A_216, %dma_wait3A_217] : memref<100x104xi32, #tpu.memory_space<vmem>> -> memref<1x104xi32, #tpu.memory_space<vmem>>
        %dma_wait3A_219 = tpu.memref_squeeze %dma_wait3A_218 : memref<1x104xi32, #tpu.memory_space<vmem>> -> memref<104xi32, #tpu.memory_space<vmem>>
        %dma_wait3A_220 = arith.constant 0 : i32
        %dma_wait3A_221 = arith.constant 0 : i32
        %dma_wait3A_222 = tpu.memref_slice %arg14[%dma_wait3A_220, %dma_wait3A_221] : memref<10240x64xf32, #tpu.memory_space<vmem_shared>> -> memref<10240x64xf32, #tpu.memory_space<vmem_shared>>
        tpu.wait_indirect_dma semaphore(%arg22 : memref<!tpu.dma_semaphore, #tpu.memory_space<semaphore_mem>>) src(%arg11 : memref<104x64xf32, #tpu.memory_space<vmem>>) dst(%dma_wait3A_222 : memref<10240x64xf32, #tpu.memory_space<vmem_shared>>)
      } else {
      }
      %add3A_109 = arith.constant 2 : i32
      %add3A_110 = arith.addi %add3A_106, %add3A_109 : i32
      %dma_start3A_111 = arith.constant 0 : i32
      %dma_start3A_112 = tpu.memref_slice %arg7[%add3A_110, %dma_start3A_111] : memref<100x104xi32, #tpu.memory_space<vmem>> -> memref<1x104xi32, #tpu.memory_space<vmem>>
      %dma_start3A_113 = tpu.memref_squeeze %dma_start3A_112 : memref<1x104xi32, #tpu.memory_space<vmem>> -> memref<104xi32, #tpu.memory_space<vmem>>
      %dma_start3A_114 = arith.constant 0 : i32
      %dma_start3A_115 = arith.constant 0 : i32
      %dma_start3A_116 = tpu.memref_slice %arg15[%dma_start3A_114, %dma_start3A_115] : memref<10000x64xf32, #tpu.memory_space<vmem_shared>> -> memref<10000x64xf32, #tpu.memory_space<vmem_shared>>
      tpu.enqueue_indirect_dma source(%dma_start3A_116 : memref<10000x64xf32, #tpu.memory_space<vmem_shared>>) target(%arg11 : memref<104x64xf32, #tpu.memory_space<vmem>>) offsets(%dma_start3A_113 : memref<104xi32, #tpu.memory_space<vmem>>) semaphore(%arg18 : memref<!tpu.dma_semaphore, #tpu.memory_space<semaphore_mem>>)
      %dma_wait3A_117 = arith.constant 0 : i32
      %dma_wait3A_118 = tpu.memref_slice %arg7[%add3A_106, %dma_wait3A_117] : memref<100x104xi32, #tpu.memory_space<vmem>> -> memref<1x104xi32, #tpu.memory_space<vmem>>
      %dma_wait3A_119 = tpu.memref_squeeze %dma_wait3A_118 : memref<1x104xi32, #tpu.memory_space<vmem>> -> memref<104xi32, #tpu.memory_space<vmem>>
      %dma_wait3A_120 = arith.constant 0 : i32
      %dma_wait3A_121 = arith.constant 0 : i32
      %dma_wait3A_122 = tpu.memref_slice %arg15[%dma_wait3A_120, %dma_wait3A_121] : memref<10000x64xf32, #tpu.memory_space<vmem_shared>> -> memref<10000x64xf32, #tpu.memory_space<vmem_shared>>
      tpu.wait_indirect_dma semaphore(%arg16 : memref<!tpu.dma_semaphore, #tpu.memory_space<semaphore_mem>>) src(%dma_wait3A_122 : memref<10000x64xf32, #tpu.memory_space<vmem_shared>>) dst(%arg9 : memref<104x64xf32, #tpu.memory_space<vmem>>)
      %dma_start3A_123 = arith.constant 0 : i32
      %dma_start3A_124 = tpu.memref_slice %arg8[%add3A_106, %dma_start3A_123] : memref<100x104xi32, #tpu.memory_space<vmem>> -> memref<1x104xi32, #tpu.memory_space<vmem>>
      %dma_start3A_125 = tpu.memref_squeeze %dma_start3A_124 : memref<1x104xi32, #tpu.memory_space<vmem>> -> memref<104xi32, #tpu.memory_space<vmem>>
      %dma_start3A_126 = arith.constant 0 : i32
      %dma_start3A_127 = arith.constant 0 : i32
      %dma_start3A_128 = tpu.memref_slice %arg14[%dma_start3A_126, %dma_start3A_127] : memref<10240x64xf32, #tpu.memory_space<vmem_shared>> -> memref<10240x64xf32, #tpu.memory_space<vmem_shared>>
      tpu.enqueue_indirect_dma source(%arg9 : memref<104x64xf32, #tpu.memory_space<vmem>>) target(%dma_start3A_128 : memref<10240x64xf32, #tpu.memory_space<vmem_shared>>) offsets(%dma_start3A_125 : memref<104xi32, #tpu.memory_space<vmem>>) semaphore(%arg20 : memref<!tpu.dma_semaphore, #tpu.memory_space<semaphore_mem>>) {add = true}
      %mul3A_129 = arith.constant 4 : i32
      %mul3A_130 = arith.muli %mul3A_129, %scan3A_102 : i32
      %add3A_131 = arith.constant 1 : i32
      %add3A_132 = arith.addi %mul3A_130, %add3A_131 : i32
      %gt3A_133 = arith.constant 0 : i32
      %gt3A_134 = arith.cmpi sgt, %scan3A_102, %gt3A_133 : i32
      %convert_element_type3A_135 = arith.extui %gt3A_134 : i1 to i32
      %cond3A_136 = arith.constant 0 : i32
      %cond3A_137 = arith.cmpi ne, %convert_element_type3A_135, %cond3A_136 : i32
      scf.if %cond3A_137 {
        %sub3A_215 = arith.constant 2 : i32
        %sub3A_216 = arith.subi %add3A_132, %sub3A_215 : i32
        %dma_wait3A_217 = arith.constant 0 : i32
        %dma_wait3A_218 = tpu.memref_slice %arg8[%sub3A_216, %dma_wait3A_217] : memref<100x104xi32, #tpu.memory_space<vmem>> -> memref<1x104xi32, #tpu.memory_space<vmem>>
        %dma_wait3A_219 = tpu.memref_squeeze %dma_wait3A_218 : memref<1x104xi32, #tpu.memory_space<vmem>> -> memref<104xi32, #tpu.memory_space<vmem>>
        %dma_wait3A_220 = arith.constant 0 : i32
        %dma_wait3A_221 = arith.constant 0 : i32
        %dma_wait3A_222 = tpu.memref_slice %arg14[%dma_wait3A_220, %dma_wait3A_221] : memref<10240x64xf32, #tpu.memory_space<vmem_shared>> -> memref<10240x64xf32, #tpu.memory_space<vmem_shared>>
        tpu.wait_indirect_dma semaphore(%arg23 : memref<!tpu.dma_semaphore, #tpu.memory_space<semaphore_mem>>) src(%arg12 : memref<104x64xf32, #tpu.memory_space<vmem>>) dst(%dma_wait3A_222 : memref<10240x64xf32, #tpu.memory_space<vmem_shared>>)
      } else {
      }
      %add3A_138 = arith.constant 2 : i32
      %add3A_139 = arith.addi %add3A_132, %add3A_138 : i32
      %dma_start3A_140 = arith.constant 0 : i32
      %dma_start3A_141 = tpu.memref_slice %arg7[%add3A_139, %dma_start3A_140] : memref<100x104xi32, #tpu.memory_space<vmem>> -> memref<1x104xi32, #tpu.memory_space<vmem>>
      %dma_start3A_142 = tpu.memref_squeeze %dma_start3A_141 : memref<1x104xi32, #tpu.memory_space<vmem>> -> memref<104xi32, #tpu.memory_space<vmem>>
      %dma_start3A_143 = arith.constant 0 : i32
      %dma_start3A_144 = arith.constant 0 : i32
      %dma_start3A_145 = tpu.memref_slice %arg15[%dma_start3A_143, %dma_start3A_144] : memref<10000x64xf32, #tpu.memory_space<vmem_shared>> -> memref<10000x64xf32, #tpu.memory_space<vmem_shared>>
      tpu.enqueue_indirect_dma source(%dma_start3A_145 : memref<10000x64xf32, #tpu.memory_space<vmem_shared>>) target(%arg12 : memref<104x64xf32, #tpu.memory_space<vmem>>) offsets(%dma_start3A_142 : memref<104xi32, #tpu.memory_space<vmem>>) semaphore(%arg19 : memref<!tpu.dma_semaphore, #tpu.memory_space<semaphore_mem>>)
      %dma_wait3A_146 = arith.constant 0 : i32
      %dma_wait3A_147 = tpu.memref_slice %arg7[%add3A_132, %dma_wait3A_146] : memref<100x104xi32, #tpu.memory_space<vmem>> -> memref<1x104xi32, #tpu.memory_space<vmem>>
      %dma_wait3A_148 = tpu.memref_squeeze %dma_wait3A_147 : memref<1x104xi32, #tpu.memory_space<vmem>> -> memref<104xi32, #tpu.memory_space<vmem>>
      %dma_wait3A_149 = arith.constant 0 : i32
      %dma_wait3A_150 = arith.constant 0 : i32
      %dma_wait3A_151 = tpu.memref_slice %arg15[%dma_wait3A_149, %dma_wait3A_150] : memref<10000x64xf32, #tpu.memory_space<vmem_shared>> -> memref<10000x64xf32, #tpu.memory_space<vmem_shared>>
      tpu.wait_indirect_dma semaphore(%arg17 : memref<!tpu.dma_semaphore, #tpu.memory_space<semaphore_mem>>) src(%dma_wait3A_151 : memref<10000x64xf32, #tpu.memory_space<vmem_shared>>) dst(%arg10 : memref<104x64xf32, #tpu.memory_space<vmem>>)
      %dma_start3A_152 = arith.constant 0 : i32
      %dma_start3A_153 = tpu.memref_slice %arg8[%add3A_132, %dma_start3A_152] : memref<100x104xi32, #tpu.memory_space<vmem>> -> memref<1x104xi32, #tpu.memory_space<vmem>>
      %dma_start3A_154 = tpu.memref_squeeze %dma_start3A_153 : memref<1x104xi32, #tpu.memory_space<vmem>> -> memref<104xi32, #tpu.memory_space<vmem>>
      %dma_start3A_155 = arith.constant 0 : i32
      %dma_start3A_156 = arith.constant 0 : i32
      %dma_start3A_157 = tpu.memref_slice %arg14[%dma_start3A_155, %dma_start3A_156] : memref<10240x64xf32, #tpu.memory_space<vmem_shared>> -> memref<10240x64xf32, #tpu.memory_space<vmem_shared>>
      tpu.enqueue_indirect_dma source(%arg10 : memref<104x64xf32, #tpu.memory_space<vmem>>) target(%dma_start3A_157 : memref<10240x64xf32, #tpu.memory_space<vmem_shared>>) offsets(%dma_start3A_154 : memref<104xi32, #tpu.memory_space<vmem>>) semaphore(%arg21 : memref<!tpu.dma_semaphore, #tpu.memory_space<semaphore_mem>>) {add = true}
      %mul3A_158 = arith.constant 4 : i32
      %mul3A_159 = arith.muli %mul3A_158, %scan3A_102 : i32
      %add3A_160 = arith.constant 2 : i32
      %add3A_161 = arith.addi %mul3A_159, %add3A_160 : i32
      %sub3A = arith.constant 2 : i32
      %sub3A_162 = arith.subi %add3A_161, %sub3A : i32
      %dma_wait3A_163 = arith.constant 0 : i32
      %dma_wait3A_164 = tpu.memref_slice %arg8[%sub3A_162, %dma_wait3A_163] : memref<100x104xi32, #tpu.memory_space<vmem>> -> memref<1x104xi32, #tpu.memory_space<vmem>>
      %dma_wait3A_165 = tpu.memref_squeeze %dma_wait3A_164 : memref<1x104xi32, #tpu.memory_space<vmem>> -> memref<104xi32, #tpu.memory_space<vmem>>
      %dma_wait3A_166 = arith.constant 0 : i32
      %dma_wait3A_167 = arith.constant 0 : i32
      %dma_wait3A_168 = tpu.memref_slice %arg14[%dma_wait3A_166, %dma_wait3A_167] : memref<10240x64xf32, #tpu.memory_space<vmem_shared>> -> memref<10240x64xf32, #tpu.memory_space<vmem_shared>>
      tpu.wait_indirect_dma semaphore(%arg20 : memref<!tpu.dma_semaphore, #tpu.memory_space<semaphore_mem>>) src(%arg9 : memref<104x64xf32, #tpu.memory_space<vmem>>) dst(%dma_wait3A_168 : memref<10240x64xf32, #tpu.memory_space<vmem_shared>>)
      %lt3A = arith.constant 24 : i32
      %lt3A_169 = arith.cmpi slt, %scan3A_102, %lt3A : i32
      %convert_element_type3A_170 = arith.extui %lt3A_169 : i1 to i32
      %cond3A_171 = arith.constant 0 : i32
      %cond3A_172 = arith.cmpi ne, %convert_element_type3A_170, %cond3A_171 : i32
      scf.if %cond3A_172 {
        %add3A_215 = arith.constant 2 : i32
        %add3A_216 = arith.addi %add3A_161, %add3A_215 : i32
        %dma_start3A_217 = arith.constant 0 : i32
        %dma_start3A_218 = tpu.memref_slice %arg7[%add3A_216, %dma_start3A_217] : memref<100x104xi32, #tpu.memory_space<vmem>> -> memref<1x104xi32, #tpu.memory_space<vmem>>
        %dma_start3A_219 = tpu.memref_squeeze %dma_start3A_218 : memref<1x104xi32, #tpu.memory_space<vmem>> -> memref<104xi32, #tpu.memory_space<vmem>>
        %dma_start3A_220 = arith.constant 0 : i32
        %dma_start3A_221 = arith.constant 0 : i32
        %dma_start3A_222 = tpu.memref_slice %arg15[%dma_start3A_220, %dma_start3A_221] : memref<10000x64xf32, #tpu.memory_space<vmem_shared>> -> memref<10000x64xf32, #tpu.memory_space<vmem_shared>>
        tpu.enqueue_indirect_dma source(%dma_start3A_222 : memref<10000x64xf32, #tpu.memory_space<vmem_shared>>) target(%arg9 : memref<104x64xf32, #tpu.memory_space<vmem>>) offsets(%dma_start3A_219 : memref<104xi32, #tpu.memory_space<vmem>>) semaphore(%arg16 : memref<!tpu.dma_semaphore, #tpu.memory_space<semaphore_mem>>)
      } else {
      }
      %dma_wait3A_173 = arith.constant 0 : i32
      %dma_wait3A_174 = tpu.memref_slice %arg7[%add3A_161, %dma_wait3A_173] : memref<100x104xi32, #tpu.memory_space<vmem>> -> memref<1x104xi32, #tpu.memory_space<vmem>>
      %dma_wait3A_175 = tpu.memref_squeeze %dma_wait3A_174 : memref<1x104xi32, #tpu.memory_space<vmem>> -> memref<104xi32, #tpu.memory_space<vmem>>
      %dma_wait3A_176 = arith.constant 0 : i32
      %dma_wait3A_177 = arith.constant 0 : i32
      %dma_wait3A_178 = tpu.memref_slice %arg15[%dma_wait3A_176, %dma_wait3A_177] : memref<10000x64xf32, #tpu.memory_space<vmem_shared>> -> memref<10000x64xf32, #tpu.memory_space<vmem_shared>>
      tpu.wait_indirect_dma semaphore(%arg18 : memref<!tpu.dma_semaphore, #tpu.memory_space<semaphore_mem>>) src(%dma_wait3A_178 : memref<10000x64xf32, #tpu.memory_space<vmem_shared>>) dst(%arg11 : memref<104x64xf32, #tpu.memory_space<vmem>>)
      %dma_start3A_179 = arith.constant 0 : i32
      %dma_start3A_180 = tpu.memref_slice %arg8[%add3A_161, %dma_start3A_179] : memref<100x104xi32, #tpu.memory_space<vmem>> -> memref<1x104xi32, #tpu.memory_space<vmem>>
      %dma_start3A_181 = tpu.memref_squeeze %dma_start3A_180 : memref<1x104xi32, #tpu.memory_space<vmem>> -> memref<104xi32, #tpu.memory_space<vmem>>
      %dma_start3A_182 = arith.constant 0 : i32
      %dma_start3A_183 = arith.constant 0 : i32
      %dma_start3A_184 = tpu.memref_slice %arg14[%dma_start3A_182, %dma_start3A_183] : memref<10240x64xf32, #tpu.memory_space<vmem_shared>> -> memref<10240x64xf32, #tpu.memory_space<vmem_shared>>
      tpu.enqueue_indirect_dma source(%arg11 : memref<104x64xf32, #tpu.memory_space<vmem>>) target(%dma_start3A_184 : memref<10240x64xf32, #tpu.memory_space<vmem_shared>>) offsets(%dma_start3A_181 : memref<104xi32, #tpu.memory_space<vmem>>) semaphore(%arg22 : memref<!tpu.dma_semaphore, #tpu.memory_space<semaphore_mem>>) {add = true}
      %mul3A_185 = arith.constant 4 : i32
      %mul3A_186 = arith.muli %mul3A_185, %scan3A_102 : i32
      %add3A_187 = arith.constant 3 : i32
      %add3A_188 = arith.addi %mul3A_186, %add3A_187 : i32
      %sub3A_189 = arith.constant 2 : i32
      %sub3A_190 = arith.subi %add3A_188, %sub3A_189 : i32
      %dma_wait3A_191 = arith.constant 0 : i32
      %dma_wait3A_192 = tpu.memref_slice %arg8[%sub3A_190, %dma_wait3A_191] : memref<100x104xi32, #tpu.memory_space<vmem>> -> memref<1x104xi32, #tpu.memory_space<vmem>>
      %dma_wait3A_193 = tpu.memref_squeeze %dma_wait3A_192 : memref<1x104xi32, #tpu.memory_space<vmem>> -> memref<104xi32, #tpu.memory_space<vmem>>
      %dma_wait3A_194 = arith.constant 0 : i32
      %dma_wait3A_195 = arith.constant 0 : i32
      %dma_wait3A_196 = tpu.memref_slice %arg14[%dma_wait3A_194, %dma_wait3A_195] : memref<10240x64xf32, #tpu.memory_space<vmem_shared>> -> memref<10240x64xf32, #tpu.memory_space<vmem_shared>>
      tpu.wait_indirect_dma semaphore(%arg21 : memref<!tpu.dma_semaphore, #tpu.memory_space<semaphore_mem>>) src(%arg10 : memref<104x64xf32, #tpu.memory_space<vmem>>) dst(%dma_wait3A_196 : memref<10240x64xf32, #tpu.memory_space<vmem_shared>>)
      %lt3A_197 = arith.constant 24 : i32
      %lt3A_198 = arith.cmpi slt, %scan3A_102, %lt3A_197 : i32
      %convert_element_type3A_199 = arith.extui %lt3A_198 : i1 to i32
      %cond3A_200 = arith.constant 0 : i32
      %cond3A_201 = arith.cmpi ne, %convert_element_type3A_199, %cond3A_200 : i32
      scf.if %cond3A_201 {
        %add3A_215 = arith.constant 2 : i32
        %add3A_216 = arith.addi %add3A_188, %add3A_215 : i32
        %dma_start3A_217 = arith.constant 0 : i32
        %dma_start3A_218 = tpu.memref_slice %arg7[%add3A_216, %dma_start3A_217] : memref<100x104xi32, #tpu.memory_space<vmem>> -> memref<1x104xi32, #tpu.memory_space<vmem>>
        %dma_start3A_219 = tpu.memref_squeeze %dma_start3A_218 : memref<1x104xi32, #tpu.memory_space<vmem>> -> memref<104xi32, #tpu.memory_space<vmem>>
        %dma_start3A_220 = arith.constant 0 : i32
        %dma_start3A_221 = arith.constant 0 : i32
        %dma_start3A_222 = tpu.memref_slice %arg15[%dma_start3A_220, %dma_start3A_221] : memref<10000x64xf32, #tpu.memory_space<vmem_shared>> -> memref<10000x64xf32, #tpu.memory_space<vmem_shared>>
        tpu.enqueue_indirect_dma source(%dma_start3A_222 : memref<10000x64xf32, #tpu.memory_space<vmem_shared>>) target(%arg10 : memref<104x64xf32, #tpu.memory_space<vmem>>) offsets(%dma_start3A_219 : memref<104xi32, #tpu.memory_space<vmem>>) semaphore(%arg17 : memref<!tpu.dma_semaphore, #tpu.memory_space<semaphore_mem>>)
      } else {
      }
      %dma_wait3A_202 = arith.constant 0 : i32
      %dma_wait3A_203 = tpu.memref_slice %arg7[%add3A_188, %dma_wait3A_202] : memref<100x104xi32, #tpu.memory_space<vmem>> -> memref<1x104xi32, #tpu.memory_space<vmem>>
      %dma_wait3A_204 = tpu.memref_squeeze %dma_wait3A_203 : memref<1x104xi32, #tpu.memory_space<vmem>> -> memref<104xi32, #tpu.memory_space<vmem>>
      %dma_wait3A_205 = arith.constant 0 : i32
      %dma_wait3A_206 = arith.constant 0 : i32
      %dma_wait3A_207 = tpu.memref_slice %arg15[%dma_wait3A_205, %dma_wait3A_206] : memref<10000x64xf32, #tpu.memory_space<vmem_shared>> -> memref<10000x64xf32, #tpu.memory_space<vmem_shared>>
      tpu.wait_indirect_dma semaphore(%arg19 : memref<!tpu.dma_semaphore, #tpu.memory_space<semaphore_mem>>) src(%dma_wait3A_207 : memref<10000x64xf32, #tpu.memory_space<vmem_shared>>) dst(%arg12 : memref<104x64xf32, #tpu.memory_space<vmem>>)
      %dma_start3A_208 = arith.constant 0 : i32
      %dma_start3A_209 = tpu.memref_slice %arg8[%add3A_188, %dma_start3A_208] : memref<100x104xi32, #tpu.memory_space<vmem>> -> memref<1x104xi32, #tpu.memory_space<vmem>>
      %dma_start3A_210 = tpu.memref_squeeze %dma_start3A_209 : memref<1x104xi32, #tpu.memory_space<vmem>> -> memref<104xi32, #tpu.memory_space<vmem>>
      %dma_start3A_211 = arith.constant 0 : i32
      %dma_start3A_212 = arith.constant 0 : i32
      %dma_start3A_213 = tpu.memref_slice %arg14[%dma_start3A_211, %dma_start3A_212] : memref<10240x64xf32, #tpu.memory_space<vmem_shared>> -> memref<10240x64xf32, #tpu.memory_space<vmem_shared>>
      tpu.enqueue_indirect_dma source(%arg12 : memref<104x64xf32, #tpu.memory_space<vmem>>) target(%dma_start3A_213 : memref<10240x64xf32, #tpu.memory_space<vmem_shared>>) offsets(%dma_start3A_210 : memref<104xi32, #tpu.memory_space<vmem>>) semaphore(%arg23 : memref<!tpu.dma_semaphore, #tpu.memory_space<semaphore_mem>>) {add = true}
      %scan3A_214 = arith.constant 0 : i32
      scf.yield %scan3A_214 : i32
    }
    %scan3A_38 = arith.constant 25 : i32
    %dma_wait3A = arith.constant 98 : i32
    %dma_wait3A_39 = arith.constant 0 : i32
    %dma_wait3A_40 = tpu.memref_slice %arg8[%dma_wait3A, %dma_wait3A_39] : memref<100x104xi32, #tpu.memory_space<vmem>> -> memref<1x104xi32, #tpu.memory_space<vmem>>
    %dma_wait3A_41 = tpu.memref_squeeze %dma_wait3A_40 : memref<1x104xi32, #tpu.memory_space<vmem>> -> memref<104xi32, #tpu.memory_space<vmem>>
    %dma_wait3A_42 = arith.constant 0 : i32
    %dma_wait3A_43 = arith.constant 0 : i32
    %dma_wait3A_44 = tpu.memref_slice %arg14[%dma_wait3A_42, %dma_wait3A_43] : memref<10240x64xf32, #tpu.memory_space<vmem_shared>> -> memref<10240x64xf32, #tpu.memory_space<vmem_shared>>
    tpu.wait_indirect_dma semaphore(%arg22 : memref<!tpu.dma_semaphore, #tpu.memory_space<semaphore_mem>>) src(%arg11 : memref<104x64xf32, #tpu.memory_space<vmem>>) dst(%dma_wait3A_44 : memref<10240x64xf32, #tpu.memory_space<vmem_shared>>)
    %dma_wait3A_45 = arith.constant 99 : i32
    %dma_wait3A_46 = arith.constant 0 : i32
    %dma_wait3A_47 = tpu.memref_slice %arg8[%dma_wait3A_45, %dma_wait3A_46] : memref<100x104xi32, #tpu.memory_space<vmem>> -> memref<1x104xi32, #tpu.memory_space<vmem>>
    %dma_wait3A_48 = tpu.memref_squeeze %dma_wait3A_47 : memref<1x104xi32, #tpu.memory_space<vmem>> -> memref<104xi32, #tpu.memory_space<vmem>>
    %dma_wait3A_49 = arith.constant 0 : i32
    %dma_wait3A_50 = arith.constant 0 : i32
    %dma_wait3A_51 = tpu.memref_slice %arg14[%dma_wait3A_49, %dma_wait3A_50] : memref<10240x64xf32, #tpu.memory_space<vmem_shared>> -> memref<10240x64xf32, #tpu.memory_space<vmem_shared>>
    tpu.wait_indirect_dma semaphore(%arg23 : memref<!tpu.dma_semaphore, #tpu.memory_space<semaphore_mem>>) src(%arg12 : memref<104x64xf32, #tpu.memory_space<vmem>>) dst(%dma_wait3A_51 : memref<10240x64xf32, #tpu.memory_space<vmem_shared>>)
    %barrier3A_52 = arith.constant 0 : index
    tpu.barrier barrier_id(%barrier3A_52)
    %run_scoped3A = arith.constant 0 : i32
    "tpu.region"() ({
      %run_scoped3A_102 = tpu.sem_alloc : memref<!tpu.dma_semaphore, #tpu.memory_space<semaphore_mem>>
      %dma_start3A_103 = arith.constant 0 : i32
      %dma_start3A_104 = tpu.memref_slice %arg6[%arg0, %run_scoped3A, %mul3A_7, %dma_start3A_103] : memref<2x2x10240x64xf32, #tpu.memory_space<hbm>> -> memref<1x1x640x64xf32, #tpu.memory_space<hbm>>
      %dma_start3A_105 = tpu.memref_squeeze %dma_start3A_104 : memref<1x1x640x64xf32, #tpu.memory_space<hbm>> -> memref<640x64xf32, #tpu.memory_space<hbm>>
      %dma_start3A_106 = arith.constant 0 : i32
      %dma_start3A_107 = tpu.memref_slice %arg14[%mul3A_7, %dma_start3A_106] : memref<10240x64xf32, #tpu.memory_space<vmem_shared>> -> memref<640x64xf32, #tpu.memory_space<vmem_shared>>
      tpu.enqueue_dma source(%dma_start3A_107 : memref<640x64xf32, #tpu.memory_space<vmem_shared>>) target(%dma_start3A_105 : memref<640x64xf32, #tpu.memory_space<hbm>>) target_semaphore(%run_scoped3A_102 : memref<!tpu.dma_semaphore, #tpu.memory_space<semaphore_mem>>)
      %dma_wait3A_108 = arith.constant 0 : i32
      %dma_wait3A_109 = tpu.memref_slice %arg6[%arg0, %run_scoped3A, %mul3A_7, %dma_wait3A_108] : memref<2x2x10240x64xf32, #tpu.memory_space<hbm>> -> memref<1x1x640x64xf32, #tpu.memory_space<hbm>>
      %dma_wait3A_110 = tpu.memref_squeeze %dma_wait3A_109 : memref<1x1x640x64xf32, #tpu.memory_space<hbm>> -> memref<640x64xf32, #tpu.memory_space<hbm>>
      %dma_wait3A_111 = arith.constant 0 : i32
      %dma_wait3A_112 = tpu.memref_slice %arg14[%mul3A_7, %dma_wait3A_111] : memref<10240x64xf32, #tpu.memory_space<vmem_shared>> -> memref<640x64xf32, #tpu.memory_space<vmem_shared>>
      tpu.wait_dma2 semaphore(%run_scoped3A_102 : memref<!tpu.dma_semaphore, #tpu.memory_space<semaphore_mem>>) src(%dma_wait3A_112 : memref<640x64xf32, #tpu.memory_space<vmem_shared>>) dst(%dma_wait3A_110 : memref<640x64xf32, #tpu.memory_space<hbm>>)
      tpu.yield
    }) : () -> ()
    %mul3A_53 = arith.constant 625 : i32
    %mul3A_54 = arith.muli %arg1, %mul3A_53 : i32
    %mul3A_55 = arith.constant 625 : i32
    %mul3A_56 = arith.muli %arg1, %mul3A_55 : i32
    "tpu.region"() ({
      %run_scoped3A_102 = tpu.sem_alloc : memref<!tpu.dma_semaphore, #tpu.memory_space<semaphore_mem>>
      %dma_start3A_103 = arith.constant 0 : i32
      %dma_start3A_104 = tpu.memref_slice %arg15[%mul3A_56, %dma_start3A_103] : memref<10000x64xf32, #tpu.memory_space<vmem_shared>> -> memref<625x64xf32, #tpu.memory_space<vmem_shared>>
      %dma_start3A_105 = arith.constant 0 : i32
      %dma_start3A_106 = tpu.memref_slice %arg3[%mul3A_54, %dma_start3A_105] : memref<10240x64xf32, #tpu.memory_space<hbm>> -> memref<625x64xf32, #tpu.memory_space<hbm>>
      tpu.enqueue_dma source(%dma_start3A_106 : memref<625x64xf32, #tpu.memory_space<hbm>>) target(%dma_start3A_104 : memref<625x64xf32, #tpu.memory_space<vmem_shared>>) target_semaphore(%run_scoped3A_102 : memref<!tpu.dma_semaphore, #tpu.memory_space<semaphore_mem>>)
      %dma_wait3A_107 = arith.constant 0 : i32
      %dma_wait3A_108 = tpu.memref_slice %arg15[%mul3A_56, %dma_wait3A_107] : memref<10000x64xf32, #tpu.memory_space<vmem_shared>> -> memref<625x64xf32, #tpu.memory_space<vmem_shared>>
      %dma_wait3A_109 = arith.constant 0 : i32
      %dma_wait3A_110 = tpu.memref_slice %arg3[%mul3A_54, %dma_wait3A_109] : memref<10240x64xf32, #tpu.memory_space<hbm>> -> memref<625x64xf32, #tpu.memory_space<hbm>>
      tpu.wait_dma2 semaphore(%run_scoped3A_102 : memref<!tpu.dma_semaphore, #tpu.memory_space<semaphore_mem>>) src(%dma_wait3A_110 : memref<625x64xf32, #tpu.memory_space<hbm>>) dst(%dma_wait3A_108 : memref<625x64xf32, #tpu.memory_space<vmem_shared>>)
      tpu.yield
    }) : () -> ()
    %scan3A_57 = arith.constant 0 : i32
    %scan3A_58 = arith.constant 0 : i32
    %scan3A_59 = arith.constant 20 : i32
    %scan3A_60 = arith.addi %scan3A_58, %scan3A_59 : i32
    %scan3A_61 = arith.constant 1 : i32
    %scan3A_62 = scf.for %scan3A_102 = %scan3A_58 to %scan3A_60 step %scan3A_61 iter_args(%scan3A_103 = %scan3A_57) -> (i32)  : i32 {
      %mul3A_104 = arith.constant 32 : i32
      %mul3A_105 = arith.muli %scan3A_102, %mul3A_104 : i32
      %add3A = arith.addi %mul3A_7, %mul3A_105 : i32
      "tpu.region"() ({
        %run_scoped3A_107 = tpu.sem_alloc : memref<!tpu.dma_semaphore, #tpu.memory_space<semaphore_mem>>
        %dma_start3A_108 = arith.constant 0 : i32
        %dma_start3A_109 = tpu.memref_slice %arg14[%add3A, %dma_start3A_108] : memref<10240x64xf32, #tpu.memory_space<vmem_shared>> -> memref<32x64xf32, #tpu.memory_space<vmem_shared>>
        %dma_start3A_110 = arith.constant 0 : i32
        %dma_start3A_111 = tpu.memref_slice %arg14[%add3A, %dma_start3A_110] : memref<10240x64xf32, #tpu.memory_space<vmem_shared>> -> memref<32x64xf32, #tpu.memory_space<vmem_shared>>
        tpu.enqueue_dma source(%arg13 : memref<32x64xf32, #tpu.memory_space<vmem>>) target(%dma_start3A_111 : memref<32x64xf32, #tpu.memory_space<vmem_shared>>) target_semaphore(%run_scoped3A_107 : memref<!tpu.dma_semaphore, #tpu.memory_space<semaphore_mem>>)
        %dma_wait3A_112 = arith.constant 0 : i32
        %dma_wait3A_113 = tpu.memref_slice %arg14[%add3A, %dma_wait3A_112] : memref<10240x64xf32, #tpu.memory_space<vmem_shared>> -> memref<32x64xf32, #tpu.memory_space<vmem_shared>>
        %dma_wait3A_114 = arith.constant 0 : i32
        %dma_wait3A_115 = tpu.memref_slice %arg14[%add3A, %dma_wait3A_114] : memref<10240x64xf32, #tpu.memory_space<vmem_shared>> -> memref<32x64xf32, #tpu.memory_space<vmem_shared>>
        tpu.wait_dma2 semaphore(%run_scoped3A_107 : memref<!tpu.dma_semaphore, #tpu.memory_space<semaphore_mem>>) src(%arg13 : memref<32x64xf32, #tpu.memory_space<vmem>>) dst(%dma_wait3A_115 : memref<32x64xf32, #tpu.memory_space<vmem_shared>>)
        tpu.yield
      }) : () -> ()
      %scan3A_106 = arith.constant 0 : i32
      scf.yield %scan3A_106 : i32
    }
    %scan3A_63 = arith.constant 20 : i32
    %barrier3A_64 = arith.constant 0 : index
    tpu.barrier barrier_id(%barrier3A_64)
    %dma_start3A_65 = arith.constant 0 : i32
    %dma_start3A_66 = arith.constant 0 : i32
    %dma_start3A_67 = tpu.memref_slice %arg7[%dma_start3A_65, %dma_start3A_66] : memref<100x104xi32, #tpu.memory_space<vmem>> -> memref<1x104xi32, #tpu.memory_space<vmem>>
    %dma_start3A_68 = tpu.memref_squeeze %dma_start3A_67 : memref<1x104xi32, #tpu.memory_space<vmem>> -> memref<104xi32, #tpu.memory_space<vmem>>
    %dma_start3A_69 = arith.constant 0 : i32
    %dma_start3A_70 = arith.constant 0 : i32
    %dma_start3A_71 = tpu.memref_slice %arg15[%dma_start3A_69, %dma_start3A_70] : memref<10000x64xf32, #tpu.memory_space<vmem_shared>> -> memref<10000x64xf32, #tpu.memory_space<vmem_shared>>
    tpu.enqueue_indirect_dma source(%dma_start3A_71 : memref<10000x64xf32, #tpu.memory_space<vmem_shared>>) target(%arg9 : memref<104x64xf32, #tpu.memory_space<vmem>>) offsets(%dma_start3A_68 : memref<104xi32, #tpu.memory_space<vmem>>) semaphore(%arg16 : memref<!tpu.dma_semaphore, #tpu.memory_space<semaphore_mem>>)
    %dma_start3A_72 = arith.constant 1 : i32
    %dma_start3A_73 = arith.constant 0 : i32
    %dma_start3A_74 = tpu.memref_slice %arg7[%dma_start3A_72, %dma_start3A_73] : memref<100x104xi32, #tpu.memory_space<vmem>> -> memref<1x104xi32, #tpu.memory_space<vmem>>
    %dma_start3A_75 = tpu.memref_squeeze %dma_start3A_74 : memref<1x104xi32, #tpu.memory_space<vmem>> -> memref<104xi32, #tpu.memory_space<vmem>>
    %dma_start3A_76 = arith.constant 0 : i32
    %dma_start3A_77 = arith.constant 0 : i32
    %dma_start3A_78 = tpu.memref_slice %arg15[%dma_start3A_76, %dma_start3A_77] : memref<10000x64xf32, #tpu.memory_space<vmem_shared>> -> memref<10000x64xf32, #tpu.memory_space<vmem_shared>>
    tpu.enqueue_indirect_dma source(%dma_start3A_78 : memref<10000x64xf32, #tpu.memory_space<vmem_shared>>) target(%arg10 : memref<104x64xf32, #tpu.memory_space<vmem>>) offsets(%dma_start3A_75 : memref<104xi32, #tpu.memory_space<vmem>>) semaphore(%arg17 : memref<!tpu.dma_semaphore, #tpu.memory_space<semaphore_mem>>)
    %scan3A_79 = arith.constant 0 : i32
    %scan3A_80 = arith.constant 0 : i32
    %scan3A_81 = arith.constant 25 : i32
    %scan3A_82 = arith.addi %scan3A_80, %scan3A_81 : i32
    %scan3A_83 = arith.constant 1 : i32
    %scan3A_84 = scf.for %scan3A_102 = %scan3A_80 to %scan3A_82 step %scan3A_83 iter_args(%scan3A_103 = %scan3A_79) -> (i32)  : i32 {
      %mul3A_104 = arith.constant 4 : i32
      %mul3A_105 = arith.muli %mul3A_104, %scan3A_102 : i32
      %add3A = arith.constant 0 : i32
      %add3A_106 = arith.addi %mul3A_105, %add3A : i32
      %gt3A = arith.constant 0 : i32
      %gt3A_107 = arith.cmpi sgt, %scan3A_102, %gt3A : i32
      %convert_element_type3A = arith.extui %gt3A_107 : i1 to i32
      %cond3A = arith.constant 0 : i32
      %cond3A_108 = arith.cmpi ne, %convert_element_type3A, %cond3A : i32
      scf.if %cond3A_108 {
        %sub3A_215 = arith.constant 2 : i32
        %sub3A_216 = arith.subi %add3A_106, %sub3A_215 : i32
        %dma_wait3A_217 = arith.constant 0 : i32
        %dma_wait3A_218 = tpu.memref_slice %arg8[%sub3A_216, %dma_wait3A_217] : memref<100x104xi32, #tpu.memory_space<vmem>> -> memref<1x104xi32, #tpu.memory_space<vmem>>
        %dma_wait3A_219 = tpu.memref_squeeze %dma_wait3A_218 : memref<1x104xi32, #tpu.memory_space<vmem>> -> memref<104xi32, #tpu.memory_space<vmem>>
        %dma_wait3A_220 = arith.constant 0 : i32
        %dma_wait3A_221 = arith.constant 0 : i32
        %dma_wait3A_222 = tpu.memref_slice %arg14[%dma_wait3A_220, %dma_wait3A_221] : memref<10240x64xf32, #tpu.memory_space<vmem_shared>> -> memref<10240x64xf32, #tpu.memory_space<vmem_shared>>
        tpu.wait_indirect_dma semaphore(%arg22 : memref<!tpu.dma_semaphore, #tpu.memory_space<semaphore_mem>>) src(%arg11 : memref<104x64xf32, #tpu.memory_space<vmem>>) dst(%dma_wait3A_222 : memref<10240x64xf32, #tpu.memory_space<vmem_shared>>)
      } else {
      }
      %add3A_109 = arith.constant 2 : i32
      %add3A_110 = arith.addi %add3A_106, %add3A_109 : i32
      %dma_start3A_111 = arith.constant 0 : i32
      %dma_start3A_112 = tpu.memref_slice %arg7[%add3A_110, %dma_start3A_111] : memref<100x104xi32, #tpu.memory_space<vmem>> -> memref<1x104xi32, #tpu.memory_space<vmem>>
      %dma_start3A_113 = tpu.memref_squeeze %dma_start3A_112 : memref<1x104xi32, #tpu.memory_space<vmem>> -> memref<104xi32, #tpu.memory_space<vmem>>
      %dma_start3A_114 = arith.constant 0 : i32
      %dma_start3A_115 = arith.constant 0 : i32
      %dma_start3A_116 = tpu.memref_slice %arg15[%dma_start3A_114, %dma_start3A_115] : memref<10000x64xf32, #tpu.memory_space<vmem_shared>> -> memref<10000x64xf32, #tpu.memory_space<vmem_shared>>
      tpu.enqueue_indirect_dma source(%dma_start3A_116 : memref<10000x64xf32, #tpu.memory_space<vmem_shared>>) target(%arg11 : memref<104x64xf32, #tpu.memory_space<vmem>>) offsets(%dma_start3A_113 : memref<104xi32, #tpu.memory_space<vmem>>) semaphore(%arg18 : memref<!tpu.dma_semaphore, #tpu.memory_space<semaphore_mem>>)
      %dma_wait3A_117 = arith.constant 0 : i32
      %dma_wait3A_118 = tpu.memref_slice %arg7[%add3A_106, %dma_wait3A_117] : memref<100x104xi32, #tpu.memory_space<vmem>> -> memref<1x104xi32, #tpu.memory_space<vmem>>
      %dma_wait3A_119 = tpu.memref_squeeze %dma_wait3A_118 : memref<1x104xi32, #tpu.memory_space<vmem>> -> memref<104xi32, #tpu.memory_space<vmem>>
      %dma_wait3A_120 = arith.constant 0 : i32
      %dma_wait3A_121 = arith.constant 0 : i32
      %dma_wait3A_122 = tpu.memref_slice %arg15[%dma_wait3A_120, %dma_wait3A_121] : memref<10000x64xf32, #tpu.memory_space<vmem_shared>> -> memref<10000x64xf32, #tpu.memory_space<vmem_shared>>
      tpu.wait_indirect_dma semaphore(%arg16 : memref<!tpu.dma_semaphore, #tpu.memory_space<semaphore_mem>>) src(%dma_wait3A_122 : memref<10000x64xf32, #tpu.memory_space<vmem_shared>>) dst(%arg9 : memref<104x64xf32, #tpu.memory_space<vmem>>)
      %dma_start3A_123 = arith.constant 0 : i32
      %dma_start3A_124 = tpu.memref_slice %arg8[%add3A_106, %dma_start3A_123] : memref<100x104xi32, #tpu.memory_space<vmem>> -> memref<1x104xi32, #tpu.memory_space<vmem>>
      %dma_start3A_125 = tpu.memref_squeeze %dma_start3A_124 : memref<1x104xi32, #tpu.memory_space<vmem>> -> memref<104xi32, #tpu.memory_space<vmem>>
      %dma_start3A_126 = arith.constant 0 : i32
      %dma_start3A_127 = arith.constant 0 : i32
      %dma_start3A_128 = tpu.memref_slice %arg14[%dma_start3A_126, %dma_start3A_127] : memref<10240x64xf32, #tpu.memory_space<vmem_shared>> -> memref<10240x64xf32, #tpu.memory_space<vmem_shared>>
      tpu.enqueue_indirect_dma source(%arg9 : memref<104x64xf32, #tpu.memory_space<vmem>>) target(%dma_start3A_128 : memref<10240x64xf32, #tpu.memory_space<vmem_shared>>) offsets(%dma_start3A_125 : memref<104xi32, #tpu.memory_space<vmem>>) semaphore(%arg20 : memref<!tpu.dma_semaphore, #tpu.memory_space<semaphore_mem>>) {add = true}
      %mul3A_129 = arith.constant 4 : i32
      %mul3A_130 = arith.muli %mul3A_129, %scan3A_102 : i32
      %add3A_131 = arith.constant 1 : i32
      %add3A_132 = arith.addi %mul3A_130, %add3A_131 : i32
      %gt3A_133 = arith.constant 0 : i32
      %gt3A_134 = arith.cmpi sgt, %scan3A_102, %gt3A_133 : i32
      %convert_element_type3A_135 = arith.extui %gt3A_134 : i1 to i32
      %cond3A_136 = arith.constant 0 : i32
      %cond3A_137 = arith.cmpi ne, %convert_element_type3A_135, %cond3A_136 : i32
      scf.if %cond3A_137 {
        %sub3A_215 = arith.constant 2 : i32
        %sub3A_216 = arith.subi %add3A_132, %sub3A_215 : i32
        %dma_wait3A_217 = arith.constant 0 : i32
        %dma_wait3A_218 = tpu.memref_slice %arg8[%sub3A_216, %dma_wait3A_217] : memref<100x104xi32, #tpu.memory_space<vmem>> -> memref<1x104xi32, #tpu.memory_space<vmem>>
        %dma_wait3A_219 = tpu.memref_squeeze %dma_wait3A_218 : memref<1x104xi32, #tpu.memory_space<vmem>> -> memref<104xi32, #tpu.memory_space<vmem>>
        %dma_wait3A_220 = arith.constant 0 : i32
        %dma_wait3A_221 = arith.constant 0 : i32
        %dma_wait3A_222 = tpu.memref_slice %arg14[%dma_wait3A_220, %dma_wait3A_221] : memref<10240x64xf32, #tpu.memory_space<vmem_shared>> -> memref<10240x64xf32, #tpu.memory_space<vmem_shared>>
        tpu.wait_indirect_dma semaphore(%arg23 : memref<!tpu.dma_semaphore, #tpu.memory_space<semaphore_mem>>) src(%arg12 : memref<104x64xf32, #tpu.memory_space<vmem>>) dst(%dma_wait3A_222 : memref<10240x64xf32, #tpu.memory_space<vmem_shared>>)
      } else {
      }
      %add3A_138 = arith.constant 2 : i32
      %add3A_139 = arith.addi %add3A_132, %add3A_138 : i32
      %dma_start3A_140 = arith.constant 0 : i32
      %dma_start3A_141 = tpu.memref_slice %arg7[%add3A_139, %dma_start3A_140] : memref<100x104xi32, #tpu.memory_space<vmem>> -> memref<1x104xi32, #tpu.memory_space<vmem>>
      %dma_start3A_142 = tpu.memref_squeeze %dma_start3A_141 : memref<1x104xi32, #tpu.memory_space<vmem>> -> memref<104xi32, #tpu.memory_space<vmem>>
      %dma_start3A_143 = arith.constant 0 : i32
      %dma_start3A_144 = arith.constant 0 : i32
      %dma_start3A_145 = tpu.memref_slice %arg15[%dma_start3A_143, %dma_start3A_144] : memref<10000x64xf32, #tpu.memory_space<vmem_shared>> -> memref<10000x64xf32, #tpu.memory_space<vmem_shared>>
      tpu.enqueue_indirect_dma source(%dma_start3A_145 : memref<10000x64xf32, #tpu.memory_space<vmem_shared>>) target(%arg12 : memref<104x64xf32, #tpu.memory_space<vmem>>) offsets(%dma_start3A_142 : memref<104xi32, #tpu.memory_space<vmem>>) semaphore(%arg19 : memref<!tpu.dma_semaphore, #tpu.memory_space<semaphore_mem>>)
      %dma_wait3A_146 = arith.constant 0 : i32
      %dma_wait3A_147 = tpu.memref_slice %arg7[%add3A_132, %dma_wait3A_146] : memref<100x104xi32, #tpu.memory_space<vmem>> -> memref<1x104xi32, #tpu.memory_space<vmem>>
      %dma_wait3A_148 = tpu.memref_squeeze %dma_wait3A_147 : memref<1x104xi32, #tpu.memory_space<vmem>> -> memref<104xi32, #tpu.memory_space<vmem>>
      %dma_wait3A_149 = arith.constant 0 : i32
      %dma_wait3A_150 = arith.constant 0 : i32
      %dma_wait3A_151 = tpu.memref_slice %arg15[%dma_wait3A_149, %dma_wait3A_150] : memref<10000x64xf32, #tpu.memory_space<vmem_shared>> -> memref<10000x64xf32, #tpu.memory_space<vmem_shared>>
      tpu.wait_indirect_dma semaphore(%arg17 : memref<!tpu.dma_semaphore, #tpu.memory_space<semaphore_mem>>) src(%dma_wait3A_151 : memref<10000x64xf32, #tpu.memory_space<vmem_shared>>) dst(%arg10 : memref<104x64xf32, #tpu.memory_space<vmem>>)
      %dma_start3A_152 = arith.constant 0 : i32
      %dma_start3A_153 = tpu.memref_slice %arg8[%add3A_132, %dma_start3A_152] : memref<100x104xi32, #tpu.memory_space<vmem>> -> memref<1x104xi32, #tpu.memory_space<vmem>>
      %dma_start3A_154 = tpu.memref_squeeze %dma_start3A_153 : memref<1x104xi32, #tpu.memory_space<vmem>> -> memref<104xi32, #tpu.memory_space<vmem>>
      %dma_start3A_155 = arith.constant 0 : i32
      %dma_start3A_156 = arith.constant 0 : i32
      %dma_start3A_157 = tpu.memref_slice %arg14[%dma_start3A_155, %dma_start3A_156] : memref<10240x64xf32, #tpu.memory_space<vmem_shared>> -> memref<10240x64xf32, #tpu.memory_space<vmem_shared>>
      tpu.enqueue_indirect_dma source(%arg10 : memref<104x64xf32, #tpu.memory_space<vmem>>) target(%dma_start3A_157 : memref<10240x64xf32, #tpu.memory_space<vmem_shared>>) offsets(%dma_start3A_154 : memref<104xi32, #tpu.memory_space<vmem>>) semaphore(%arg21 : memref<!tpu.dma_semaphore, #tpu.memory_space<semaphore_mem>>) {add = true}
      %mul3A_158 = arith.constant 4 : i32
      %mul3A_159 = arith.muli %mul3A_158, %scan3A_102 : i32
      %add3A_160 = arith.constant 2 : i32
      %add3A_161 = arith.addi %mul3A_159, %add3A_160 : i32
      %sub3A = arith.constant 2 : i32
      %sub3A_162 = arith.subi %add3A_161, %sub3A : i32
      %dma_wait3A_163 = arith.constant 0 : i32
      %dma_wait3A_164 = tpu.memref_slice %arg8[%sub3A_162, %dma_wait3A_163] : memref<100x104xi32, #tpu.memory_space<vmem>> -> memref<1x104xi32, #tpu.memory_space<vmem>>
      %dma_wait3A_165 = tpu.memref_squeeze %dma_wait3A_164 : memref<1x104xi32, #tpu.memory_space<vmem>> -> memref<104xi32, #tpu.memory_space<vmem>>
      %dma_wait3A_166 = arith.constant 0 : i32
      %dma_wait3A_167 = arith.constant 0 : i32
      %dma_wait3A_168 = tpu.memref_slice %arg14[%dma_wait3A_166, %dma_wait3A_167] : memref<10240x64xf32, #tpu.memory_space<vmem_shared>> -> memref<10240x64xf32, #tpu.memory_space<vmem_shared>>
      tpu.wait_indirect_dma semaphore(%arg20 : memref<!tpu.dma_semaphore, #tpu.memory_space<semaphore_mem>>) src(%arg9 : memref<104x64xf32, #tpu.memory_space<vmem>>) dst(%dma_wait3A_168 : memref<10240x64xf32, #tpu.memory_space<vmem_shared>>)
      %lt3A = arith.constant 24 : i32
      %lt3A_169 = arith.cmpi slt, %scan3A_102, %lt3A : i32
      %convert_element_type3A_170 = arith.extui %lt3A_169 : i1 to i32
      %cond3A_171 = arith.constant 0 : i32
      %cond3A_172 = arith.cmpi ne, %convert_element_type3A_170, %cond3A_171 : i32
      scf.if %cond3A_172 {
        %add3A_215 = arith.constant 2 : i32
        %add3A_216 = arith.addi %add3A_161, %add3A_215 : i32
        %dma_start3A_217 = arith.constant 0 : i32
        %dma_start3A_218 = tpu.memref_slice %arg7[%add3A_216, %dma_start3A_217] : memref<100x104xi32, #tpu.memory_space<vmem>> -> memref<1x104xi32, #tpu.memory_space<vmem>>
        %dma_start3A_219 = tpu.memref_squeeze %dma_start3A_218 : memref<1x104xi32, #tpu.memory_space<vmem>> -> memref<104xi32, #tpu.memory_space<vmem>>
        %dma_start3A_220 = arith.constant 0 : i32
        %dma_start3A_221 = arith.constant 0 : i32
        %dma_start3A_222 = tpu.memref_slice %arg15[%dma_start3A_220, %dma_start3A_221] : memref<10000x64xf32, #tpu.memory_space<vmem_shared>> -> memref<10000x64xf32, #tpu.memory_space<vmem_shared>>
        tpu.enqueue_indirect_dma source(%dma_start3A_222 : memref<10000x64xf32, #tpu.memory_space<vmem_shared>>) target(%arg9 : memref<104x64xf32, #tpu.memory_space<vmem>>) offsets(%dma_start3A_219 : memref<104xi32, #tpu.memory_space<vmem>>) semaphore(%arg16 : memref<!tpu.dma_semaphore, #tpu.memory_space<semaphore_mem>>)
      } else {
      }
      %dma_wait3A_173 = arith.constant 0 : i32
      %dma_wait3A_174 = tpu.memref_slice %arg7[%add3A_161, %dma_wait3A_173] : memref<100x104xi32, #tpu.memory_space<vmem>> -> memref<1x104xi32, #tpu.memory_space<vmem>>
      %dma_wait3A_175 = tpu.memref_squeeze %dma_wait3A_174 : memref<1x104xi32, #tpu.memory_space<vmem>> -> memref<104xi32, #tpu.memory_space<vmem>>
      %dma_wait3A_176 = arith.constant 0 : i32
      %dma_wait3A_177 = arith.constant 0 : i32
      %dma_wait3A_178 = tpu.memref_slice %arg15[%dma_wait3A_176, %dma_wait3A_177] : memref<10000x64xf32, #tpu.memory_space<vmem_shared>> -> memref<10000x64xf32, #tpu.memory_space<vmem_shared>>
      tpu.wait_indirect_dma semaphore(%arg18 : memref<!tpu.dma_semaphore, #tpu.memory_space<semaphore_mem>>) src(%dma_wait3A_178 : memref<10000x64xf32, #tpu.memory_space<vmem_shared>>) dst(%arg11 : memref<104x64xf32, #tpu.memory_space<vmem>>)
      %dma_start3A_179 = arith.constant 0 : i32
      %dma_start3A_180 = tpu.memref_slice %arg8[%add3A_161, %dma_start3A_179] : memref<100x104xi32, #tpu.memory_space<vmem>> -> memref<1x104xi32, #tpu.memory_space<vmem>>
      %dma_start3A_181 = tpu.memref_squeeze %dma_start3A_180 : memref<1x104xi32, #tpu.memory_space<vmem>> -> memref<104xi32, #tpu.memory_space<vmem>>
      %dma_start3A_182 = arith.constant 0 : i32
      %dma_start3A_183 = arith.constant 0 : i32
      %dma_start3A_184 = tpu.memref_slice %arg14[%dma_start3A_182, %dma_start3A_183] : memref<10240x64xf32, #tpu.memory_space<vmem_shared>> -> memref<10240x64xf32, #tpu.memory_space<vmem_shared>>
      tpu.enqueue_indirect_dma source(%arg11 : memref<104x64xf32, #tpu.memory_space<vmem>>) target(%dma_start3A_184 : memref<10240x64xf32, #tpu.memory_space<vmem_shared>>) offsets(%dma_start3A_181 : memref<104xi32, #tpu.memory_space<vmem>>) semaphore(%arg22 : memref<!tpu.dma_semaphore, #tpu.memory_space<semaphore_mem>>) {add = true}
      %mul3A_185 = arith.constant 4 : i32
      %mul3A_186 = arith.muli %mul3A_185, %scan3A_102 : i32
      %add3A_187 = arith.constant 3 : i32
      %add3A_188 = arith.addi %mul3A_186, %add3A_187 : i32
      %sub3A_189 = arith.constant 2 : i32
      %sub3A_190 = arith.subi %add3A_188, %sub3A_189 : i32
      %dma_wait3A_191 = arith.constant 0 : i32
      %dma_wait3A_192 = tpu.memref_slice %arg8[%sub3A_190, %dma_wait3A_191] : memref<100x104xi32, #tpu.memory_space<vmem>> -> memref<1x104xi32, #tpu.memory_space<vmem>>
      %dma_wait3A_193 = tpu.memref_squeeze %dma_wait3A_192 : memref<1x104xi32, #tpu.memory_space<vmem>> -> memref<104xi32, #tpu.memory_space<vmem>>
      %dma_wait3A_194 = arith.constant 0 : i32
      %dma_wait3A_195 = arith.constant 0 : i32
      %dma_wait3A_196 = tpu.memref_slice %arg14[%dma_wait3A_194, %dma_wait3A_195] : memref<10240x64xf32, #tpu.memory_space<vmem_shared>> -> memref<10240x64xf32, #tpu.memory_space<vmem_shared>>
      tpu.wait_indirect_dma semaphore(%arg21 : memref<!tpu.dma_semaphore, #tpu.memory_space<semaphore_mem>>) src(%arg10 : memref<104x64xf32, #tpu.memory_space<vmem>>) dst(%dma_wait3A_196 : memref<10240x64xf32, #tpu.memory_space<vmem_shared>>)
      %lt3A_197 = arith.constant 24 : i32
      %lt3A_198 = arith.cmpi slt, %scan3A_102, %lt3A_197 : i32
      %convert_element_type3A_199 = arith.extui %lt3A_198 : i1 to i32
      %cond3A_200 = arith.constant 0 : i32
      %cond3A_201 = arith.cmpi ne, %convert_element_type3A_199, %cond3A_200 : i32
      scf.if %cond3A_201 {
        %add3A_215 = arith.constant 2 : i32
        %add3A_216 = arith.addi %add3A_188, %add3A_215 : i32
        %dma_start3A_217 = arith.constant 0 : i32
        %dma_start3A_218 = tpu.memref_slice %arg7[%add3A_216, %dma_start3A_217] : memref<100x104xi32, #tpu.memory_space<vmem>> -> memref<1x104xi32, #tpu.memory_space<vmem>>
        %dma_start3A_219 = tpu.memref_squeeze %dma_start3A_218 : memref<1x104xi32, #tpu.memory_space<vmem>> -> memref<104xi32, #tpu.memory_space<vmem>>
        %dma_start3A_220 = arith.constant 0 : i32
        %dma_start3A_221 = arith.constant 0 : i32
        %dma_start3A_222 = tpu.memref_slice %arg15[%dma_start3A_220, %dma_start3A_221] : memref<10000x64xf32, #tpu.memory_space<vmem_shared>> -> memref<10000x64xf32, #tpu.memory_space<vmem_shared>>
        tpu.enqueue_indirect_dma source(%dma_start3A_222 : memref<10000x64xf32, #tpu.memory_space<vmem_shared>>) target(%arg10 : memref<104x64xf32, #tpu.memory_space<vmem>>) offsets(%dma_start3A_219 : memref<104xi32, #tpu.memory_space<vmem>>) semaphore(%arg17 : memref<!tpu.dma_semaphore, #tpu.memory_space<semaphore_mem>>)
      } else {
      }
      %dma_wait3A_202 = arith.constant 0 : i32
      %dma_wait3A_203 = tpu.memref_slice %arg7[%add3A_188, %dma_wait3A_202] : memref<100x104xi32, #tpu.memory_space<vmem>> -> memref<1x104xi32, #tpu.memory_space<vmem>>
      %dma_wait3A_204 = tpu.memref_squeeze %dma_wait3A_203 : memref<1x104xi32, #tpu.memory_space<vmem>> -> memref<104xi32, #tpu.memory_space<vmem>>
      %dma_wait3A_205 = arith.constant 0 : i32
      %dma_wait3A_206 = arith.constant 0 : i32
      %dma_wait3A_207 = tpu.memref_slice %arg15[%dma_wait3A_205, %dma_wait3A_206] : memref<10000x64xf32, #tpu.memory_space<vmem_shared>> -> memref<10000x64xf32, #tpu.memory_space<vmem_shared>>
      tpu.wait_indirect_dma semaphore(%arg19 : memref<!tpu.dma_semaphore, #tpu.memory_space<semaphore_mem>>) src(%dma_wait3A_207 : memref<10000x64xf32, #tpu.memory_space<vmem_shared>>) dst(%arg12 : memref<104x64xf32, #tpu.memory_space<vmem>>)
      %dma_start3A_208 = arith.constant 0 : i32
      %dma_start3A_209 = tpu.memref_slice %arg8[%add3A_188, %dma_start3A_208] : memref<100x104xi32, #tpu.memory_space<vmem>> -> memref<1x104xi32, #tpu.memory_space<vmem>>
      %dma_start3A_210 = tpu.memref_squeeze %dma_start3A_209 : memref<1x104xi32, #tpu.memory_space<vmem>> -> memref<104xi32, #tpu.memory_space<vmem>>
      %dma_start3A_211 = arith.constant 0 : i32
      %dma_start3A_212 = arith.constant 0 : i32
      %dma_start3A_213 = tpu.memref_slice %arg14[%dma_start3A_211, %dma_start3A_212] : memref<10240x64xf32, #tpu.memory_space<vmem_shared>> -> memref<10240x64xf32, #tpu.memory_space<vmem_shared>>
      tpu.enqueue_indirect_dma source(%arg12 : memref<104x64xf32, #tpu.memory_space<vmem>>) target(%dma_start3A_213 : memref<10240x64xf32, #tpu.memory_space<vmem_shared>>) offsets(%dma_start3A_210 : memref<104xi32, #tpu.memory_space<vmem>>) semaphore(%arg23 : memref<!tpu.dma_semaphore, #tpu.memory_space<semaphore_mem>>) {add = true}
      %scan3A_214 = arith.constant 0 : i32
      scf.yield %scan3A_214 : i32
    }
    %scan3A_85 = arith.constant 25 : i32
    %dma_wait3A_86 = arith.constant 98 : i32
    %dma_wait3A_87 = arith.constant 0 : i32
    %dma_wait3A_88 = tpu.memref_slice %arg8[%dma_wait3A_86, %dma_wait3A_87] : memref<100x104xi32, #tpu.memory_space<vmem>> -> memref<1x104xi32, #tpu.memory_space<vmem>>
    %dma_wait3A_89 = tpu.memref_squeeze %dma_wait3A_88 : memref<1x104xi32, #tpu.memory_space<vmem>> -> memref<104xi32, #tpu.memory_space<vmem>>
    %dma_wait3A_90 = arith.constant 0 : i32
    %dma_wait3A_91 = arith.constant 0 : i32
    %dma_wait3A_92 = tpu.memref_slice %arg14[%dma_wait3A_90, %dma_wait3A_91] : memref<10240x64xf32, #tpu.memory_space<vmem_shared>> -> memref<10240x64xf32, #tpu.memory_space<vmem_shared>>
    tpu.wait_indirect_dma semaphore(%arg22 : memref<!tpu.dma_semaphore, #tpu.memory_space<semaphore_mem>>) src(%arg11 : memref<104x64xf32, #tpu.memory_space<vmem>>) dst(%dma_wait3A_92 : memref<10240x64xf32, #tpu.memory_space<vmem_shared>>)
    %dma_wait3A_93 = arith.constant 99 : i32
    %dma_wait3A_94 = arith.constant 0 : i32
    %dma_wait3A_95 = tpu.memref_slice %arg8[%dma_wait3A_93, %dma_wait3A_94] : memref<100x104xi32, #tpu.memory_space<vmem>> -> memref<1x104xi32, #tpu.memory_space<vmem>>
    %dma_wait3A_96 = tpu.memref_squeeze %dma_wait3A_95 : memref<1x104xi32, #tpu.memory_space<vmem>> -> memref<104xi32, #tpu.memory_space<vmem>>
    %dma_wait3A_97 = arith.constant 0 : i32
    %dma_wait3A_98 = arith.constant 0 : i32
    %dma_wait3A_99 = tpu.memref_slice %arg14[%dma_wait3A_97, %dma_wait3A_98] : memref<10240x64xf32, #tpu.memory_space<vmem_shared>> -> memref<10240x64xf32, #tpu.memory_space<vmem_shared>>
    tpu.wait_indirect_dma semaphore(%arg23 : memref<!tpu.dma_semaphore, #tpu.memory_space<semaphore_mem>>) src(%arg12 : memref<104x64xf32, #tpu.memory_space<vmem>>) dst(%dma_wait3A_99 : memref<10240x64xf32, #tpu.memory_space<vmem_shared>>)
    %barrier3A_100 = arith.constant 0 : index
    tpu.barrier barrier_id(%barrier3A_100)
    %run_scoped3A_101 = arith.constant 1 : i32
    "tpu.region"() ({
      %run_scoped3A_102 = tpu.sem_alloc : memref<!tpu.dma_semaphore, #tpu.memory_space<semaphore_mem>>
      %dma_start3A_103 = arith.constant 0 : i32
      %dma_start3A_104 = tpu.memref_slice %arg6[%arg0, %run_scoped3A_101, %mul3A_7, %dma_start3A_103] : memref<2x2x10240x64xf32, #tpu.memory_space<hbm>> -> memref<1x1x640x64xf32, #tpu.memory_space<hbm>>
      %dma_start3A_105 = tpu.memref_squeeze %dma_start3A_104 : memref<1x1x640x64xf32, #tpu.memory_space<hbm>> -> memref<640x64xf32, #tpu.memory_space<hbm>>
      %dma_start3A_106 = arith.constant 0 : i32
      %dma_start3A_107 = tpu.memref_slice %arg14[%mul3A_7, %dma_start3A_106] : memref<10240x64xf32, #tpu.memory_space<vmem_shared>> -> memref<640x64xf32, #tpu.memory_space<vmem_shared>>
      tpu.enqueue_dma source(%dma_start3A_107 : memref<640x64xf32, #tpu.memory_space<vmem_shared>>) target(%dma_start3A_105 : memref<640x64xf32, #tpu.memory_space<hbm>>) target_semaphore(%run_scoped3A_102 : memref<!tpu.dma_semaphore, #tpu.memory_space<semaphore_mem>>)
      %dma_wait3A_108 = arith.constant 0 : i32
      %dma_wait3A_109 = tpu.memref_slice %arg6[%arg0, %run_scoped3A_101, %mul3A_7, %dma_wait3A_108] : memref<2x2x10240x64xf32, #tpu.memory_space<hbm>> -> memref<1x1x640x64xf32, #tpu.memory_space<hbm>>
      %dma_wait3A_110 = tpu.memref_squeeze %dma_wait3A_109 : memref<1x1x640x64xf32, #tpu.memory_space<hbm>> -> memref<640x64xf32, #tpu.memory_space<hbm>>
      %dma_wait3A_111 = arith.constant 0 : i32
      %dma_wait3A_112 = tpu.memref_slice %arg14[%mul3A_7, %dma_wait3A_111] : memref<10240x64xf32, #tpu.memory_space<vmem_shared>> -> memref<640x64xf32, #tpu.memory_space<vmem_shared>>
      tpu.wait_dma2 semaphore(%run_scoped3A_102 : memref<!tpu.dma_semaphore, #tpu.memory_space<semaphore_mem>>) src(%dma_wait3A_112 : memref<640x64xf32, #tpu.memory_space<vmem_shared>>) dst(%dma_wait3A_110 : memref<640x64xf32, #tpu.memory_space<hbm>>)
      tpu.yield
    }) : () -> ()
    return
  }
}

module attributes {stable_mosaic.version = 14 : i64} {
  func.func @_l1_body(%arg0: i32, %arg1: memref<2x1000x16xf32, #tpu.memory_space<vmem>>, %arg2: memref<1000x128xf32, #tpu.memory_space<vmem>>, %arg3: memref<128x128xf32, #tpu.memory_space<vmem>>, %arg4: memref<128xf32, #tpu.memory_space<vmem>>, %arg5: memref<1000x64xf32, #tpu.memory_space<vmem>>, %arg6: memref<1000x64xf32, #tpu.memory_space<vmem>>) attributes {dimension_semantics = [#tpu.dimension_semantics<arbitrary>], iteration_bounds = array<i64: 10>, scalar_prefetch = 0 : i64, scratch_operands = 0 : i64, tpu.core_type = #tpu.core_type<tc>, window_params = [{transform_indices = @transform_0, window_bounds = array<i64: 2, 1000, 16>}, {transform_indices = @transform_1, window_bounds = array<i64: 1000, 128>}, {pipeline_mode = #tpu.pipeline_mode<synchronous>, transform_indices = @transform_2, window_bounds = array<i64: 128, 128>}, {pipeline_mode = #tpu.pipeline_mode<synchronous>, transform_indices = @transform_3, window_bounds = array<i64: 128>}, {transform_indices = @transform_4, window_bounds = array<i64: 1000, 64>}, {transform_indices = @transform_5, window_bounds = array<i64: 1000, 64>}]} {
    %get3A = arith.constant 0 : index
    %get3A_0 = arith.constant 0 : index
    %get3A_1 = arith.constant 0 : index
    %get3A_2 = vector.load %arg1[%get3A, %get3A_0, %get3A_1] : memref<2x1000x16xf32, #tpu.memory_space<vmem>>, vector<2x1000x16xf32>
    %reduce_sum3A = arith.constant dense<0.000000e+00> : vector<1000xf32>
    %reduce_sum3A_3 = vector.multi_reduction <add>, %get3A_2, %reduce_sum3A [0, 2] : vector<2x1000x16xf32> to vector<1000xf32>
    %gt3A = arith.constant 0.000000e+00 : f32
    %gt3A_4 = vector.broadcast %gt3A : f32 to vector<1000xf32>
    %gt3A_5 = arith.cmpf ogt, %reduce_sum3A_3, %gt3A_4 : vector<1000xf32>
    %max3A = arith.constant 1.000000e+00 : f32
    %max3A_6 = vector.broadcast %max3A : f32 to vector<1000xf32>
    %max3A_7 = arith.maximumf %reduce_sum3A_3, %max3A_6 : vector<1000xf32>
    %rsqrt3A = math.rsqrt %max3A_7 : vector<1000xf32>
    %jit3A = arith.constant 0.000000e+00 : f32
    %broadcast_in_dim3A = vector.broadcast %jit3A : f32 to vector<1000xf32>
    %select_n3A = arith.select %gt3A_5, %rsqrt3A, %broadcast_in_dim3A : vector<1000xi1>, vector<1000xf32>
    %get3A_8 = arith.constant 0 : index
    %get3A_9 = arith.constant 0 : index
    %get3A_10 = vector.load %arg2[%get3A_8, %get3A_9] : memref<1000x128xf32, #tpu.memory_space<vmem>>, vector<1000x128xf32>
    %get3A_11 = arith.constant 0 : index
    %get3A_12 = arith.constant 0 : index
    %get3A_13 = vector.load %arg3[%get3A_11, %get3A_12] : memref<128x128xf32, #tpu.memory_space<vmem>>, vector<128x128xf32>
    %dot_general3A = arith.constant dense<0.000000e+00> : vector<1000x128xf32>
    %dot_general3A_14 = tpu.matmul %get3A_10, %get3A_13, %dot_general3A {dimension_numbers = #tpu.dot_dimension_numbers<[1], [1], [0], [0], [0, 0, 1, 0], [], []>, transpose_lhs_hint = false} : vector<1000x128xf32>, vector<128x128xf32>, vector<1000x128xf32> -> vector<1000x128xf32>
    %get3A_15 = arith.constant 0 : index
    %get3A_16 = vector.load %arg4[%get3A_15] : memref<128xf32, #tpu.memory_space<vmem>>, vector<128xf32>
    %broadcast_in_dim3A_17 = vector.shape_cast %get3A_16 : vector<128xf32> to vector<1x128xf32>
    %add3A = vector.broadcast %broadcast_in_dim3A_17 : vector<1x128xf32> to vector<1000x128xf32>
    %add3A_18 = arith.addf %dot_general3A_14, %add3A : vector<1000x128xf32>
    %broadcast_in_dim3A_19 = vector.shape_cast %select_n3A : vector<1000xf32> to vector<1000x1xf32>
    %mul3A = vector.broadcast %broadcast_in_dim3A_19 : vector<1000x1xf32> to vector<1000x128xf32>
    %mul3A_20 = arith.mulf %add3A_18, %mul3A : vector<1000x128xf32>
    %slice3A = vector.extract_strided_slice %mul3A_20 {offsets = [0, 0], sizes = [1000, 64], strides = [1, 1]} : vector<1000x128xf32> to vector<1000x64xf32>
    %swap3A = arith.constant 0 : index
    %swap3A_21 = arith.constant 0 : index
    %swap3A_22 = vector.load %arg5[%swap3A, %swap3A_21] : memref<1000x64xf32, #tpu.memory_space<vmem>>, vector<1000x64xf32>
    tpu.vector_store %arg5[%swap3A, %swap3A_21], %slice3A {strides = array<i32>} : memref<1000x64xf32, #tpu.memory_space<vmem>>, vector<1000x64xf32>,
    %slice3A_23 = vector.extract_strided_slice %mul3A_20 {offsets = [0, 64], sizes = [1000, 64], strides = [1, 1]} : vector<1000x128xf32> to vector<1000x64xf32>
    %swap3A_24 = arith.constant 0 : index
    %swap3A_25 = arith.constant 0 : index
    %swap3A_26 = vector.load %arg6[%swap3A_24, %swap3A_25] : memref<1000x64xf32, #tpu.memory_space<vmem>>, vector<1000x64xf32>
    tpu.vector_store %arg6[%swap3A_24, %swap3A_25], %slice3A_23 {strides = array<i32>} : memref<1000x64xf32, #tpu.memory_space<vmem>>, vector<1000x64xf32>,
    return
  }
  func.func @transform_0(%arg0: i32) -> (i32, i32, i32) {
    %c0_i32 = arith.constant 0 : i32
    %c0_i32_0 = arith.constant 0 : i32
    %c0_i32_1 = arith.constant 0 : i32
    return %c0_i32, %arg0, %c0_i32_0 : i32, i32, i32
  }
  func.func @transform_1(%arg0: i32) -> (i32, i32) {
    %c0_i32 = arith.constant 0 : i32
    %c0_i32_0 = arith.constant 0 : i32
    return %arg0, %c0_i32 : i32, i32
  }
  func.func @transform_2(%arg0: i32) -> (i32, i32) {
    %c0_i32 = arith.constant 0 : i32
    %c0_i32_0 = arith.constant 0 : i32
    %c0_i32_1 = arith.constant 0 : i32
    return %c0_i32, %c0_i32_0 : i32, i32
  }
  func.func @transform_3(%arg0: i32) -> i32 {
    %c0_i32 = arith.constant 0 : i32
    %c0_i32_0 = arith.constant 0 : i32
    return %c0_i32 : i32
  }
  func.func @transform_4(%arg0: i32) -> (i32, i32) {
    %c0_i32 = arith.constant 0 : i32
    %c0_i32_0 = arith.constant 0 : i32
    return %arg0, %c0_i32 : i32, i32
  }
  func.func @transform_5(%arg0: i32) -> (i32, i32) {
    %c0_i32 = arith.constant 0 : i32
    %c0_i32_0 = arith.constant 0 : i32
    return %arg0, %c0_i32 : i32, i32
  }
}

module attributes {stable_mosaic.version = 14 : i64} {
  func.func @_l2_body(%arg0: i32, %arg1: memref<2x1000x16xf32, #tpu.memory_space<vmem>>, %arg2: memref<1000x64xf32, #tpu.memory_space<vmem>>, %arg3: memref<1000x64xf32, #tpu.memory_space<vmem>>, %arg4: memref<1000x64xf32, #tpu.memory_space<vmem>>, %arg5: memref<1000x64xf32, #tpu.memory_space<vmem>>, %arg6: memref<128x128xf32, #tpu.memory_space<vmem>>, %arg7: memref<128xf32, #tpu.memory_space<vmem>>, %arg8: memref<1000x64xf32, #tpu.memory_space<vmem>>, %arg9: memref<1000x64xf32, #tpu.memory_space<vmem>>) attributes {dimension_semantics = [#tpu.dimension_semantics<arbitrary>], iteration_bounds = array<i64: 10>, scalar_prefetch = 0 : i64, scratch_operands = 0 : i64, tpu.core_type = #tpu.core_type<tc>, window_params = [{transform_indices = @transform_0, window_bounds = array<i64: 2, 1000, 16>}, {transform_indices = @transform_1, window_bounds = array<i64: 1000, 64>}, {transform_indices = @transform_2, window_bounds = array<i64: 1000, 64>}, {transform_indices = @transform_3, window_bounds = array<i64: 1000, 64>}, {transform_indices = @transform_4, window_bounds = array<i64: 1000, 64>}, {pipeline_mode = #tpu.pipeline_mode<synchronous>, transform_indices = @transform_5, window_bounds = array<i64: 128, 128>}, {pipeline_mode = #tpu.pipeline_mode<synchronous>, transform_indices = @transform_6, window_bounds = array<i64: 128>}, {transform_indices = @transform_7, window_bounds = array<i64: 1000, 64>}, {transform_indices = @transform_8, window_bounds = array<i64: 1000, 64>}]} {
    %get3A = arith.constant 0 : index
    %get3A_0 = arith.constant 0 : index
    %get3A_1 = arith.constant 0 : index
    %get3A_2 = vector.load %arg1[%get3A, %get3A_0, %get3A_1] : memref<2x1000x16xf32, #tpu.memory_space<vmem>>, vector<2x1000x16xf32>
    %reduce_sum3A = arith.constant dense<0.000000e+00> : vector<1000xf32>
    %reduce_sum3A_3 = vector.multi_reduction <add>, %get3A_2, %reduce_sum3A [0, 2] : vector<2x1000x16xf32> to vector<1000xf32>
    %gt3A = arith.constant 0.000000e+00 : f32
    %gt3A_4 = vector.broadcast %gt3A : f32 to vector<1000xf32>
    %gt3A_5 = arith.cmpf ogt, %reduce_sum3A_3, %gt3A_4 : vector<1000xf32>
    %max3A = arith.constant 1.000000e+00 : f32
    %max3A_6 = vector.broadcast %max3A : f32 to vector<1000xf32>
    %max3A_7 = arith.maximumf %reduce_sum3A_3, %max3A_6 : vector<1000xf32>
    %rsqrt3A = math.rsqrt %max3A_7 : vector<1000xf32>
    %jit3A = arith.constant 0.000000e+00 : f32
    %broadcast_in_dim3A = vector.broadcast %jit3A : f32 to vector<1000xf32>
    %select_n3A = arith.select %gt3A_5, %rsqrt3A, %broadcast_in_dim3A : vector<1000xi1>, vector<1000xf32>
    %get3A_8 = arith.constant 0 : index
    %get3A_9 = arith.constant 0 : index
    %get3A_10 = vector.load %arg2[%get3A_8, %get3A_9] : memref<1000x64xf32, #tpu.memory_space<vmem>>, vector<1000x64xf32>
    %get3A_11 = arith.constant 0 : index
    %get3A_12 = arith.constant 0 : index
    %get3A_13 = vector.load %arg4[%get3A_11, %get3A_12] : memref<1000x64xf32, #tpu.memory_space<vmem>>, vector<1000x64xf32>
    %add3A = arith.addf %get3A_10, %get3A_13 : vector<1000x64xf32>
    %get3A_14 = arith.constant 0 : index
    %get3A_15 = arith.constant 0 : index
    %get3A_16 = vector.load %arg3[%get3A_14, %get3A_15] : memref<1000x64xf32, #tpu.memory_space<vmem>>, vector<1000x64xf32>
    %get3A_17 = arith.constant 0 : index
    %get3A_18 = arith.constant 0 : index
    %get3A_19 = vector.load %arg5[%get3A_17, %get3A_18] : memref<1000x64xf32, #tpu.memory_space<vmem>>, vector<1000x64xf32>
    %add3A_20 = arith.addf %get3A_16, %get3A_19 : vector<1000x64xf32>
    %concatenate3A = tpu.concatenate %add3A, %add3A_20 in 1 : vector<1000x64xf32>, vector<1000x64xf32> -> vector<1000x128xf32>
    %broadcast_in_dim3A_21 = vector.shape_cast %select_n3A : vector<1000xf32> to vector<1000x1xf32>
    %mul3A = vector.broadcast %broadcast_in_dim3A_21 : vector<1000x1xf32> to vector<1000x128xf32>
    %mul3A_22 = arith.mulf %concatenate3A, %mul3A : vector<1000x128xf32>
    %max3A_23 = arith.constant 0.000000e+00 : f32
    %max3A_24 = vector.broadcast %max3A_23 : f32 to vector<1000x128xf32>
    %max3A_25 = arith.maximumf %mul3A_22, %max3A_24 : vector<1000x128xf32>
    %get3A_26 = arith.constant 0 : index
    %get3A_27 = arith.constant 0 : index
    %get3A_28 = vector.load %arg6[%get3A_26, %get3A_27] : memref<128x128xf32, #tpu.memory_space<vmem>>, vector<128x128xf32>
    %dot_general3A = arith.constant dense<0.000000e+00> : vector<1000x128xf32>
    %dot_general3A_29 = tpu.matmul %max3A_25, %get3A_28, %dot_general3A {dimension_numbers = #tpu.dot_dimension_numbers<[1], [1], [0], [0], [0, 0, 1, 0], [], []>, transpose_lhs_hint = false} : vector<1000x128xf32>, vector<128x128xf32>, vector<1000x128xf32> -> vector<1000x128xf32>
    %get3A_30 = arith.constant 0 : index
    %get3A_31 = vector.load %arg7[%get3A_30] : memref<128xf32, #tpu.memory_space<vmem>>, vector<128xf32>
    %broadcast_in_dim3A_32 = vector.shape_cast %get3A_31 : vector<128xf32> to vector<1x128xf32>
    %add3A_33 = vector.broadcast %broadcast_in_dim3A_32 : vector<1x128xf32> to vector<1000x128xf32>
    %add3A_34 = arith.addf %dot_general3A_29, %add3A_33 : vector<1000x128xf32>
    %broadcast_in_dim3A_35 = vector.shape_cast %select_n3A : vector<1000xf32> to vector<1000x1xf32>
    %mul3A_36 = vector.broadcast %broadcast_in_dim3A_35 : vector<1000x1xf32> to vector<1000x128xf32>
    %mul3A_37 = arith.mulf %add3A_34, %mul3A_36 : vector<1000x128xf32>
    %slice3A = vector.extract_strided_slice %mul3A_37 {offsets = [0, 0], sizes = [1000, 64], strides = [1, 1]} : vector<1000x128xf32> to vector<1000x64xf32>
    %swap3A = arith.constant 0 : index
    %swap3A_38 = arith.constant 0 : index
    %swap3A_39 = vector.load %arg8[%swap3A, %swap3A_38] : memref<1000x64xf32, #tpu.memory_space<vmem>>, vector<1000x64xf32>
    tpu.vector_store %arg8[%swap3A, %swap3A_38], %slice3A {strides = array<i32>} : memref<1000x64xf32, #tpu.memory_space<vmem>>, vector<1000x64xf32>,
    %slice3A_40 = vector.extract_strided_slice %mul3A_37 {offsets = [0, 64], sizes = [1000, 64], strides = [1, 1]} : vector<1000x128xf32> to vector<1000x64xf32>
    %swap3A_41 = arith.constant 0 : index
    %swap3A_42 = arith.constant 0 : index
    %swap3A_43 = vector.load %arg9[%swap3A_41, %swap3A_42] : memref<1000x64xf32, #tpu.memory_space<vmem>>, vector<1000x64xf32>
    tpu.vector_store %arg9[%swap3A_41, %swap3A_42], %slice3A_40 {strides = array<i32>} : memref<1000x64xf32, #tpu.memory_space<vmem>>, vector<1000x64xf32>,
    return
  }
  func.func @transform_0(%arg0: i32) -> (i32, i32, i32) {
    %c0_i32 = arith.constant 0 : i32
    %c0_i32_0 = arith.constant 0 : i32
    %c0_i32_1 = arith.constant 0 : i32
    return %c0_i32, %arg0, %c0_i32_0 : i32, i32, i32
  }
  func.func @transform_1(%arg0: i32) -> (i32, i32) {
    %c0_i32 = arith.constant 0 : i32
    %c0_i32_0 = arith.constant 0 : i32
    return %arg0, %c0_i32 : i32, i32
  }
  func.func @transform_2(%arg0: i32) -> (i32, i32) {
    %c0_i32 = arith.constant 0 : i32
    %c0_i32_0 = arith.constant 0 : i32
    return %arg0, %c0_i32 : i32, i32
  }
  func.func @transform_3(%arg0: i32) -> (i32, i32) {
    %c0_i32 = arith.constant 0 : i32
    %c0_i32_0 = arith.constant 0 : i32
    return %arg0, %c0_i32 : i32, i32
  }
  func.func @transform_4(%arg0: i32) -> (i32, i32) {
    %c0_i32 = arith.constant 0 : i32
    %c0_i32_0 = arith.constant 0 : i32
    return %arg0, %c0_i32 : i32, i32
  }
  func.func @transform_5(%arg0: i32) -> (i32, i32) {
    %c0_i32 = arith.constant 0 : i32
    %c0_i32_0 = arith.constant 0 : i32
    %c0_i32_1 = arith.constant 0 : i32
    return %c0_i32, %c0_i32_0 : i32, i32
  }
  func.func @transform_6(%arg0: i32) -> i32 {
    %c0_i32 = arith.constant 0 : i32
    %c0_i32_0 = arith.constant 0 : i32
    return %c0_i32 : i32
  }
  func.func @transform_7(%arg0: i32) -> (i32, i32) {
    %c0_i32 = arith.constant 0 : i32
    %c0_i32_0 = arith.constant 0 : i32
    return %arg0, %c0_i32 : i32, i32
  }
  func.func @transform_8(%arg0: i32) -> (i32, i32) {
    %c0_i32 = arith.constant 0 : i32
    %c0_i32_0 = arith.constant 0 : i32
    return %arg0, %c0_i32 : i32, i32
  }
}

module attributes {stable_mosaic.version = 14 : i64} {
  func.func @_fin_body(%arg0: i32, %arg1: memref<2x1000x16xf32, #tpu.memory_space<vmem>>, %arg2: memref<1000x64xf32, #tpu.memory_space<vmem>>, %arg3: memref<1000x64xf32, #tpu.memory_space<vmem>>, %arg4: memref<1000x64xf32, #tpu.memory_space<vmem>>, %arg5: memref<1000x64xf32, #tpu.memory_space<vmem>>, %arg6: memref<1000x128xf32, #tpu.memory_space<vmem>>) attributes {dimension_semantics = [#tpu.dimension_semantics<arbitrary>], iteration_bounds = array<i64: 10>, scalar_prefetch = 0 : i64, scratch_operands = 0 : i64, tpu.core_type = #tpu.core_type<tc>, window_params = [{transform_indices = @transform_0, window_bounds = array<i64: 2, 1000, 16>}, {transform_indices = @transform_1, window_bounds = array<i64: 1000, 64>}, {transform_indices = @transform_2, window_bounds = array<i64: 1000, 64>}, {transform_indices = @transform_3, window_bounds = array<i64: 1000, 64>}, {transform_indices = @transform_4, window_bounds = array<i64: 1000, 64>}, {transform_indices = @transform_5, window_bounds = array<i64: 1000, 128>}]} {
    %get3A = arith.constant 0 : index
    %get3A_0 = arith.constant 0 : index
    %get3A_1 = arith.constant 0 : index
    %get3A_2 = vector.load %arg1[%get3A, %get3A_0, %get3A_1] : memref<2x1000x16xf32, #tpu.memory_space<vmem>>, vector<2x1000x16xf32>
    %reduce_sum3A = arith.constant dense<0.000000e+00> : vector<1000xf32>
    %reduce_sum3A_3 = vector.multi_reduction <add>, %get3A_2, %reduce_sum3A [0, 2] : vector<2x1000x16xf32> to vector<1000xf32>
    %gt3A = arith.constant 0.000000e+00 : f32
    %gt3A_4 = vector.broadcast %gt3A : f32 to vector<1000xf32>
    %gt3A_5 = arith.cmpf ogt, %reduce_sum3A_3, %gt3A_4 : vector<1000xf32>
    %max3A = arith.constant 1.000000e+00 : f32
    %max3A_6 = vector.broadcast %max3A : f32 to vector<1000xf32>
    %max3A_7 = arith.maximumf %reduce_sum3A_3, %max3A_6 : vector<1000xf32>
    %rsqrt3A = math.rsqrt %max3A_7 : vector<1000xf32>
    %jit3A = arith.constant 0.000000e+00 : f32
    %broadcast_in_dim3A = vector.broadcast %jit3A : f32 to vector<1000xf32>
    %select_n3A = arith.select %gt3A_5, %rsqrt3A, %broadcast_in_dim3A : vector<1000xi1>, vector<1000xf32>
    %get3A_8 = arith.constant 0 : index
    %get3A_9 = arith.constant 0 : index
    %get3A_10 = vector.load %arg2[%get3A_8, %get3A_9] : memref<1000x64xf32, #tpu.memory_space<vmem>>, vector<1000x64xf32>
    %get3A_11 = arith.constant 0 : index
    %get3A_12 = arith.constant 0 : index
    %get3A_13 = vector.load %arg4[%get3A_11, %get3A_12] : memref<1000x64xf32, #tpu.memory_space<vmem>>, vector<1000x64xf32>
    %add3A = arith.addf %get3A_10, %get3A_13 : vector<1000x64xf32>
    %get3A_14 = arith.constant 0 : index
    %get3A_15 = arith.constant 0 : index
    %get3A_16 = vector.load %arg3[%get3A_14, %get3A_15] : memref<1000x64xf32, #tpu.memory_space<vmem>>, vector<1000x64xf32>
    %get3A_17 = arith.constant 0 : index
    %get3A_18 = arith.constant 0 : index
    %get3A_19 = vector.load %arg5[%get3A_17, %get3A_18] : memref<1000x64xf32, #tpu.memory_space<vmem>>, vector<1000x64xf32>
    %add3A_20 = arith.addf %get3A_16, %get3A_19 : vector<1000x64xf32>
    %concatenate3A = tpu.concatenate %add3A, %add3A_20 in 1 : vector<1000x64xf32>, vector<1000x64xf32> -> vector<1000x128xf32>
    %broadcast_in_dim3A_21 = vector.shape_cast %select_n3A : vector<1000xf32> to vector<1000x1xf32>
    %mul3A = vector.broadcast %broadcast_in_dim3A_21 : vector<1000x1xf32> to vector<1000x128xf32>
    %mul3A_22 = arith.mulf %concatenate3A, %mul3A : vector<1000x128xf32>
    %swap3A = arith.constant 0 : index
    %swap3A_23 = arith.constant 0 : index
    %swap3A_24 = vector.load %arg6[%swap3A, %swap3A_23] : memref<1000x128xf32, #tpu.memory_space<vmem>>, vector<1000x128xf32>
    tpu.vector_store %arg6[%swap3A, %swap3A_23], %mul3A_22 {strides = array<i32>} : memref<1000x128xf32, #tpu.memory_space<vmem>>, vector<1000x128xf32>,
    return
  }
  func.func @transform_0(%arg0: i32) -> (i32, i32, i32) {
    %c0_i32 = arith.constant 0 : i32
    %c0_i32_0 = arith.constant 0 : i32
    %c0_i32_1 = arith.constant 0 : i32
    return %c0_i32, %arg0, %c0_i32_0 : i32, i32, i32
  }
  func.func @transform_1(%arg0: i32) -> (i32, i32) {
    %c0_i32 = arith.constant 0 : i32
    %c0_i32_0 = arith.constant 0 : i32
    return %arg0, %c0_i32 : i32, i32
  }
  func.func @transform_2(%arg0: i32) -> (i32, i32) {
    %c0_i32 = arith.constant 0 : i32
    %c0_i32_0 = arith.constant 0 : i32
    return %arg0, %c0_i32 : i32, i32
  }
  func.func @transform_3(%arg0: i32) -> (i32, i32) {
    %c0_i32 = arith.constant 0 : i32
    %c0_i32_0 = arith.constant 0 : i32
    return %arg0, %c0_i32 : i32, i32
  }
  func.func @transform_4(%arg0: i32) -> (i32, i32) {
    %c0_i32 = arith.constant 0 : i32
    %c0_i32_0 = arith.constant 0 : i32
    return %arg0, %c0_i32 : i32, i32
  }
  func.func @transform_5(%arg0: i32) -> (i32, i32) {
    %c0_i32 = arith.constant 0 : i32
    %c0_i32_0 = arith.constant 0 : i32
    return %arg0, %c0_i32 : i32, i32
  }
}

</mosaic_0001>

<sc_bundles>
// kernel: kernel.11.cloned.1.call-start
scs
__scs_entry_jumppad:
0x0: {  	(pc) =	sbr.rel $0x88, $3  }
0x1: {  	(tag) =	ssettag $0x0;
	lr =	simm.s32 $0x1  }
0x2: {  	[smem:$0x3F9B] =	sst lr;
	_ =	strace $0xD0000000  }
0x3: {  	_ = 	snop  }
0x4: {  	_ = 	snop  }
0x5: {  	_ = 	snop  }
0x6: {  	_ = 	snop  }
0x7: {  	_ = 	snop  }
__scs_overlays_trampoline_lowered:
0x8: {  	[smem:$0x3FAA] =	sst s0  }
0x9: {  	[smem:$0x3FAB] =	sst s1  }
0xa: {  	[smem:$0x3FAC] =	sst s2  }
0xb: {  	[smem:$0x3FAD] =	sst s3  }
0xc: {  	[smem:$0x3FAE] =	sst s4  }
0xd: {  	[smem:$0x3FAF] =	sst s5  }
0xe: {  	[smem:$0x3FB0] =	sst s6  }
0xf: {  	[smem:$0x3FB1] =	sst s7  }
0x10: {  	[smem:$0x3FB2] =	sst s8  }
0x11: {  	[smem:$0x3FB3] =	sst s9;
	s0 =	simm.s32 @!p0 $0x0  }
0x12: {  	s1 =	sld [smem:$0x3F99];
	s0 =	simm.s32 @p0 $0x1  }
0x13: {  	[smem:$0x3FB4] =	sst s0;
	s0 =	simm.s32 @!p1 $0x0  }
0x14: {  	s2 =	sld [smem:$0x3F98];
	s0 =	simm.s32 @p1 $0x1  }
0x15: {  	[smem:$0x3FB5] =	sst s0;
	s0 =	simm.s32 @!p2 $0x0  }
0x16: {  	s3 =	sld [smem:$0x3FDB];
	s0 =	simm.s32 @p2 $0x1  }
0x17: {  	s4 =	simm.s32 $0x1BF5;
	[smem:$0x3FB7] =	sst s0  }
0x18: {  	s0 =	sld [smem:$0x3F9A];
	_ =	swait.ge [sflag:s4], $0x0  }
0x19: {  	s7 =	sld [smem:$0x3F9B]  }
0x1a: {  	s8 =	sadd.s32 $0xFFFFE003, lr  }
0x1b: {  	s9 =	sadd.s32 $0xFFFFFEF7, lr;
	s5 =	simm.s32 $0xFFFFFFFF;
	p2 =	slt.u32 s8, $0xFFFFF086  }
0x1c: {  	p1 =	slt.u32 s9, $0xF7A;
	s5 =	simm.s32 @!p2 $0x0  }
0x1d: {  	s5 =	simm.s32 @p1 $0x1;
	p0 =	seq.s32 s7, s2  }
0x1e: {  	s7 =	smul.u32 @!p0 $0xF7A, s2;
	p2 =	seq.s32 @!p0 s5, $0x0  }
0x1f: {  	s9 =	smul.u32 $0xF7A, s1;
	s8 =	simm.s32 @!p0 $0x1BF5;
	p2 =	por !p2, p0  }
0x20: {  	[sflag:s8] =	ssyncset.s32 @!p0 $0xFFFFF086;
	s6 =	sadd.s32 @!p0 s3, s7;
	s7 =	simm.s32 @!p0 $0x108  }
0x21: {  	s3 =	sadd.s32 s3, s9;
	s6 =	sadd.s32 @!p0 $0x88, s6;
	s7 =	simm.s32 @p2 $0x1082  }
0x22: {  	[simem:s7], [sflag:s8] =	dma.local @!p0 [hbm:s6], $0xF7A  }
0x23: {  	s9 =	sor.u32 $0xD0000000, s2;
	s6 =	simm.s32 $0x108;
	_ =	swait.ge @!p0 [sflag:s8], $0x0  }
0x24: {  	s3 =	sadd.s32 $0x88, s3;
	s6 =	simm.s32 @!p1 $0x1082;
	[sflag:s4] =	ssyncset.s32 $0xFFFFF086  }
0x25: {  	[simem:s6], [sflag:s4] =	dma.local [hbm:s3], $0xF7A  }
0x26: {  	[smem:$0x3F9B] =	sst s1;
	(tag) =	ssettag s2;
	_ =	strace s9  }
0x27: {  	s1 =	sld [smem:$0x3FAB]  }
0x28: {  	s2 =	sld [smem:$0x3FAC]  }
0x29: {  	s4 =	sld [smem:$0x3FAE]  }
0x2a: {  	p0 =	seq.s32 s5, $0x0;
	s5 =	sld [smem:$0x3FAF]  }
0x2b: {  	s6 =	sld [smem:$0x3FB0]  }
0x2c: {  	s7 =	sld [smem:$0x3FB1]  }
0x2d: {  	s3 =	simm.s32 $0x108;
	s8 =	sld [smem:$0x3FB2]  }
0x2e: {  	s3 =	simm.s32 @!p0 $0x1082;
	s9 =	sld [smem:$0x3FB3]  }
0x2f: {  	lr =	sadd.s32 s0, s3;
	s0 =	sld [smem:$0x3FAA]  }
0x30: {  	s3 =	sld [smem:$0x3FAD]  }
0x31: {  	[smem:$0x3FB6] =	sst s10  }
0x32: {  	s10 =	sld [smem:$0x3FB4];
	_ =	sdelay $0x3  }
0x33: {  	p0 =	seq.s32 s10, $0x1;
	s10 =	sld [smem:$0x3FB6];
	_ =	sdelay $0x3  }
0x34: {  	[smem:$0x3FB6] =	sst s10  }
0x35: {  	s10 =	sld [smem:$0x3FB5];
	_ =	sdelay $0x3  }
0x36: {  	p1 =	seq.s32 s10, $0x1;
	s10 =	sld [smem:$0x3FB6];
	_ =	sdelay $0x3  }
0x37: {  	[smem:$0x3FB6] =	sst s10  }
0x38: {  	s10 =	sld [smem:$0x3FB7]  }
0x39: {  	_ = 	snop;
	(pc) =	sbr.ind lr, $3  }
0x3a: {  	_ = 	snop  }
0x3b: {  	_ = 	snop  }
0x3c: {  	p2 =	seq.s32 s10, $0x1;
	s10 =	sld [smem:$0x3FB6]  }
0x3d: {  	_ =	shalt  }
0x3e: {  	_ =	shalt  }
0x3f: {  	_ =	shalt  }
0x40: {  	_ =	shalt  }
0x41: {  	_ =	shalt  }
0x42: {  	_ =	shalt  }
0x43: {  	_ =	shalt  }
0x44: {  	_ =	shalt  }
0x45: {  	_ =	shalt  }
0x46: {  	_ =	shalt  }
0x47: {  	_ =	shalt  }
0x48: {  	_ =	shalt  }
0x49: {  	_ =	shalt  }
0x4a: {  	_ =	shalt  }
0x4b: {  	_ =	shalt  }
0x4c: {  	_ =	shalt  }
0x4d: {  	_ =	shalt  }
0x4e: {  	_ =	shalt  }
0x4f: {  	_ =	shalt  }
0x50: {  	_ =	shalt  }
0x51: {  	_ =	shalt  }
0x52: {  	_ =	shalt  }
0x53: {  	_ =	shalt  }
0x54: {  	_ =	shalt  }
0x55: {  	_ =	shalt  }
0x56: {  	_ =	shalt  }
0x57: {  	_ =	shalt  }
0x58: {  	_ =	shalt  }
0x59: {  	_ =	shalt  }
0x5a: {  	_ =	shalt  }
0x5b: {  	_ =	shalt  }
0x5c: {  	_ =	shalt  }
0x5d: {  	_ =	shalt  }
0x5e: {  	_ =	shalt  }
0x5f: {  	_ =	shalt  }
0x60: {  	_ =	shalt  }
0x61: {  	_ =	shalt  }
0x62: {  	_ =	shalt  }
0x63: {  	_ =	shalt  }
0x64: {  	_ =	shalt  }
0x65: {  	_ =	shalt  }
0x66: {  	_ =	shalt  }
0x67: {  	_ =	shalt  }
0x68: {  	_ =	shalt  }
0x69: {  	_ =	shalt  }
0x6a: {  	_ =	shalt  }
0x6b: {  	_ =	shalt  }
0x6c: {  	_ =	shalt  }
0x6d: {  	_ =	shalt  }
0x6e: {  	_ =	shalt  }
0x6f: {  	_ =	shalt  }
0x70: {  	_ =	shalt  }
0x71: {  	_ =	shalt  }
0x72: {  	_ =	shalt  }
0x73: {  	_ =	shalt  }
0x74: {  	_ =	shalt  }
0x75: {  	_ =	shalt  }
0x76: {  	_ =	shalt  }
0x77: {  	_ =	shalt  }
0x78: {  	_ =	shalt  }
0x79: {  	_ =	shalt  }
0x7a: {  	_ =	shalt  }
0x7b: {  	_ =	shalt  }
0x7c: {  	_ =	shalt  }
0x7d: {  	_ =	shalt  }
0x7e: {  	_ =	shalt  }
0x7f: {  	_ =	shalt  }
0x80: {  	_ =	shalt  }
0x81: {  	_ =	shalt  }
0x82: {  	_ =	shalt  }
0x83: {  	_ =	shalt  }
0x84: {  	_ =	shalt  }
0x85: {  	_ =	shalt  }
0x86: {  	_ =	shalt  }
0x87: {  	_ =	shalt  }
.Lfunc_end0:
.L_simem_size_0:
called_computation.1_lowered:
.L_overlay_start_0:
0x88: {  	s2 =	sld [smem:$0x3FD9]  }
0x89: {  	s3 =	sld [smem:$0x3FFE];
	_ =	sdelay $0x1  }
0x8a: {  	s1 =	srdreg.scid  }
0x8b: {  	s0 =	sand.u32 $0x1, s1  }
0x8c: {  	s17 =	sshll.u32 s0, $0xA;
	s2 =	sadd.s32 s3, s2  }
0x8d: {  	s2 =	sadd.s32 s2, s17  }
0x8e: {  	[smem:$0x3FC2] =	sst s2  }
0x8f: {  	_ = 	snop  }
0x90: {  	s2 =	sld [smem:$0x3FD0];
	(tm) =	ssettm $0x1  }
0x91: {  	s18 =	sld [smem:$0x3FFB];
	_ =	sdelay $0x3  }
0x92: {  	_ =	strace s18  }
0x93: {  	s3 =	sld [smem:$0x3FFC];
	_ =	sdelay $0x3  }
0x94: {  	_ =	strace s3  }
0x95: {  	s3 =	sld [smem:$0x3FFD];
	_ =	sdelay $0x3  }
0x96: {  	_ =	strace s3  }
0x97: {  	_ =	strace $0x8FFFFFFF  }
0x98: {  	s19 =	sld [smem:$0x3FDB];
	_ =	sdelay $0x1  }
0x99: {  	s4 =	simm.s32 $_scs_section_size  }
0x9a: {  	s5 =	simm.s32 $_size__tile_overlayer_lowered;
	s6 =	simm.s32 $_tile_overlayer_lowered  }
0x9b: {  	s22 =	simm.s32 $0x1BFF;
	s21 =	sshll.u32 s6, $0x1;
	s3 =	sadd.s32 s4, s19  }
0x9c: {  	s7 =	simm.s32 $0x0;
	s20 =	sshll.u32 s5, $0x1;
	s5 =	sadd.s32 s21, s3  }
0x9d: {  	[timem:s7], [sflag:s22] =	dma.local [hbm:s5], s20  }
0x9e: {  	_ =	swait.ge [sflag:s22], s20  }
0x9f: {  	s4 =	ssub.s32 $0x0, s20;
	[sflag:s22] =	ssyncset.done $0x0  }
0xa0: {  	[sflag:s22] =	ssyncadd.s32 s4;
	_ =	sdelay $0x1  }
0xa1: {  	s23 =	simm.s32 $0x1B8B  }
0xa2: {  	_ =	swait.ge [sflag:s23], $0x1  }
0xa3: {  	[sflag:s23] =	ssyncset.done $0x0  }
0xa4: {  	s25 =	simm.s32 $0x1B8E;
	s24 =	sld [smem:$0x3FFE];
	[sflag:s23] =	ssyncadd.s32 $0xFFFFFFFF  }
0xa5: {  	s26 =	simm.s32 $execute0_lowered;
	[smem:$0x3FD2] =	sst s25  }
0xa6: {  	s5 =	sshll.u32 s26, $0x1;
	_ =	strace $0x80000049;
	[dreg:$0x1] =	wrdreg $0xFFFFFFFF  }
0xa7: {  	s28 =	simm.s32 $_size_execute0_lowered;
	s3 =	sadd.s32 s3, s5;
	[dreg:$0x0] =	wrdreg $0x0  }
0xa8: {  	s5 =	sshll.u32 s28, $0x1;
	[dreg:$0x2] =	wrdreg s3  }
0xa9: {  	[dreg:$0x3] =	wrdreg s5  }
0xaa: {  	[dreg:$0x4] =	wrdreg $0xC0  }
0xab: {  	_ =	task [dreg:s7], $0x5FFFF  }
0xac: {  	[dreg:$0x1] =	wrdreg $0xFFFFFFFF  }
0xad: {  	[dreg:$0x0] =	wrdreg $0x60  }
0xae: {  	[dreg:$0x2] =	wrdreg s2  }
0xaf: {  	[dreg:$0x3] =	wrdreg s24  }
0xb0: {  	[dreg:$0x4] =	wrdreg $0x161400  }
0xb1: {  	[dreg:$0x5] =	wrdreg $0xC1400  }
0xb2: {  	[dreg:$0x6] =	wrdreg $0x9  }
0xb3: {  	_ =	task.clear_ibuf [dreg:s7], $0x7FFFF;
	_ =	strace $0x90000049  }
0xb4: {  	s29 =	simm.s32 $0x9;
	_ =	strace $0x8000004B  }
0xb5: {  	_ =	swait.ge [sflag:s29], $0x1  }
0xb6: {  	[sflag:s29] =	ssyncadd.s32 $0xFFFFFFFF  }
0xb7: {  	_ =	strace $0x9000004B  }
0xb8: {  	_ =	sfence  }
0xb9: {  	s30 =	sld [smem:$0x0];
	_ =	sdelay $0x2  }
0xba: {  	s31 =	sshll.u32 s1, $0xD;
	s1 =	sshrl.u32 s1, $0x2  }
0xbb: {  	s3 =	sand.u32 $0x4000, s31;
	s1 =	sadd.s32 s1, s30  }
0xbc: {  	s0 =	sor.u32 s3, s0;
	s1 =	sshll.u32 s1, $0x11  }
0xbd: {  	s0 =	sor.u32 s1, s0  }
0xbe: {  	s0 =	sadd.s32 $0x8F2B, s0  }
0xbf: {  	[sflag:s0] =	ssyncadd.remote.s32 $0x1  }
0xc0: {  	_ =	sfence.sel $0xFFFF  }
0xc1: {  	[dreg:$0x0] =	wrdreg $0xFFFFFFFF;
	(pc) =	sbr.abs _section_cstart, $3  }
0xc2: {  	[dreg:$0x1] =	wrdreg $0xFFFFFFFF  }
0xc3: {  	_ =	task.clear_ibuf [dreg:s7], $0x2FFFF;
	_ =	strace $0x9FFFFFFF  }
0xc4: {  	(tm) =	ssettm $0x7FFFFFFF  }
0xc5: {  	_ =	shalt  }
tec
execute0_lowered:
.L_overlay_start_1:
0x0: {  	(tag) =	ssettag $0x1  }
0x1: {  	s0 =	rddreg [dreg:$0x0];
	s13 =	stileid.u32  }
0x2: {  	s1 =	rddreg [dreg:$0x1];
	s5 =	smul.u32 $0x9C40, s13  }
0x3: {  	s3 =	srdreg.scid;
	s8 =	smul.u32 $0x28A0, s13  }
0x4: {  	s2 =	rddreg [dreg:$0x2];
	s4 =	simm.s32 $0x0;
	s24 =	smul.u32 $0xA000, s13  }
0x5: {  	s6 =	sand.u32 $0x1, s3;
	s3 =	rddreg [dreg:$0x3];
	s13 =	smul.u32 $0x28000, s13  }
0x6: {  	[smem:$0x7FF] =	sst s4;
	s7 =	smul.u32 $0x28A00, s6  }
0x7: {  	s9 =	smul.u32 $0x140000, s6;
	_ =	strace $0x8000004A;
	s6 =	ssub.s32 $0x2, s6  }
0x8: {  	s10 =	sshrl.u32 s5, $0x3;
	s12 =	sshrl.u32 s6, $0x1;
	s5 =	sadd.s32 s5, s2  }
0x9: {  	s26 =	sshrl.u32 s13, $0x2;
	s7 =	sadd.s32 s8, s7;
	s11 =	sadd.s32 s10, s1  }
0xa: {  	s9 =	sadd.s32 s24, s9;
	[dreg:$0x7] =	wrdreg s5;
	s0 =	sadd.s32 s0, s10  }
0xb: {  	s6 =	ssub.s32 s6, s12;
	s10 =	sadd.s32 s24, s3;
	[dreg:$0x8] =	wrdreg s0  }
0xc: {  	s7 =	sshrl.u32 s7, $0x3;
	[dreg:$0xa] =	wrdreg s10;
	s11 =	sadd.s32 $0x66400, s11  }
0xd: {  	s13 =	smax.u32 s6, $0x1;
	s7 =	sadd.s32 s7, s1;
	[dreg:$0xb] =	wrdreg s11  }
0xe: {  	s9 =	sshrl.u32 s9, $0x3;
	[dreg:$0xd] =	wrdreg s13;
	s25 =	sadd.s32 $0xC000, s7  }
0xf: {  	s1 =	sadd.s32 s9, s1;
	s7 =	sadd.s32 $0x1C00, s7;
	[dreg:$0x5] =	wrdreg s25  }
0x10: {  	s9 =	sadd.s32 s26, s3;
	s12 =	sadd.s32 $0x8E400, s1;
	[dreg:$0x6] =	wrdreg s7  }
0x11: {  	s28 =	simm.s32 $0x28A0;
	s14 =	sadd.s32 $0x800, s9;
	[dreg:$0xc] =	wrdreg s12  }
0x12: {  	s8 =	simm.s32 $0xB940;
	s15 =	sadd.s32 $0x1000, s9;
	[dreg:$0xe] =	wrdreg s14  }
0x13: {  	s6 =	simm.s32 $0x9;
	s16 =	sadd.s32 $0x1800, s9;
	[dreg:$0xf] =	wrdreg s15  }
0x14: {  	s10 =	simm.s32 $0x68;
	s17 =	sadd.s32 $0x2000, s9;
	[dreg:$0x10] =	wrdreg s16  }
0x15: {  	s11 =	simm.s32 $0x5140;
	s18 =	sadd.s32 $0x2800, s9;
	[dreg:$0x11] =	wrdreg s17  }
0x16: {  	s13 =	simm.s32 $0x1;
	s19 =	sadd.s32 $0x3000, s9;
	[dreg:$0x12] =	wrdreg s18  }
0x17: {  	s20 =	sadd.s32 $0x3800, s9;
	s21 =	sadd.s32 $0x4000, s9;
	[dreg:$0x13] =	wrdreg s19  }
0x18: {  	s22 =	sadd.s32 $0x4800, s9;
	s23 =	sadd.s32 $0x5000, s9;
	[dreg:$0x14] =	wrdreg s20  }
0x19: {  	s24 =	sadd.s32 $0x5800, s9;
	s26 =	sadd.s32 $0x6800, s9;
	[dreg:$0x15] =	wrdreg s21  }
0x1a: {  	s29 =	sadd.s32 $0x7000, s9;
	s30 =	sadd.s32 $0x7800, s9;
	[dreg:$0x16] =	wrdreg s22  }
0x1b: {  	s31 =	sadd.s32 $0x8000, s9;
	s0 =	sadd.s32 $0x9000, s9;
	[dreg:$0x17] =	wrdreg s23  }
0x1c: {  	s5 =	sadd.s32 $0x9800, s9;
	s7 =	sadd.s32 $0x7A400, s1;
	[dreg:$0x18] =	wrdreg s24  }
0x1d: {  	s25 =	sadd.s32 $0x6000, s9;
	[dreg:$0x1a] =	wrdreg s26;
	s1 =	sadd.s32 $0x8800, s9  }
0x1e: {  	s12 =	simm.s32 $0x6B40;
	s14 =	simm.s32 $0x8540;
	s15 =	simm.s32 $0x2  }
0x1f: {  	s16 =	simm.s32 $0x5;
	s17 =	simm.s32 $0x3;
	s18 =	simm.s32 $0x6  }
0x20: {  	s19 =	simm.s32 $0x4;
	s20 =	simm.s32 $0x7;
	[dreg:$0x9] =	wrdreg s7  }
0x21: {  	v0 =	vimm.f32 $0.0e+00;
	s21 =	simm.s32 $0x8;
	[dreg:$0x19] =	wrdreg s25;
	s7 =	simm.s32 $0x9F40  }
.LBB2_1:
0x22: {  	s23 =	simm.s32 $0x100;
	s22 =	simm.s32 $0x0  }
.LBB2_2:
0x23: {  	p0 =	sne.s32 s23, $0x1F00;
	[tilespmem:s22+$0xB970] =	vst v0;
	s24 =	smov.u32 s23;
	s23 =	sadd.s32 $0x100, s23  }
.Ltmp0:
0x24: {  	[tilespmem:s22+$0xB960] =	vst v0;
	(pc) =	sbr.rel @p0 .LBB2_2-.Ltmp0, $3  }
0x25: {  	[tilespmem:s22+$0xB940] =	vst v0  }
0x26: {  	[tilespmem:s22+$0xB950] =	vst v0;
	_ =	sdelay $0x1  }
0x27: {  	s22 =	sshra.s32 s24, $0x2  }
0x28: {  	[tilespmem:s22+$0xB970] =	vst v0  }
0x29: {  	[tilespmem:s22+$0xB960] =	vst v0  }
0x2a: {  	[tilespmem:s22+$0xB940] =	vst v0  }
0x2b: {  	[tilespmem:s22+$0xB950] =	vst v0;
	s24 =	simm.s32 $0x0;
	s23 =	rddreg [dreg:$0x5]  }
0x2c: {  	[tilespmem:s24], [sflag:$0x9] =	stream.linear.gather [hbm4b:s23+s24], $0x28A0, $0x38;
	[tilespmem:$0x1FD80] =	vst v63  }
0x2d: {  	_ =	swait.ge [sflag:s6], $0x28A0  }
0x2e: {  	s26 =	simm.s32 $0x28A0;
	[sflag:s6] =	ssyncset.done $0x0  }
0x2f: {  	s23 =	stileid.u32;
	s25 =	rddreg [dreg:$0x6];
	[sflag:s6] =	ssyncadd.s32 $0xFFFFD760  }
0x30: {  	[tilespmem:s26], [sflag:$0x9] =	stream.linear.gather [hbm4b:s25+s24], $0x28A0, $0x38;
	[tilespmem:$0x1FD80] =	vst v63  }
0x31: {  	s22 =	sshll.u32 s23, $0x6;
	_ =	swait.ge [sflag:s6], $0x28A0  }
0x32: {  	s22 =	sor.u32 $0x1C09, s22;
	[sflag:s6] =	ssyncset.done $0x0;
	s23 =	rddreg [dreg:$0x7]  }
0x33: {  	s25 =	rddreg [dreg:$0x8];
	[sflag:s6] =	ssyncadd.s32 $0xFFFFD760;
	s23 =	sshrl.u32 s23, $0x3  }
0x34: {  	[spmem:s23], [sflag:s22] =	dma.local [hbm:s25], $0x1388  }
0x35: {  	_ =	swait.ge [sflag:s6], $0x1388  }
0x36: {  	[sflag:s6] =	ssyncset.done $0x0  }
0x37: {  	[sflag:s6] =	ssyncadd.s32 $0xFFFFEC78  }
0x38: {  	[spmem:s9] =	stream.linear.scatter [tilespmem:s8], [sflag:$0x9], $0x800, $0x38;
	[tilespmem:$0x1FD80] =	vst v63  }
0x39: {  	_ =	swait.ge [sflag:s6], $0x800  }
0x3a: {  	[sflag:s6] =	ssyncset.done $0x0  }
0x3b: {  	s25 =	rddreg [dreg:$0xe];
	[sflag:s6] =	ssyncadd.s32 $0xFFFFF800  }
0x3c: {  	[spmem:s25] =	stream.linear.scatter [tilespmem:s8], [sflag:$0x9], $0x800, $0x38;
	[tilespmem:$0x1FD80] =	vst v63  }
0x3d: {  	_ =	swait.ge [sflag:s6], $0x800  }
0x3e: {  	[sflag:s6] =	ssyncset.done $0x0  }
0x3f: {  	s25 =	rddreg [dreg:$0xf];
	[sflag:s6] =	ssyncadd.s32 $0xFFFFF800  }
0x40: {  	[spmem:s25] =	stream.linear.scatter [tilespmem:s8], [sflag:$0x9], $0x800, $0x38;
	[tilespmem:$0x1FD80] =	vst v63  }
0x41: {  	_ =	swait.ge [sflag:s6], $0x800  }
0x42: {  	[sflag:s6] =	ssyncset.done $0x0  }
0x43: {  	s25 =	rddreg [dreg:$0x10];
	[sflag:s6] =	ssyncadd.s32 $0xFFFFF800  }
0x44: {  	[spmem:s25] =	stream.linear.scatter [tilespmem:s8], [sflag:$0x9], $0x800, $0x38;
	[tilespmem:$0x1FD80] =	vst v63  }
0x45: {  	_ =	swait.ge [sflag:s6], $0x800  }
0x46: {  	[sflag:s6] =	ssyncset.done $0x0  }
0x47: {  	s25 =	rddreg [dreg:$0x11];
	[sflag:s6] =	ssyncadd.s32 $0xFFFFF800  }
0x48: {  	[spmem:s25] =	stream.linear.scatter [tilespmem:s8], [sflag:$0x9], $0x800, $0x38;
	[tilespmem:$0x1FD80] =	vst v63  }
0x49: {  	_ =	swait.ge [sflag:s6], $0x800  }
0x4a: {  	[sflag:s6] =	ssyncset.done $0x0  }
0x4b: {  	s25 =	rddreg [dreg:$0x12];
	[sflag:s6] =	ssyncadd.s32 $0xFFFFF800  }
0x4c: {  	[spmem:s25] =	stream.linear.scatter [tilespmem:s8], [sflag:$0x9], $0x800, $0x38;
	[tilespmem:$0x1FD80] =	vst v63  }
0x4d: {  	_ =	swait.ge [sflag:s6], $0x800  }
0x4e: {  	[sflag:s6] =	ssyncset.done $0x0  }
0x4f: {  	s25 =	rddreg [dreg:$0x13];
	[sflag:s6] =	ssyncadd.s32 $0xFFFFF800  }
0x50: {  	[spmem:s25] =	stream.linear.scatter [tilespmem:s8], [sflag:$0x9], $0x800, $0x38;
	[tilespmem:$0x1FD80] =	vst v63  }
0x51: {  	_ =	swait.ge [sflag:s6], $0x800  }
0x52: {  	[sflag:s6] =	ssyncset.done $0x0  }
0x53: {  	s25 =	rddreg [dreg:$0x14];
	[sflag:s6] =	ssyncadd.s32 $0xFFFFF800  }
0x54: {  	[spmem:s25] =	stream.linear.scatter [tilespmem:s8], [sflag:$0x9], $0x800, $0x38;
	[tilespmem:$0x1FD80] =	vst v63  }
0x55: {  	_ =	swait.ge [sflag:s6], $0x800  }
0x56: {  	[sflag:s6] =	ssyncset.done $0x0  }
0x57: {  	s25 =	rddreg [dreg:$0x15];
	[sflag:s6] =	ssyncadd.s32 $0xFFFFF800  }
0x58: {  	[spmem:s25] =	stream.linear.scatter [tilespmem:s8], [sflag:$0x9], $0x800, $0x38;
	[tilespmem:$0x1FD80] =	vst v63  }
0x59: {  	_ =	swait.ge [sflag:s6], $0x800  }
0x5a: {  	[sflag:s6] =	ssyncset.done $0x0  }
0x5b: {  	s25 =	rddreg [dreg:$0x16];
	[sflag:s6] =	ssyncadd.s32 $0xFFFFF800  }
0x5c: {  	[spmem:s25] =	stream.linear.scatter [tilespmem:s8], [sflag:$0x9], $0x800, $0x38;
	[tilespmem:$0x1FD80] =	vst v63  }
0x5d: {  	_ =	swait.ge [sflag:s6], $0x800  }
0x5e: {  	[sflag:s6] =	ssyncset.done $0x0  }
0x5f: {  	s25 =	rddreg [dreg:$0x17];
	[sflag:s6] =	ssyncadd.s32 $0xFFFFF800  }
0x60: {  	[spmem:s25] =	stream.linear.scatter [tilespmem:s8], [sflag:$0x9], $0x800, $0x38;
	[tilespmem:$0x1FD80] =	vst v63  }
0x61: {  	_ =	swait.ge [sflag:s6], $0x800  }
0x62: {  	[sflag:s6] =	ssyncset.done $0x0  }
0x63: {  	s25 =	rddreg [dreg:$0x18];
	[sflag:s6] =	ssyncadd.s32 $0xFFFFF800  }
0x64: {  	[spmem:s25] =	stream.linear.scatter [tilespmem:s8], [sflag:$0x9], $0x800, $0x38;
	[tilespmem:$0x1FD80] =	vst v63  }
0x65: {  	_ =	swait.ge [sflag:s6], $0x800  }
0x66: {  	[sflag:s6] =	ssyncset.done $0x0  }
0x67: {  	s25 =	rddreg [dreg:$0x19];
	[sflag:s6] =	ssyncadd.s32 $0xFFFFF800  }
0x68: {  	[spmem:s25] =	stream.linear.scatter [tilespmem:s8], [sflag:$0x9], $0x800, $0x38;
	[tilespmem:$0x1FD80] =	vst v63  }
0x69: {  	_ =	swait.ge [sflag:s6], $0x800  }
0x6a: {  	[sflag:s6] =	ssyncset.done $0x0  }
0x6b: {  	s25 =	rddreg [dreg:$0x1a];
	[sflag:s6] =	ssyncadd.s32 $0xFFFFF800  }
0x6c: {  	[spmem:s25] =	stream.linear.scatter [tilespmem:s8], [sflag:$0x9], $0x800, $0x38;
	[tilespmem:$0x1FD80] =	vst v63  }
0x6d: {  	_ =	swait.ge [sflag:s6], $0x800  }
0x6e: {  	[sflag:s6] =	ssyncset.done $0x0  }
0x6f: {  	[sflag:s6] =	ssyncadd.s32 $0xFFFFF800  }
0x70: {  	[spmem:s29] =	stream.linear.scatter [tilespmem:s8], [sflag:$0x9], $0x800, $0x38;
	[tilespmem:$0x1FD80] =	vst v63  }
0x71: {  	_ =	swait.ge [sflag:s6], $0x800  }
0x72: {  	[sflag:s6] =	ssyncset.done $0x0  }
0x73: {  	[sflag:s6] =	ssyncadd.s32 $0xFFFFF800  }
0x74: {  	[spmem:s30] =	stream.linear.scatter [tilespmem:s8], [sflag:$0x9], $0x800, $0x38;
	[tilespmem:$0x1FD80] =	vst v63  }
0x75: {  	_ =	swait.ge [sflag:s6], $0x800  }
0x76: {  	[sflag:s6] =	ssyncset.done $0x0  }
0x77: {  	[sflag:s6] =	ssyncadd.s32 $0xFFFFF800  }
0x78: {  	[spmem:s31] =	stream.linear.scatter [tilespmem:s8], [sflag:$0x9], $0x800, $0x38;
	[tilespmem:$0x1FD80] =	vst v63  }
0x79: {  	_ =	swait.ge [sflag:s6], $0x800  }
0x7a: {  	[sflag:s6] =	ssyncset.done $0x0  }
0x7b: {  	[sflag:s6] =	ssyncadd.s32 $0xFFFFF800  }
0x7c: {  	[spmem:s1] =	stream.linear.scatter [tilespmem:s8], [sflag:$0x9], $0x800, $0x38;
	[tilespmem:$0x1FD80] =	vst v63  }
0x7d: {  	_ =	swait.ge [sflag:s6], $0x800  }
0x7e: {  	[sflag:s6] =	ssyncset.done $0x0  }
0x7f: {  	[sflag:s6] =	ssyncadd.s32 $0xFFFFF800  }
0x80: {  	[spmem:s0] =	stream.linear.scatter [tilespmem:s8], [sflag:$0x9], $0x800, $0x38;
	[tilespmem:$0x1FD80] =	vst v63  }
0x81: {  	_ =	swait.ge [sflag:s6], $0x800  }
0x82: {  	[sflag:s6] =	ssyncset.done $0x0  }
0x83: {  	[sflag:s6] =	ssyncadd.s32 $0xFFFFF800  }
0x84: {  	[spmem:s5] =	stream.linear.scatter [tilespmem:s8], [sflag:$0x9], $0x800, $0x38;
	[tilespmem:$0x1FD80] =	vst v63  }
0x85: {  	_ =	swait.ge [sflag:s6], $0x800  }
0x86: {  	[sflag:s6] =	ssyncset.done $0x0  }
0x87: {  	[sflag:s6] =	ssyncadd.s32 $0xFFFFF800  }
0x88: {  	[bflag:$0x0] =	sbarrier.arrive $0xFFFF  }
0x89: {  	[tilespmem:s11], [sflag:$0x1] =	stream.indirect.gather [spmem:s2], $0x40, s24, s10, $0xb8;
	[tilespmem:$0x1FD80] =	vst v63  }
0x8a: {  	_ = 	snop  }
0x8b: {  	[tilespmem:s12], [sflag:$0x2] =	stream.indirect.gather [spmem:s2], $0x40, s10, s10, $0xb8;
	[tilespmem:$0x1FD80] =	vst v63  }
0x8c: {  	s25 =	simm.s32 $0xD0  }
0x8d: {  	[tilespmem:s14], [sflag:$0x3] =	stream.indirect.gather [spmem:s2], $0x40, s25, s10, $0xb8;
	[tilespmem:$0x1FD80] =	vst v63  }
0x8e: {  	_ =	swait.ge [sflag:s13], $0x1A00  }
0x8f: {  	[sflag:s13] =	ssyncset.done $0x0  }
0x90: {  	[sflag:s13] =	ssyncadd.s32 $0xFFFFE600  }
0x91: {  	[spmem:s3] =	stream.indirect.scatter.add.f32 [tilespmem:s11], [sflag:$0x5], $0x40, s26, s10, $0xb8;
	[tilespmem:$0x1FD80] =	vst v63  }
0x92: {  	s26 =	simm.s32 $0x138  }
0x93: {  	[tilespmem:s7], [sflag:$0x4] =	stream.indirect.gather [spmem:s2], $0x40, s26, s10, $0xb8;
	[tilespmem:$0x1FD80] =	vst v63  }
0x94: {  	_ =	swait.ge [sflag:s15], $0x1A00  }
0x95: {  	[sflag:s15] =	ssyncset.done $0x0  }
0x96: {  	s25 =	simm.s32 $0x2908;
	[sflag:s15] =	ssyncadd.s32 $0xFFFFE600  }
0x97: {  	[spmem:s3] =	stream.indirect.scatter.add.f32 [tilespmem:s12], [sflag:$0x6], $0x40, s25, s10, $0xb8;
	[tilespmem:$0x1FD80] =	vst v63  }
0x98: {  	_ =	swait.ge [sflag:s16], $0x1A00  }
0x99: {  	[sflag:s16] =	ssyncset.done $0x0  }
0x9a: {  	s26 =	simm.s32 $0x1A0;
	[sflag:s16] =	ssyncadd.s32 $0xFFFFE600  }
0x9b: {  	[tilespmem:s11], [sflag:$0x1] =	stream.indirect.gather [spmem:s2], $0x40, s26, s10, $0xb8;
	[tilespmem:$0x1FD80] =	vst v63  }
0x9c: {  	_ =	swait.ge [sflag:s17], $0x1A00  }
0x9d: {  	[sflag:s17] =	ssyncset.done $0x0  }
0x9e: {  	s25 =	simm.s32 $0x2970;
	[sflag:s17] =	ssyncadd.s32 $0xFFFFE600  }
0x9f: {  	[spmem:s3] =	stream.indirect.scatter.add.f32 [tilespmem:s14], [sflag:$0x7], $0x40, s25, s10, $0xb8;
	[tilespmem:$0x1FD80] =	vst v63  }
0xa0: {  	_ =	swait.ge [sflag:s18], $0x1A00  }
0xa1: {  	[sflag:s18] =	ssyncset.done $0x0  }
0xa2: {  	s26 =	simm.s32 $0x208;
	[sflag:s18] =	ssyncadd.s32 $0xFFFFE600  }
0xa3: {  	[tilespmem:s12], [sflag:$0x2] =	stream.indirect.gather [spmem:s2], $0x40, s26, s10, $0xb8;
	[tilespmem:$0x1FD80] =	vst v63  }
0xa4: {  	_ =	swait.ge [sflag:s19], $0x1A00  }
0xa5: {  	[sflag:s19] =	ssyncset.done $0x0  }
0xa6: {  	s25 =	simm.s32 $0x29D8;
	[sflag:s19] =	ssyncadd.s32 $0xFFFFE600  }
0xa7: {  	[spmem:s3] =	stream.indirect.scatter.add.f32 [tilespmem:s7], [sflag:$0x8], $0x40, s25, s10, $0xb8;
	[tilespmem:$0x1FD80] =	vst v63  }
0xa8: {  	_ =	swait.ge [sflag:s20], $0x1A00  }
0xa9: {  	[sflag:s20] =	ssyncset.done $0x0  }
0xaa: {  	s26 =	simm.s32 $0x270;
	[sflag:s20] =	ssyncadd.s32 $0xFFFFE600  }
0xab: {  	[tilespmem:s14], [sflag:$0x3] =	stream.indirect.gather [spmem:s2], $0x40, s26, s10, $0xb8;
	[tilespmem:$0x1FD80] =	vst v63  }
0xac: {  	_ =	swait.ge [sflag:s13], $0x1A00  }
0xad: {  	[sflag:s13] =	ssyncset.done $0x0  }
0xae: {  	s25 =	simm.s32 $0x2A40;
	[sflag:s13] =	ssyncadd.s32 $0xFFFFE600  }
0xaf: {  	[spmem:s3] =	stream.indirect.scatter.add.f32 [tilespmem:s11], [sflag:$0x5], $0x40, s25, s10, $0xb8;
	[tilespmem:$0x1FD80] =	vst v63  }
0xb0: {  	_ =	swait.ge [sflag:s21], $0x1A00  }
0xb1: {  	[sflag:s21] =	ssyncset.done $0x0  }
0xb2: {  	s26 =	simm.s32 $0x2D8;
	[sflag:s21] =	ssyncadd.s32 $0xFFFFE600  }
0xb3: {  	[tilespmem:s7], [sflag:$0x4] =	stream.indirect.gather [spmem:s2], $0x40, s26, s10, $0xb8;
	[tilespmem:$0x1FD80] =	vst v63  }
0xb4: {  	_ =	swait.ge [sflag:s15], $0x1A00  }
0xb5: {  	[sflag:s15] =	ssyncset.done $0x0  }
0xb6: {  	s25 =	simm.s32 $0x2AA8;
	[sflag:s15] =	ssyncadd.s32 $0xFFFFE600  }
0xb7: {  	[spmem:s3] =	stream.indirect.scatter.add.f32 [tilespmem:s12], [sflag:$0x6], $0x40, s25, s10, $0xb8;
	[tilespmem:$0x1FD80] =	vst v63  }
0xb8: {  	_ =	swait.ge [sflag:s16], $0x1A00  }
0xb9: {  	[sflag:s16] =	ssyncset.done $0x0  }
0xba: {  	s26 =	simm.s32 $0x340;
	[sflag:s16] =	ssyncadd.s32 $0xFFFFE600  }
0xbb: {  	[tilespmem:s11], [sflag:$0x1] =	stream.indirect.gather [spmem:s2], $0x40, s26, s10, $0xb8;
	[tilespmem:$0x1FD80] =	vst v63  }
0xbc: {  	_ =	swait.ge [sflag:s17], $0x1A00  }
0xbd: {  	[sflag:s17] =	ssyncset.done $0x0  }
0xbe: {  	s25 =	simm.s32 $0x2B10;
	[sflag:s17] =	ssyncadd.s32 $0xFFFFE600  }
0xbf: {  	[spmem:s3] =	stream.indirect.scatter.add.f32 [tilespmem:s14], [sflag:$0x7], $0x40, s25, s10, $0xb8;
	[tilespmem:$0x1FD80] =	vst v63  }
0xc0: {  	_ =	swait.ge [sflag:s18], $0x1A00  }
0xc1: {  	[sflag:s18] =	ssyncset.done $0x0  }
0xc2: {  	s26 =	simm.s32 $0x3A8;
	[sflag:s18] =	ssyncadd.s32 $0xFFFFE600  }
0xc3: {  	[tilespmem:s12], [sflag:$0x2] =	stream.indirect.gather [spmem:s2], $0x40, s26, s10, $0xb8;
	[tilespmem:$0x1FD80] =	vst v63  }
0xc4: {  	_ =	swait.ge [sflag:s19], $0x1A00  }
0xc5: {  	[sflag:s19] =	ssyncset.done $0x0  }
0xc6: {  	s24 =	simm.s32 $0x680;
	s25 =	simm.s32 $0x2B78;
	[sflag:s19] =	ssyncadd.s32 $0xFFFFE600  }
.LBB2_4:
0xc7: {  	[spmem:s3] =	stream.indirect.scatter.add.f32 [tilespmem:s7], [sflag:$0x8], $0x40, s25, s10, $0xb8;
	[tilespmem:$0x1FD80] =	vst v63  }
0xc8: {  	s25 =	smov.u32 s24;
	s24 =	sadd.s32 $0x680, s24;
	_ =	swait.ge [sflag:s20], $0x1A00  }
0xc9: {  	s25 =	sshra.s32 s25, $0x2;
	p0 =	sne.s32 s24, $0x9580;
	[sflag:s20] =	ssyncset.done $0x0  }
0xca: {  	s26 =	sadd.s32 $0x270, s25;
	[sflag:s20] =	ssyncadd.s32 $0xFFFFE600  }
0xcb: {  	[tilespmem:s14], [sflag:$0x3] =	stream.indirect.gather [spmem:s2], $0x40, s26, s10, $0xb8;
	[tilespmem:$0x1FD80] =	vst v63  }
0xcc: {  	_ =	swait.ge [sflag:s13], $0x1A00  }
0xcd: {  	[sflag:s13] =	ssyncset.done $0x0  }
0xce: {  	s26 =	sadd.s32 $0x2A40, s25;
	[sflag:s13] =	ssyncadd.s32 $0xFFFFE600  }
0xcf: {  	[spmem:s3] =	stream.indirect.scatter.add.f32 [tilespmem:s11], [sflag:$0x5], $0x40, s26, s10, $0xb8;
	[tilespmem:$0x1FD80] =	vst v63  }
0xd0: {  	_ =	swait.ge [sflag:s21], $0x1A00  }
0xd1: {  	[sflag:s21] =	ssyncset.done $0x0  }
0xd2: {  	s26 =	sadd.s32 $0x2D8, s25;
	[sflag:s21] =	ssyncadd.s32 $0xFFFFE600  }
0xd3: {  	[tilespmem:s7], [sflag:$0x4] =	stream.indirect.gather [spmem:s2], $0x40, s26, s10, $0xb8;
	[tilespmem:$0x1FD80] =	vst v63  }
0xd4: {  	_ =	swait.ge [sflag:s15], $0x1A00  }
0xd5: {  	[sflag:s15] =	ssyncset.done $0x0  }
0xd6: {  	s26 =	sadd.s32 $0x2AA8, s25;
	[sflag:s15] =	ssyncadd.s32 $0xFFFFE600  }
0xd7: {  	[spmem:s3] =	stream.indirect.scatter.add.f32 [tilespmem:s12], [sflag:$0x6], $0x40, s26, s10, $0xb8;
	[tilespmem:$0x1FD80] =	vst v63  }
0xd8: {  	_ =	swait.ge [sflag:s16], $0x1A00  }
0xd9: {  	[sflag:s16] =	ssyncset.done $0x0  }
0xda: {  	s26 =	sadd.s32 $0x340, s25;
	[sflag:s16] =	ssyncadd.s32 $0xFFFFE600  }
0xdb: {  	[tilespmem:s11], [sflag:$0x1] =	stream.indirect.gather [spmem:s2], $0x40, s26, s10, $0xb8;
	[tilespmem:$0x1FD80] =	vst v63  }
0xdc: {  	_ =	swait.ge [sflag:s17], $0x1A00  }
0xdd: {  	[sflag:s17] =	ssyncset.done $0x0  }
0xde: {  	s26 =	sadd.s32 $0x2B10, s25;
	[sflag:s17] =	ssyncadd.s32 $0xFFFFE600  }
0xdf: {  	[spmem:s3] =	stream.indirect.scatter.add.f32 [tilespmem:s14], [sflag:$0x7], $0x40, s26, s10, $0xb8;
	[tilespmem:$0x1FD80] =	vst v63  }
0xe0: {  	_ =	swait.ge [sflag:s18], $0x1A00  }
0xe1: {  	[sflag:s18] =	ssyncset.done $0x0  }
.Ltmp1:
0xe2: {  	s26 =	sadd.s32 $0x3A8, s25;
	[sflag:s18] =	ssyncadd.s32 $0xFFFFE600;
	(pc) =	sbr.rel @p0 .LBB2_4-.Ltmp1, $4  }
0xe3: {  	[tilespmem:s12], [sflag:$0x2] =	stream.indirect.gather [spmem:s2], $0x40, s26, s10, $0xb8;
	[tilespmem:$0x1FD80] =	vst v63  }
0xe4: {  	_ =	swait.ge [sflag:s19], $0x1A00  }
0xe5: {  	[sflag:s19] =	ssyncset.done $0x0  }
0xe6: {  	s25 =	sadd.s32 $0x2B78, s25;
	[sflag:s19] =	ssyncadd.s32 $0xFFFFE600  }
0xe7: {  	[spmem:s3] =	stream.indirect.scatter.add.f32 [tilespmem:s7], [sflag:$0x8], $0x40, s25, s10, $0xb8;
	[tilespmem:$0x1FD80] =	vst v63  }
0xe8: {  	_ =	swait.ge [sflag:s20], $0x1A00  }
0xe9: {  	[sflag:s20] =	ssyncset.done $0x0  }
0xea: {  	s26 =	simm.s32 $0x27D0;
	[sflag:s20] =	ssyncadd.s32 $0xFFFFE600  }
0xeb: {  	[tilespmem:s14], [sflag:$0x3] =	stream.indirect.gather [spmem:s2], $0x40, s26, s10, $0xb8;
	[tilespmem:$0x1FD80] =	vst v63  }
0xec: {  	_ =	swait.ge [sflag:s13], $0x1A00  }
0xed: {  	s24 =	sshra.s32 s24, $0x2;
	[sflag:s13] =	ssyncset.done $0x0  }
0xee: {  	s26 =	sadd.s32 $0x2A40, s24;
	[sflag:s13] =	ssyncadd.s32 $0xFFFFE600  }
0xef: {  	[spmem:s3] =	stream.indirect.scatter.add.f32 [tilespmem:s11], [sflag:$0x5], $0x40, s26, s10, $0xb8;
	[tilespmem:$0x1FD80] =	vst v63  }
0xf0: {  	_ =	swait.ge [sflag:s21], $0x1A00  }
0xf1: {  	[sflag:s21] =	ssyncset.done $0x0  }
0xf2: {  	s26 =	sadd.s32 $0x2D8, s24;
	[sflag:s21] =	ssyncadd.s32 $0xFFFFE600  }
0xf3: {  	[tilespmem:s7], [sflag:$0x4] =	stream.indirect.gather [spmem:s2], $0x40, s26, s10, $0xb8;
	[tilespmem:$0x1FD80] =	vst v63  }
0xf4: {  	_ =	swait.ge [sflag:s15], $0x1A00  }
0xf5: {  	[sflag:s15] =	ssyncset.done $0x0  }
0xf6: {  	s26 =	sadd.s32 $0x2AA8, s24;
	[sflag:s15] =	ssyncadd.s32 $0xFFFFE600  }
0xf7: {  	[spmem:s3] =	stream.indirect.scatter.add.f32 [tilespmem:s12], [sflag:$0x6], $0x40, s26, s10, $0xb8;
	[tilespmem:$0x1FD80] =	vst v63  }
0xf8: {  	_ =	swait.ge [sflag:s16], $0x1A00  }
0xf9: {  	[sflag:s16] =	ssyncset.done $0x0  }
0xfa: {  	[sflag:s16] =	ssyncadd.s32 $0xFFFFE600  }
0xfb: {  	_ =	swait.ge [sflag:s17], $0x1A00  }
0xfc: {  	[sflag:s17] =	ssyncset.done $0x0  }
0xfd: {  	s26 =	simm.s32 $0x5070;
	[sflag:s17] =	ssyncadd.s32 $0xFFFFE600  }
0xfe: {  	[spmem:s3] =	stream.indirect.scatter.add.f32 [tilespmem:s14], [sflag:$0x7], $0x40, s26, s10, $0xb8;
	[tilespmem:$0x1FD80] =	vst v63  }
0xff: {  	_ =	swait.ge [sflag:s18], $0x1A00  }
0x100: {  	[sflag:s18] =	ssyncset.done $0x0  }
0x101: {  	[sflag:s18] =	ssyncadd.s32 $0xFFFFE600  }
0x102: {  	_ =	swait.ge [sflag:s19], $0x1A00  }
0x103: {  	[sflag:s19] =	ssyncset.done $0x0  }
0x104: {  	s24 =	sadd.s32 $0x2B78, s24;
	[sflag:s19] =	ssyncadd.s32 $0xFFFFE600  }
0x105: {  	[spmem:s3] =	stream.indirect.scatter.add.f32 [tilespmem:s7], [sflag:$0x8], $0x40, s24, s10, $0xb8;
	[tilespmem:$0x1FD80] =	vst v63  }
0x106: {  	_ =	swait.ge [sflag:s20], $0x1A00  }
0x107: {  	[sflag:s20] =	ssyncset.done $0x0  }
0x108: {  	[sflag:s20] =	ssyncadd.s32 $0xFFFFE600  }
0x109: {  	_ =	swait.ge [sflag:s21], $0x1A00  }
0x10a: {  	[sflag:s21] =	ssyncset.done $0x0  }
0x10b: {  	[sflag:s21] =	ssyncadd.s32 $0xFFFFE600  }
0x10c: {  	[bflag:$0x0] =	sbarrier.arrive $0xFFFF  }
0x10d: {  	s25 =	rddreg [dreg:$0xa]  }
0x10e: {  	s26 =	rddreg [dreg:$0x9];
	s24 =	sshrl.u32 s25, $0x3  }
0x10f: {  	[hbm:s26], [sflag:s22] =	dma.local [spmem:s24], $0x1400  }
0x110: {  	_ =	swait.ge [sflag:s6], $0x1400  }
0x111: {  	[sflag:s6] =	ssyncset.done $0x0  }
0x112: {  	s26 =	rddreg [dreg:$0xb];
	[sflag:s6] =	ssyncadd.s32 $0xFFFFEC00  }
0x113: {  	[spmem:s23], [sflag:s22] =	dma.local [hbm:s26], $0x1388  }
0x114: {  	_ =	swait.ge [sflag:s6], $0x1388  }
0x115: {  	[sflag:s6] =	ssyncset.done $0x0  }
0x116: {  	[sflag:s6] =	ssyncadd.s32 $0xFFFFEC78  }
0x117: {  	[spmem:s9] =	stream.linear.scatter [tilespmem:s8], [sflag:$0x9], $0x800, $0x38;
	[tilespmem:$0x1FD80] =	vst v63  }
0x118: {  	_ =	swait.ge [sflag:s6], $0x800  }
0x119: {  	[sflag:s6] =	ssyncset.done $0x0  }
0x11a: {  	s25 =	rddreg [dreg:$0xe];
	[sflag:s6] =	ssyncadd.s32 $0xFFFFF800  }
0x11b: {  	[spmem:s25] =	stream.linear.scatter [tilespmem:s8], [sflag:$0x9], $0x800, $0x38;
	[tilespmem:$0x1FD80] =	vst v63  }
0x11c: {  	_ =	swait.ge [sflag:s6], $0x800  }
0x11d: {  	[sflag:s6] =	ssyncset.done $0x0  }
0x11e: {  	s26 =	rddreg [dreg:$0xf];
	[sflag:s6] =	ssyncadd.s32 $0xFFFFF800  }
0x11f: {  	[spmem:s26] =	stream.linear.scatter [tilespmem:s8], [sflag:$0x9], $0x800, $0x38;
	[tilespmem:$0x1FD80] =	vst v63  }
0x120: {  	_ =	swait.ge [sflag:s6], $0x800  }
0x121: {  	[sflag:s6] =	ssyncset.done $0x0  }
0x122: {  	s25 =	rddreg [dreg:$0x10];
	[sflag:s6] =	ssyncadd.s32 $0xFFFFF800  }
0x123: {  	[spmem:s25] =	stream.linear.scatter [tilespmem:s8], [sflag:$0x9], $0x800, $0x38;
	[tilespmem:$0x1FD80] =	vst v63  }
0x124: {  	_ =	swait.ge [sflag:s6], $0x800  }
0x125: {  	[sflag:s6] =	ssyncset.done $0x0  }
0x126: {  	s26 =	rddreg [dreg:$0x11];
	[sflag:s6] =	ssyncadd.s32 $0xFFFFF800  }
0x127: {  	[spmem:s26] =	stream.linear.scatter [tilespmem:s8], [sflag:$0x9], $0x800, $0x38;
	[tilespmem:$0x1FD80] =	vst v63  }
0x128: {  	_ =	swait.ge [sflag:s6], $0x800  }
0x129: {  	[sflag:s6] =	ssyncset.done $0x0  }
0x12a: {  	s25 =	rddreg [dreg:$0x12];
	[sflag:s6] =	ssyncadd.s32 $0xFFFFF800  }
0x12b: {  	[spmem:s25] =	stream.linear.scatter [tilespmem:s8], [sflag:$0x9], $0x800, $0x38;
	[tilespmem:$0x1FD80] =	vst v63  }
0x12c: {  	_ =	swait.ge [sflag:s6], $0x800  }
0x12d: {  	[sflag:s6] =	ssyncset.done $0x0  }
0x12e: {  	s26 =	rddreg [dreg:$0x13];
	[sflag:s6] =	ssyncadd.s32 $0xFFFFF800  }
0x12f: {  	[spmem:s26] =	stream.linear.scatter [tilespmem:s8], [sflag:$0x9], $0x800, $0x38;
	[tilespmem:$0x1FD80] =	vst v63  }
0x130: {  	_ =	swait.ge [sflag:s6], $0x800  }
0x131: {  	[sflag:s6] =	ssyncset.done $0x0  }
0x132: {  	s25 =	rddreg [dreg:$0x14];
	[sflag:s6] =	ssyncadd.s32 $0xFFFFF800  }
0x133: {  	[spmem:s25] =	stream.linear.scatter [tilespmem:s8], [sflag:$0x9], $0x800, $0x38;
	[tilespmem:$0x1FD80] =	vst v63  }
0x134: {  	_ =	swait.ge [sflag:s6], $0x800  }
0x135: {  	[sflag:s6] =	ssyncset.done $0x0  }
0x136: {  	s26 =	rddreg [dreg:$0x15];
	[sflag:s6] =	ssyncadd.s32 $0xFFFFF800  }
0x137: {  	[spmem:s26] =	stream.linear.scatter [tilespmem:s8], [sflag:$0x9], $0x800, $0x38;
	[tilespmem:$0x1FD80] =	vst v63  }
0x138: {  	_ =	swait.ge [sflag:s6], $0x800  }
0x139: {  	[sflag:s6] =	ssyncset.done $0x0  }
0x13a: {  	s25 =	rddreg [dreg:$0x16];
	[sflag:s6] =	ssyncadd.s32 $0xFFFFF800  }
0x13b: {  	[spmem:s25] =	stream.linear.scatter [tilespmem:s8], [sflag:$0x9], $0x800, $0x38;
	[tilespmem:$0x1FD80] =	vst v63  }
0x13c: {  	_ =	swait.ge [sflag:s6], $0x800  }
0x13d: {  	[sflag:s6] =	ssyncset.done $0x0  }
0x13e: {  	s26 =	rddreg [dreg:$0x17];
	[sflag:s6] =	ssyncadd.s32 $0xFFFFF800  }
0x13f: {  	[spmem:s26] =	stream.linear.scatter [tilespmem:s8], [sflag:$0x9], $0x800, $0x38;
	[tilespmem:$0x1FD80] =	vst v63  }
0x140: {  	_ =	swait.ge [sflag:s6], $0x800  }
0x141: {  	[sflag:s6] =	ssyncset.done $0x0  }
0x142: {  	s25 =	rddreg [dreg:$0x18];
	[sflag:s6] =	ssyncadd.s32 $0xFFFFF800  }
0x143: {  	[spmem:s25] =	stream.linear.scatter [tilespmem:s8], [sflag:$0x9], $0x800, $0x38;
	[tilespmem:$0x1FD80] =	vst v63  }
0x144: {  	_ =	swait.ge [sflag:s6], $0x800  }
0x145: {  	[sflag:s6] =	ssyncset.done $0x0  }
0x146: {  	s26 =	rddreg [dreg:$0x19];
	[sflag:s6] =	ssyncadd.s32 $0xFFFFF800  }
0x147: {  	[spmem:s26] =	stream.linear.scatter [tilespmem:s8], [sflag:$0x9], $0x800, $0x38;
	[tilespmem:$0x1FD80] =	vst v63  }
0x148: {  	_ =	swait.ge [sflag:s6], $0x800  }
0x149: {  	[sflag:s6] =	ssyncset.done $0x0  }
0x14a: {  	s25 =	rddreg [dreg:$0x1a];
	[sflag:s6] =	ssyncadd.s32 $0xFFFFF800  }
0x14b: {  	[spmem:s25] =	stream.linear.scatter [tilespmem:s8], [sflag:$0x9], $0x800, $0x38;
	[tilespmem:$0x1FD80] =	vst v63  }
0x14c: {  	_ =	swait.ge [sflag:s6], $0x800  }
0x14d: {  	[sflag:s6] =	ssyncset.done $0x0  }
0x14e: {  	[sflag:s6] =	ssyncadd.s32 $0xFFFFF800  }
0x14f: {  	[spmem:s29] =	stream.linear.scatter [tilespmem:s8], [sflag:$0x9], $0x800, $0x38;
	[tilespmem:$0x1FD80] =	vst v63  }
0x150: {  	_ =	swait.ge [sflag:s6], $0x800  }
0x151: {  	[sflag:s6] =	ssyncset.done $0x0  }
0x152: {  	[sflag:s6] =	ssyncadd.s32 $0xFFFFF800  }
0x153: {  	[spmem:s30] =	stream.linear.scatter [tilespmem:s8], [sflag:$0x9], $0x800, $0x38;
	[tilespmem:$0x1FD80] =	vst v63  }
0x154: {  	_ =	swait.ge [sflag:s6], $0x800  }
0x155: {  	[sflag:s6] =	ssyncset.done $0x0  }
0x156: {  	[sflag:s6] =	ssyncadd.s32 $0xFFFFF800  }
0x157: {  	[spmem:s31] =	stream.linear.scatter [tilespmem:s8], [sflag:$0x9], $0x800, $0x38;
	[tilespmem:$0x1FD80] =	vst v63  }
0x158: {  	_ =	swait.ge [sflag:s6], $0x800  }
0x159: {  	[sflag:s6] =	ssyncset.done $0x0  }
0x15a: {  	[sflag:s6] =	ssyncadd.s32 $0xFFFFF800  }
0x15b: {  	[spmem:s1] =	stream.linear.scatter [tilespmem:s8], [sflag:$0x9], $0x800, $0x38;
	[tilespmem:$0x1FD80] =	vst v63  }
0x15c: {  	_ =	swait.ge [sflag:s6], $0x800  }
0x15d: {  	[sflag:s6] =	ssyncset.done $0x0  }
0x15e: {  	[sflag:s6] =	ssyncadd.s32 $0xFFFFF800  }
0x15f: {  	[spmem:s0] =	stream.linear.scatter [tilespmem:s8], [sflag:$0x9], $0x800, $0x38;
	[tilespmem:$0x1FD80] =	vst v63  }
0x160: {  	_ =	swait.ge [sflag:s6], $0x800  }
0x161: {  	[sflag:s6] =	ssyncset.done $0x0  }
0x162: {  	[sflag:s6] =	ssyncadd.s32 $0xFFFFF800  }
0x163: {  	[spmem:s5] =	stream.linear.scatter [tilespmem:s8], [sflag:$0x9], $0x800, $0x38;
	[tilespmem:$0x1FD80] =	vst v63  }
0x164: {  	_ =	swait.ge [sflag:s6], $0x800  }
0x165: {  	[sflag:s6] =	ssyncset.done $0x0  }
0x166: {  	[sflag:s6] =	ssyncadd.s32 $0xFFFFF800  }
0x167: {  	s26 =	simm.s32 $0x0;
	[bflag:$0x0] =	sbarrier.arrive $0xFFFF  }
0x168: {  	[tilespmem:s11], [sflag:$0x1] =	stream.indirect.gather [spmem:s2], $0x40, s26, s10, $0xb8;
	[tilespmem:$0x1FD80] =	vst v63  }
0x169: {  	_ = 	snop  }
0x16a: {  	[tilespmem:s12], [sflag:$0x2] =	stream.indirect.gather [spmem:s2], $0x40, s10, s10, $0xb8;
	[tilespmem:$0x1FD80] =	vst v63  }
0x16b: {  	s25 =	simm.s32 $0xD0  }
0x16c: {  	[tilespmem:s14], [sflag:$0x3] =	stream.indirect.gather [spmem:s2], $0x40, s25, s10, $0xb8;
	[tilespmem:$0x1FD80] =	vst v63  }
0x16d: {  	_ =	swait.ge [sflag:s13], $0x1A00  }
0x16e: {  	[sflag:s13] =	ssyncset.done $0x0  }
0x16f: {  	[sflag:s13] =	ssyncadd.s32 $0xFFFFE600  }
0x170: {  	[spmem:s3] =	stream.indirect.scatter.add.f32 [tilespmem:s11], [sflag:$0x5], $0x40, s28, s10, $0xb8;
	[tilespmem:$0x1FD80] =	vst v63  }
0x171: {  	s26 =	simm.s32 $0x138  }
0x172: {  	[tilespmem:s7], [sflag:$0x4] =	stream.indirect.gather [spmem:s2], $0x40, s26, s10, $0xb8;
	[tilespmem:$0x1FD80] =	vst v63  }
0x173: {  	_ =	swait.ge [sflag:s15], $0x1A00  }
0x174: {  	[sflag:s15] =	ssyncset.done $0x0  }
0x175: {  	s25 =	simm.s32 $0x2908;
	[sflag:s15] =	ssyncadd.s32 $0xFFFFE600  }
0x176: {  	[spmem:s3] =	stream.indirect.scatter.add.f32 [tilespmem:s12], [sflag:$0x6], $0x40, s25, s10, $0xb8;
	[tilespmem:$0x1FD80] =	vst v63  }
0x177: {  	_ =	swait.ge [sflag:s16], $0x1A00  }
0x178: {  	[sflag:s16] =	ssyncset.done $0x0  }
0x179: {  	s26 =	simm.s32 $0x1A0;
	[sflag:s16] =	ssyncadd.s32 $0xFFFFE600  }
0x17a: {  	[tilespmem:s11], [sflag:$0x1] =	stream.indirect.gather [spmem:s2], $0x40, s26, s10, $0xb8;
	[tilespmem:$0x1FD80] =	vst v63  }
0x17b: {  	_ =	swait.ge [sflag:s17], $0x1A00  }
0x17c: {  	[sflag:s17] =	ssyncset.done $0x0  }
0x17d: {  	s25 =	simm.s32 $0x2970;
	[sflag:s17] =	ssyncadd.s32 $0xFFFFE600  }
0x17e: {  	[spmem:s3] =	stream.indirect.scatter.add.f32 [tilespmem:s14], [sflag:$0x7], $0x40, s25, s10, $0xb8;
	[tilespmem:$0x1FD80] =	vst v63  }
0x17f: {  	_ =	swait.ge [sflag:s18], $0x1A00  }
0x180: {  	[sflag:s18] =	ssyncset.done $0x0  }
0x181: {  	s26 =	simm.s32 $0x208;
	[sflag:s18] =	ssyncadd.s32 $0xFFFFE600  }
0x182: {  	[tilespmem:s12], [sflag:$0x2] =	stream.indirect.gather [spmem:s2], $0x40, s26, s10, $0xb8;
	[tilespmem:$0x1FD80] =	vst v63  }
0x183: {  	_ =	swait.ge [sflag:s19], $0x1A00  }
0x184: {  	[sflag:s19] =	ssyncset.done $0x0  }
0x185: {  	s25 =	simm.s32 $0x29D8;
	[sflag:s19] =	ssyncadd.s32 $0xFFFFE600  }
0x186: {  	[spmem:s3] =	stream.indirect.scatter.add.f32 [tilespmem:s7], [sflag:$0x8], $0x40, s25, s10, $0xb8;
	[tilespmem:$0x1FD80] =	vst v63  }
0x187: {  	_ =	swait.ge [sflag:s20], $0x1A00  }
0x188: {  	[sflag:s20] =	ssyncset.done $0x0  }
0x189: {  	s26 =	simm.s32 $0x270;
	[sflag:s20] =	ssyncadd.s32 $0xFFFFE600  }
0x18a: {  	[tilespmem:s14], [sflag:$0x3] =	stream.indirect.gather [spmem:s2], $0x40, s26, s10, $0xb8;
	[tilespmem:$0x1FD80] =	vst v63  }
0x18b: {  	_ =	swait.ge [sflag:s13], $0x1A00  }
0x18c: {  	[sflag:s13] =	ssyncset.done $0x0  }
0x18d: {  	s25 =	simm.s32 $0x2A40;
	[sflag:s13] =	ssyncadd.s32 $0xFFFFE600  }
0x18e: {  	[spmem:s3] =	stream.indirect.scatter.add.f32 [tilespmem:s11], [sflag:$0x5], $0x40, s25, s10, $0xb8;
	[tilespmem:$0x1FD80] =	vst v63  }
0x18f: {  	_ =	swait.ge [sflag:s21], $0x1A00  }
0x190: {  	[sflag:s21] =	ssyncset.done $0x0  }
0x191: {  	s26 =	simm.s32 $0x2D8;
	[sflag:s21] =	ssyncadd.s32 $0xFFFFE600  }
0x192: {  	[tilespmem:s7], [sflag:$0x4] =	stream.indirect.gather [spmem:s2], $0x40, s26, s10, $0xb8;
	[tilespmem:$0x1FD80] =	vst v63  }
0x193: {  	_ =	swait.ge [sflag:s15], $0x1A00  }
0x194: {  	[sflag:s15] =	ssyncset.done $0x0  }
0x195: {  	s25 =	simm.s32 $0x2AA8;
	[sflag:s15] =	ssyncadd.s32 $0xFFFFE600  }
0x196: {  	[spmem:s3] =	stream.indirect.scatter.add.f32 [tilespmem:s12], [sflag:$0x6], $0x40, s25, s10, $0xb8;
	[tilespmem:$0x1FD80] =	vst v63  }
0x197: {  	_ =	swait.ge [sflag:s16], $0x1A00  }
0x198: {  	[sflag:s16] =	ssyncset.done $0x0  }
0x199: {  	s26 =	simm.s32 $0x340;
	[sflag:s16] =	ssyncadd.s32 $0xFFFFE600  }
0x19a: {  	[tilespmem:s11], [sflag:$0x1] =	stream.indirect.gather [spmem:s2], $0x40, s26, s10, $0xb8;
	[tilespmem:$0x1FD80] =	vst v63  }
0x19b: {  	_ =	swait.ge [sflag:s17], $0x1A00  }
0x19c: {  	[sflag:s17] =	ssyncset.done $0x0  }
0x19d: {  	s25 =	simm.s32 $0x2B10;
	[sflag:s17] =	ssyncadd.s32 $0xFFFFE600  }
0x19e: {  	[spmem:s3] =	stream.indirect.scatter.add.f32 [tilespmem:s14], [sflag:$0x7], $0x40, s25, s10, $0xb8;
	[tilespmem:$0x1FD80] =	vst v63  }
0x19f: {  	_ =	swait.ge [sflag:s18], $0x1A00  }
0x1a0: {  	[sflag:s18] =	ssyncset.done $0x0  }
0x1a1: {  	s26 =	simm.s32 $0x3A8;
	[sflag:s18] =	ssyncadd.s32 $0xFFFFE600  }
0x1a2: {  	[tilespmem:s12], [sflag:$0x2] =	stream.indirect.gather [spmem:s2], $0x40, s26, s10, $0xb8;
	[tilespmem:$0x1FD80] =	vst v63  }
0x1a3: {  	_ =	swait.ge [sflag:s19], $0x1A00  }
0x1a4: {  	[sflag:s19] =	ssyncset.done $0x0  }
0x1a5: {  	s23 =	simm.s32 $0x680;
	s25 =	simm.s32 $0x2B78;
	[sflag:s19] =	ssyncadd.s32 $0xFFFFE600  }
.LBB2_6:
0x1a6: {  	[spmem:s3] =	stream.indirect.scatter.add.f32 [tilespmem:s7], [sflag:$0x8], $0x40, s25, s10, $0xb8;
	[tilespmem:$0x1FD80] =	vst v63  }
0x1a7: {  	s25 =	smov.u32 s23;
	s23 =	sadd.s32 $0x680, s23;
	_ =	swait.ge [sflag:s20], $0x1A00  }
0x1a8: {  	s25 =	sshra.s32 s25, $0x2;
	p0 =	sne.s32 s23, $0x9580;
	[sflag:s20] =	ssyncset.done $0x0  }
0x1a9: {  	s26 =	sadd.s32 $0x270, s25;
	[sflag:s20] =	ssyncadd.s32 $0xFFFFE600  }
0x1aa: {  	[tilespmem:s14], [sflag:$0x3] =	stream.indirect.gather [spmem:s2], $0x40, s26, s10, $0xb8;
	[tilespmem:$0x1FD80] =	vst v63  }
0x1ab: {  	_ =	swait.ge [sflag:s13], $0x1A00  }
0x1ac: {  	[sflag:s13] =	ssyncset.done $0x0  }
0x1ad: {  	s26 =	sadd.s32 $0x2A40, s25;
	[sflag:s13] =	ssyncadd.s32 $0xFFFFE600  }
0x1ae: {  	[spmem:s3] =	stream.indirect.scatter.add.f32 [tilespmem:s11], [sflag:$0x5], $0x40, s26, s10, $0xb8;
	[tilespmem:$0x1FD80] =	vst v63  }
0x1af: {  	_ =	swait.ge [sflag:s21], $0x1A00  }
0x1b0: {  	[sflag:s21] =	ssyncset.done $0x0  }
0x1b1: {  	s26 =	sadd.s32 $0x2D8, s25;
	[sflag:s21] =	ssyncadd.s32 $0xFFFFE600  }
0x1b2: {  	[tilespmem:s7], [sflag:$0x4] =	stream.indirect.gather [spmem:s2], $0x40, s26, s10, $0xb8;
	[tilespmem:$0x1FD80] =	vst v63  }
0x1b3: {  	_ =	swait.ge [sflag:s15], $0x1A00  }
0x1b4: {  	[sflag:s15] =	ssyncset.done $0x0  }
0x1b5: {  	s26 =	sadd.s32 $0x2AA8, s25;
	[sflag:s15] =	ssyncadd.s32 $0xFFFFE600  }
0x1b6: {  	[spmem:s3] =	stream.indirect.scatter.add.f32 [tilespmem:s12], [sflag:$0x6], $0x40, s26, s10, $0xb8;
	[tilespmem:$0x1FD80] =	vst v63  }
0x1b7: {  	_ =	swait.ge [sflag:s16], $0x1A00  }
0x1b8: {  	[sflag:s16] =	ssyncset.done $0x0  }
0x1b9: {  	s26 =	sadd.s32 $0x340, s25;
	[sflag:s16] =	ssyncadd.s32 $0xFFFFE600  }
0x1ba: {  	[tilespmem:s11], [sflag:$0x1] =	stream.indirect.gather [spmem:s2], $0x40, s26, s10, $0xb8;
	[tilespmem:$0x1FD80] =	vst v63  }
0x1bb: {  	_ =	swait.ge [sflag:s17], $0x1A00  }
0x1bc: {  	[sflag:s17] =	ssyncset.done $0x0  }
0x1bd: {  	s26 =	sadd.s32 $0x2B10, s25;
	[sflag:s17] =	ssyncadd.s32 $0xFFFFE600  }
0x1be: {  	[spmem:s3] =	stream.indirect.scatter.add.f32 [tilespmem:s14], [sflag:$0x7], $0x40, s26, s10, $0xb8;
	[tilespmem:$0x1FD80] =	vst v63  }
0x1bf: {  	_ =	swait.ge [sflag:s18], $0x1A00  }
0x1c0: {  	[sflag:s18] =	ssyncset.done $0x0  }
.Ltmp2:
0x1c1: {  	s26 =	sadd.s32 $0x3A8, s25;
	[sflag:s18] =	ssyncadd.s32 $0xFFFFE600;
	(pc) =	sbr.rel @p0 .LBB2_6-.Ltmp2, $4  }
0x1c2: {  	[tilespmem:s12], [sflag:$0x2] =	stream.indirect.gather [spmem:s2], $0x40, s26, s10, $0xb8;
	[tilespmem:$0x1FD80] =	vst v63  }
0x1c3: {  	_ =	swait.ge [sflag:s19], $0x1A00  }
0x1c4: {  	[sflag:s19] =	ssyncset.done $0x0  }
0x1c5: {  	s25 =	sadd.s32 $0x2B78, s25;
	[sflag:s19] =	ssyncadd.s32 $0xFFFFE600  }
0x1c6: {  	[spmem:s3] =	stream.indirect.scatter.add.f32 [tilespmem:s7], [sflag:$0x8], $0x40, s25, s10, $0xb8;
	[tilespmem:$0x1FD80] =	vst v63  }
0x1c7: {  	_ =	swait.ge [sflag:s20], $0x1A00  }
0x1c8: {  	[sflag:s20] =	ssyncset.done $0x0  }
0x1c9: {  	s26 =	simm.s32 $0x27D0;
	[sflag:s20] =	ssyncadd.s32 $0xFFFFE600  }
0x1ca: {  	[tilespmem:s14], [sflag:$0x3] =	stream.indirect.gather [spmem:s2], $0x40, s26, s10, $0xb8;
	[tilespmem:$0x1FD80] =	vst v63  }
0x1cb: {  	_ =	swait.ge [sflag:s13], $0x1A00  }
0x1cc: {  	s23 =	sshra.s32 s23, $0x2;
	[sflag:s13] =	ssyncset.done $0x0  }
0x1cd: {  	s26 =	sadd.s32 $0x2A40, s23;
	[sflag:s13] =	ssyncadd.s32 $0xFFFFE600  }
0x1ce: {  	[spmem:s3] =	stream.indirect.scatter.add.f32 [tilespmem:s11], [sflag:$0x5], $0x40, s26, s10, $0xb8;
	[tilespmem:$0x1FD80] =	vst v63  }
0x1cf: {  	_ =	swait.ge [sflag:s21], $0x1A00  }
0x1d0: {  	[sflag:s21] =	ssyncset.done $0x0  }
0x1d1: {  	s26 =	sadd.s32 $0x2D8, s23;
	[sflag:s21] =	ssyncadd.s32 $0xFFFFE600  }
0x1d2: {  	[tilespmem:s7], [sflag:$0x4] =	stream.indirect.gather [spmem:s2], $0x40, s26, s10, $0xb8;
	[tilespmem:$0x1FD80] =	vst v63  }
0x1d3: {  	_ =	swait.ge [sflag:s15], $0x1A00  }
0x1d4: {  	[sflag:s15] =	ssyncset.done $0x0  }
0x1d5: {  	s26 =	sadd.s32 $0x2AA8, s23;
	[sflag:s15] =	ssyncadd.s32 $0xFFFFE600  }
0x1d6: {  	[spmem:s3] =	stream.indirect.scatter.add.f32 [tilespmem:s12], [sflag:$0x6], $0x40, s26, s10, $0xb8;
	[tilespmem:$0x1FD80] =	vst v63  }
0x1d7: {  	_ =	swait.ge [sflag:s16], $0x1A00  }
0x1d8: {  	[sflag:s16] =	ssyncset.done $0x0  }
0x1d9: {  	[sflag:s16] =	ssyncadd.s32 $0xFFFFE600  }
0x1da: {  	_ =	swait.ge [sflag:s17], $0x1A00  }
0x1db: {  	[sflag:s17] =	ssyncset.done $0x0  }
0x1dc: {  	s26 =	simm.s32 $0x5070;
	[sflag:s17] =	ssyncadd.s32 $0xFFFFE600  }
0x1dd: {  	[spmem:s3] =	stream.indirect.scatter.add.f32 [tilespmem:s14], [sflag:$0x7], $0x40, s26, s10, $0xb8;
	[tilespmem:$0x1FD80] =	vst v63  }
0x1de: {  	_ =	swait.ge [sflag:s18], $0x1A00  }
0x1df: {  	[sflag:s18] =	ssyncset.done $0x0  }
0x1e0: {  	[sflag:s18] =	ssyncadd.s32 $0xFFFFE600  }
0x1e1: {  	_ =	swait.ge [sflag:s19], $0x1A00  }
0x1e2: {  	[sflag:s19] =	ssyncset.done $0x0  }
0x1e3: {  	s23 =	sadd.s32 $0x2B78, s23;
	[sflag:s19] =	ssyncadd.s32 $0xFFFFE600  }
0x1e4: {  	[spmem:s3] =	stream.indirect.scatter.add.f32 [tilespmem:s7], [sflag:$0x8], $0x40, s23, s10, $0xb8;
	[tilespmem:$0x1FD80] =	vst v63  }
0x1e5: {  	_ =	swait.ge [sflag:s20], $0x1A00  }
0x1e6: {  	[sflag:s20] =	ssyncset.done $0x0  }
0x1e7: {  	[sflag:s20] =	ssyncadd.s32 $0xFFFFE600  }
0x1e8: {  	_ =	swait.ge [sflag:s21], $0x1A00  }
0x1e9: {  	[sflag:s21] =	ssyncset.done $0x0  }
0x1ea: {  	[sflag:s21] =	ssyncadd.s32 $0xFFFFE600  }
0x1eb: {  	[bflag:$0x0] =	sbarrier.arrive $0xFFFF  }
0x1ec: {  	s25 =	rddreg [dreg:$0xc]  }
0x1ed: {  	[hbm:s25], [sflag:s22] =	dma.local [spmem:s24], $0x1400  }
0x1ee: {  	_ =	swait.ge [sflag:s6], $0x1400  }
0x1ef: {  	s4 =	sadd.s32 $0x1, s4;
	s26 =	rddreg [dreg:$0xd]  }
0x1f0: {  	p0 =	sne.s32 s4, s26  }
.Ltmp3:
0x1f1: {  	_ = 	snop;
	(pc) =	sbr.rel @p0 .LBB2_1-.Ltmp3, $3  }
0x1f2: {  	_ =	sdelay $0x1  }
0x1f3: {  	[sflag:s6] =	ssyncset.done $0x0  }
0x1f4: {  	[sflag:s6] =	ssyncadd.s32 $0xFFFFEC00  }
0x1f5: {  	_ =	sfence.sel $0x180000  }
0x1f6: {  	[bflag:$0x0] =	sbarrier.arrive $0xFFFF  }
0x1f7: {  	_ =	strace $0x9000004A  }
0x1f8: {  	s0 =	stileid.u32;
	[bflag:$0x2] =	sbarrier.arrive $0xFFFF  }
0x1f9: {  	p0 =	sne.s32 s0, $0x0;
	s0 =	rddreg [dreg:$0x4]  }
0x1fa: {  	s0 =	sadd.s32 @!p0 $0x100000, s0  }
0x1fb: {  	[sflag:s0] =	ssyncadd.tile.s32 @!p0 $0x1;
	_ =	shalt  }
.Lfunc_end2:
_tile_overlayer_lowered:
.L_overlay_start_2:
0x1fc: {  	(tag) =	ssettag $0x2  }
0x1fd: {  	s0 =	rddreg [dreg:$0x0];
	s2 =	stileid.u32  }
0x1fe: {  	s1 =	rddreg [dreg:$0x1];
	p0 =	sne.s32 s2, $0x0  }
0x1ff: {  	s3 =	rddreg [dreg:$0x2];
	[bflag:$0x3] =	sbarrier.arrive $0xFFFF;
	s2 =	simm.s32 @!p0 $0x1C09  }
0x200: {  	[timem:s3], [sflag:s2] =	dma.local @!p0 [hbm:s0], s1  }
0x201: {  	s0 =	simm.s32 @!p0 $0x9  }
0x202: {  	_ =	swait.ge @!p0 [sflag:s0], s1  }
0x203: {  	s1 =	ssub.s32 @!p0 $0x0, s1;
	[sflag:s0] =	ssyncset.done @!p0 $0x0  }
0x204: {  	[sflag:s0] =	ssyncadd.s32 @!p0 s1  }
0x205: {  	[bflag:$0x3] =	sbarrier.arrive $0xFFFF  }
0x206: {  	_ =	shalt  }

// kernel: kernel.14.cloned.1.call-start
scs
__scs_entry_jumppad:
0x0: {  	(pc) =	sbr.rel $0x88, $3  }
0x1: {  	(tag) =	ssettag $0x0;
	lr =	simm.s32 $0x1  }
0x2: {  	[smem:$0x3F9B] =	sst lr;
	_ =	strace $0xD0000000  }
0x3: {  	_ = 	snop  }
0x4: {  	_ = 	snop  }
0x5: {  	_ = 	snop  }
0x6: {  	_ = 	snop  }
0x7: {  	_ = 	snop  }
__scs_overlays_trampoline_lowered:
0x8: {  	[smem:$0x3FAA] =	sst s0  }
0x9: {  	[smem:$0x3FAB] =	sst s1  }
0xa: {  	[smem:$0x3FAC] =	sst s2  }
0xb: {  	[smem:$0x3FAD] =	sst s3  }
0xc: {  	[smem:$0x3FAE] =	sst s4  }
0xd: {  	[smem:$0x3FAF] =	sst s5  }
0xe: {  	[smem:$0x3FB0] =	sst s6  }
0xf: {  	[smem:$0x3FB1] =	sst s7  }
0x10: {  	[smem:$0x3FB2] =	sst s8  }
0x11: {  	[smem:$0x3FB3] =	sst s9;
	s0 =	simm.s32 @!p0 $0x0  }
0x12: {  	s1 =	sld [smem:$0x3F99];
	s0 =	simm.s32 @p0 $0x1  }
0x13: {  	[smem:$0x3FB4] =	sst s0;
	s0 =	simm.s32 @!p1 $0x0  }
0x14: {  	s2 =	sld [smem:$0x3F98];
	s0 =	simm.s32 @p1 $0x1  }
0x15: {  	[smem:$0x3FB5] =	sst s0;
	s0 =	simm.s32 @!p2 $0x0  }
0x16: {  	s3 =	sld [smem:$0x3FDB];
	s0 =	simm.s32 @p2 $0x1  }
0x17: {  	s4 =	simm.s32 $0x1BF5;
	[smem:$0x3FB7] =	sst s0  }
0x18: {  	s0 =	sld [smem:$0x3F9A];
	_ =	swait.ge [sflag:s4], $0x0  }
0x19: {  	s7 =	sld [smem:$0x3F9B]  }
0x1a: {  	s8 =	sadd.s32 $0xFFFFE003, lr  }
0x1b: {  	s9 =	sadd.s32 $0xFFFFFEF7, lr;
	s5 =	simm.s32 $0xFFFFFFFF;
	p2 =	slt.u32 s8, $0xFFFFF086  }
0x1c: {  	p1 =	slt.u32 s9, $0xF7A;
	s5 =	simm.s32 @!p2 $0x0  }
0x1d: {  	s5 =	simm.s32 @p1 $0x1;
	p0 =	seq.s32 s7, s2  }
0x1e: {  	s7 =	smul.u32 @!p0 $0xF7A, s2;
	p2 =	seq.s32 @!p0 s5, $0x0  }
0x1f: {  	s9 =	smul.u32 $0xF7A, s1;
	s8 =	simm.s32 @!p0 $0x1BF5;
	p2 =	por !p2, p0  }
0x20: {  	[sflag:s8] =	ssyncset.s32 @!p0 $0xFFFFF086;
	s6 =	sadd.s32 @!p0 s3, s7;
	s7 =	simm.s32 @!p0 $0x108  }
0x21: {  	s3 =	sadd.s32 s3, s9;
	s6 =	sadd.s32 @!p0 $0x88, s6;
	s7 =	simm.s32 @p2 $0x1082  }
0x22: {  	[simem:s7], [sflag:s8] =	dma.local @!p0 [hbm:s6], $0xF7A  }
0x23: {  	s9 =	sor.u32 $0xD0000000, s2;
	s6 =	simm.s32 $0x108;
	_ =	swait.ge @!p0 [sflag:s8], $0x0  }
0x24: {  	s3 =	sadd.s32 $0x88, s3;
	s6 =	simm.s32 @!p1 $0x1082;
	[sflag:s4] =	ssyncset.s32 $0xFFFFF086  }
0x25: {  	[simem:s6], [sflag:s4] =	dma.local [hbm:s3], $0xF7A  }
0x26: {  	[smem:$0x3F9B] =	sst s1;
	(tag) =	ssettag s2;
	_ =	strace s9  }
0x27: {  	s1 =	sld [smem:$0x3FAB]  }
0x28: {  	s2 =	sld [smem:$0x3FAC]  }
0x29: {  	s4 =	sld [smem:$0x3FAE]  }
0x2a: {  	p0 =	seq.s32 s5, $0x0;
	s5 =	sld [smem:$0x3FAF]  }
0x2b: {  	s6 =	sld [smem:$0x3FB0]  }
0x2c: {  	s7 =	sld [smem:$0x3FB1]  }
0x2d: {  	s3 =	simm.s32 $0x108;
	s8 =	sld [smem:$0x3FB2]  }
0x2e: {  	s3 =	simm.s32 @!p0 $0x1082;
	s9 =	sld [smem:$0x3FB3]  }
0x2f: {  	lr =	sadd.s32 s0, s3;
	s0 =	sld [smem:$0x3FAA]  }
0x30: {  	s3 =	sld [smem:$0x3FAD]  }
0x31: {  	[smem:$0x3FB6] =	sst s10  }
0x32: {  	s10 =	sld [smem:$0x3FB4];
	_ =	sdelay $0x3  }
0x33: {  	p0 =	seq.s32 s10, $0x1;
	s10 =	sld [smem:$0x3FB6];
	_ =	sdelay $0x3  }
0x34: {  	[smem:$0x3FB6] =	sst s10  }
0x35: {  	s10 =	sld [smem:$0x3FB5];
	_ =	sdelay $0x3  }
0x36: {  	p1 =	seq.s32 s10, $0x1;
	s10 =	sld [smem:$0x3FB6];
	_ =	sdelay $0x3  }
0x37: {  	[smem:$0x3FB6] =	sst s10  }
0x38: {  	s10 =	sld [smem:$0x3FB7]  }
0x39: {  	_ = 	snop;
	(pc) =	sbr.ind lr, $3  }
0x3a: {  	_ = 	snop  }
0x3b: {  	_ = 	snop  }
0x3c: {  	p2 =	seq.s32 s10, $0x1;
	s10 =	sld [smem:$0x3FB6]  }
0x3d: {  	_ =	shalt  }
0x3e: {  	_ =	shalt  }
0x3f: {  	_ =	shalt  }
0x40: {  	_ =	shalt  }
0x41: {  	_ =	shalt  }
0x42: {  	_ =	shalt  }
0x43: {  	_ =	shalt  }
0x44: {  	_ =	shalt  }
0x45: {  	_ =	shalt  }
0x46: {  	_ =	shalt  }
0x47: {  	_ =	shalt  }
0x48: {  	_ =	shalt  }
0x49: {  	_ =	shalt  }
0x4a: {  	_ =	shalt  }
0x4b: {  	_ =	shalt  }
0x4c: {  	_ =	shalt  }
0x4d: {  	_ =	shalt  }
0x4e: {  	_ =	shalt  }
0x4f: {  	_ =	shalt  }
0x50: {  	_ =	shalt  }
0x51: {  	_ =	shalt  }
0x52: {  	_ =	shalt  }
0x53: {  	_ =	shalt  }
0x54: {  	_ =	shalt  }
0x55: {  	_ =	shalt  }
0x56: {  	_ =	shalt  }
0x57: {  	_ =	shalt  }
0x58: {  	_ =	shalt  }
0x59: {  	_ =	shalt  }
0x5a: {  	_ =	shalt  }
0x5b: {  	_ =	shalt  }
0x5c: {  	_ =	shalt  }
0x5d: {  	_ =	shalt  }
0x5e: {  	_ =	shalt  }
0x5f: {  	_ =	shalt  }
0x60: {  	_ =	shalt  }
0x61: {  	_ =	shalt  }
0x62: {  	_ =	shalt  }
0x63: {  	_ =	shalt  }
0x64: {  	_ =	shalt  }
0x65: {  	_ =	shalt  }
0x66: {  	_ =	shalt  }
0x67: {  	_ =	shalt  }
0x68: {  	_ =	shalt  }
0x69: {  	_ =	shalt  }
0x6a: {  	_ =	shalt  }
0x6b: {  	_ =	shalt  }
0x6c: {  	_ =	shalt  }
0x6d: {  	_ =	shalt  }
0x6e: {  	_ =	shalt  }
0x6f: {  	_ =	shalt  }
0x70: {  	_ =	shalt  }
0x71: {  	_ =	shalt  }
0x72: {  	_ =	shalt  }
0x73: {  	_ =	shalt  }
0x74: {  	_ =	shalt  }
0x75: {  	_ =	shalt  }
0x76: {  	_ =	shalt  }
0x77: {  	_ =	shalt  }
0x78: {  	_ =	shalt  }
0x79: {  	_ =	shalt  }
0x7a: {  	_ =	shalt  }
0x7b: {  	_ =	shalt  }
0x7c: {  	_ =	shalt  }
0x7d: {  	_ =	shalt  }
0x7e: {  	_ =	shalt  }
0x7f: {  	_ =	shalt  }
0x80: {  	_ =	shalt  }
0x81: {  	_ =	shalt  }
0x82: {  	_ =	shalt  }
0x83: {  	_ =	shalt  }
0x84: {  	_ =	shalt  }
0x85: {  	_ =	shalt  }
0x86: {  	_ =	shalt  }
0x87: {  	_ =	shalt  }
.Lfunc_end0:
.L_simem_size_0:
called_computation.2_lowered:
.L_overlay_start_0:
0x88: {  	s2 =	sld [smem:$0x3FD9]  }
0x89: {  	s3 =	sld [smem:$0x3FFE];
	_ =	sdelay $0x1  }
0x8a: {  	s1 =	srdreg.scid  }
0x8b: {  	s0 =	sand.u32 $0x1, s1  }
0x8c: {  	s17 =	sshll.u32 s0, $0xA;
	s2 =	sadd.s32 s3, s2  }
0x8d: {  	s2 =	sadd.s32 s2, s17  }
0x8e: {  	[smem:$0x3FC2] =	sst s2  }
0x8f: {  	_ = 	snop  }
0x90: {  	s2 =	sld [smem:$0x3FD0];
	(tm) =	ssettm $0x1  }
0x91: {  	s18 =	sld [smem:$0x3FFB];
	_ =	sdelay $0x3  }
0x92: {  	_ =	strace s18  }
0x93: {  	s3 =	sld [smem:$0x3FFC];
	_ =	sdelay $0x3  }
0x94: {  	_ =	strace s3  }
0x95: {  	s3 =	sld [smem:$0x3FFD];
	_ =	sdelay $0x3  }
0x96: {  	_ =	strace s3  }
0x97: {  	_ =	strace $0x8FFFFFFF  }
0x98: {  	s19 =	sld [smem:$0x3FDB];
	_ =	sdelay $0x1  }
0x99: {  	s4 =	simm.s32 $_scs_section_size  }
0x9a: {  	s5 =	simm.s32 $_size__tile_overlayer_lowered;
	s6 =	simm.s32 $_tile_overlayer_lowered  }
0x9b: {  	s22 =	simm.s32 $0x1BFF;
	s21 =	sshll.u32 s6, $0x1;
	s3 =	sadd.s32 s4, s19  }
0x9c: {  	s7 =	simm.s32 $0x0;
	s20 =	sshll.u32 s5, $0x1;
	s5 =	sadd.s32 s21, s3  }
0x9d: {  	[timem:s7], [sflag:s22] =	dma.local [hbm:s5], s20  }
0x9e: {  	_ =	swait.ge [sflag:s22], s20  }
0x9f: {  	s4 =	ssub.s32 $0x0, s20;
	[sflag:s22] =	ssyncset.done $0x0  }
0xa0: {  	[sflag:s22] =	ssyncadd.s32 s4;
	_ =	sdelay $0x1  }
0xa1: {  	s23 =	simm.s32 $0x1B8B  }
0xa2: {  	_ =	swait.ge [sflag:s23], $0x1  }
0xa3: {  	[sflag:s23] =	ssyncset.done $0x0  }
0xa4: {  	s25 =	simm.s32 $0x1B8E;
	s24 =	sld [smem:$0x3FFE];
	[sflag:s23] =	ssyncadd.s32 $0xFFFFFFFF  }
0xa5: {  	s26 =	simm.s32 $execute0_lowered;
	[smem:$0x3FD2] =	sst s25  }
0xa6: {  	s5 =	sshll.u32 s26, $0x1;
	_ =	strace $0x8000004C;
	[dreg:$0x1] =	wrdreg $0xFFFFFFFF  }
0xa7: {  	s28 =	simm.s32 $_size_execute0_lowered;
	s3 =	sadd.s32 s3, s5;
	[dreg:$0x0] =	wrdreg $0x0  }
0xa8: {  	s5 =	sshll.u32 s28, $0x1;
	[dreg:$0x2] =	wrdreg s3  }
0xa9: {  	[dreg:$0x3] =	wrdreg s5  }
0xaa: {  	[dreg:$0x4] =	wrdreg $0xC0  }
0xab: {  	_ =	task [dreg:s7], $0x5FFFF  }
0xac: {  	[dreg:$0x1] =	wrdreg $0xFFFFFFFF  }
0xad: {  	[dreg:$0x0] =	wrdreg $0x60  }
0xae: {  	[dreg:$0x2] =	wrdreg s2  }
0xaf: {  	[dreg:$0x3] =	wrdreg s24  }
0xb0: {  	[dreg:$0x4] =	wrdreg $0x161400  }
0xb1: {  	[dreg:$0x5] =	wrdreg $0xC1400  }
0xb2: {  	[dreg:$0x6] =	wrdreg $0x9  }
0xb3: {  	_ =	task.clear_ibuf [dreg:s7], $0x7FFFF;
	_ =	strace $0x9000004C  }
0xb4: {  	s29 =	simm.s32 $0x9;
	_ =	strace $0x8000004E  }
0xb5: {  	_ =	swait.ge [sflag:s29], $0x1  }
0xb6: {  	[sflag:s29] =	ssyncadd.s32 $0xFFFFFFFF  }
0xb7: {  	_ =	strace $0x9000004E  }
0xb8: {  	_ =	sfence  }
0xb9: {  	s30 =	sld [smem:$0x0];
	_ =	sdelay $0x2  }
0xba: {  	s31 =	sshll.u32 s1, $0xD;
	s1 =	sshrl.u32 s1, $0x2  }
0xbb: {  	s3 =	sand.u32 $0x4000, s31;
	s1 =	sadd.s32 s1, s30  }
0xbc: {  	s0 =	sor.u32 s3, s0;
	s1 =	sshll.u32 s1, $0x11  }
0xbd: {  	s0 =	sor.u32 s1, s0  }
0xbe: {  	s0 =	sadd.s32 $0x8F2B, s0  }
0xbf: {  	[sflag:s0] =	ssyncadd.remote.s32 $0x1  }
0xc0: {  	_ =	sfence.sel $0xFFFF  }
0xc1: {  	[dreg:$0x0] =	wrdreg $0xFFFFFFFF;
	(pc) =	sbr.abs _section_cstart, $3  }
0xc2: {  	[dreg:$0x1] =	wrdreg $0xFFFFFFFF  }
0xc3: {  	_ =	task.clear_ibuf [dreg:s7], $0x2FFFF;
	_ =	strace $0x9FFFFFFF  }
0xc4: {  	(tm) =	ssettm $0x7FFFFFFF  }
0xc5: {  	_ =	shalt  }
tec
execute0_lowered:
.L_overlay_start_1:
0x0: {  	(tag) =	ssettag $0x1  }
0x1: {  	s0 =	rddreg [dreg:$0x0];
	s13 =	stileid.u32  }
0x2: {  	s1 =	rddreg [dreg:$0x1];
	s5 =	smul.u32 $0x9C40, s13  }
0x3: {  	s3 =	srdreg.scid;
	s8 =	smul.u32 $0x28A0, s13  }
0x4: {  	s2 =	rddreg [dreg:$0x2];
	s4 =	simm.s32 $0x0;
	s24 =	smul.u32 $0xA000, s13  }
0x5: {  	s6 =	sand.u32 $0x1, s3;
	s3 =	rddreg [dreg:$0x3];
	s13 =	smul.u32 $0x28000, s13  }
0x6: {  	[smem:$0x7FF] =	sst s4;
	s7 =	smul.u32 $0x28A00, s6  }
0x7: {  	s9 =	smul.u32 $0x140000, s6;
	_ =	strace $0x8000004D;
	s6 =	ssub.s32 $0x2, s6  }
0x8: {  	s10 =	sshrl.u32 s5, $0x3;
	s12 =	sshrl.u32 s6, $0x1;
	s5 =	sadd.s32 s5, s2  }
0x9: {  	s26 =	sshrl.u32 s13, $0x2;
	s7 =	sadd.s32 s8, s7;
	s11 =	sadd.s32 s10, s1  }
0xa: {  	s9 =	sadd.s32 s24, s9;
	[dreg:$0x7] =	wrdreg s5;
	s0 =	sadd.s32 s0, s10  }
0xb: {  	s6 =	ssub.s32 s6, s12;
	s10 =	sadd.s32 s24, s3;
	[dreg:$0x8] =	wrdreg s0  }
0xc: {  	s7 =	sshrl.u32 s7, $0x3;
	[dreg:$0xa] =	wrdreg s10;
	s11 =	sadd.s32 $0x66400, s11  }
0xd: {  	s13 =	smax.u32 s6, $0x1;
	s7 =	sadd.s32 s7, s1;
	[dreg:$0xb] =	wrdreg s11  }
0xe: {  	s9 =	sshrl.u32 s9, $0x3;
	[dreg:$0xd] =	wrdreg s13;
	s25 =	sadd.s32 $0xC000, s7  }
0xf: {  	s1 =	sadd.s32 s9, s1;
	s7 =	sadd.s32 $0x1C00, s7;
	[dreg:$0x5] =	wrdreg s25  }
0x10: {  	s9 =	sadd.s32 s26, s3;
	s12 =	sadd.s32 $0x8E400, s1;
	[dreg:$0x6] =	wrdreg s7  }
0x11: {  	s28 =	simm.s32 $0x28A0;
	s14 =	sadd.s32 $0x800, s9;
	[dreg:$0xc] =	wrdreg s12  }
0x12: {  	s8 =	simm.s32 $0xB940;
	s15 =	sadd.s32 $0x1000, s9;
	[dreg:$0xe] =	wrdreg s14  }
0x13: {  	s6 =	simm.s32 $0x9;
	s16 =	sadd.s32 $0x1800, s9;
	[dreg:$0xf] =	wrdreg s15  }
0x14: {  	s10 =	simm.s32 $0x68;
	s17 =	sadd.s32 $0x2000, s9;
	[dreg:$0x10] =	wrdreg s16  }
0x15: {  	s11 =	simm.s32 $0x5140;
	s18 =	sadd.s32 $0x2800, s9;
	[dreg:$0x11] =	wrdreg s17  }
0x16: {  	s13 =	simm.s32 $0x1;
	s19 =	sadd.s32 $0x3000, s9;
	[dreg:$0x12] =	wrdreg s18  }
0x17: {  	s20 =	sadd.s32 $0x3800, s9;
	s21 =	sadd.s32 $0x4000, s9;
	[dreg:$0x13] =	wrdreg s19  }
0x18: {  	s22 =	sadd.s32 $0x4800, s9;
	s23 =	sadd.s32 $0x5000, s9;
	[dreg:$0x14] =	wrdreg s20  }
0x19: {  	s24 =	sadd.s32 $0x5800, s9;
	s26 =	sadd.s32 $0x6800, s9;
	[dreg:$0x15] =	wrdreg s21  }
0x1a: {  	s29 =	sadd.s32 $0x7000, s9;
	s30 =	sadd.s32 $0x7800, s9;
	[dreg:$0x16] =	wrdreg s22  }
0x1b: {  	s31 =	sadd.s32 $0x8000, s9;
	s0 =	sadd.s32 $0x9000, s9;
	[dreg:$0x17] =	wrdreg s23  }
0x1c: {  	s5 =	sadd.s32 $0x9800, s9;
	s7 =	sadd.s32 $0x7A400, s1;
	[dreg:$0x18] =	wrdreg s24  }
0x1d: {  	s25 =	sadd.s32 $0x6000, s9;
	[dreg:$0x1a] =	wrdreg s26;
	s1 =	sadd.s32 $0x8800, s9  }
0x1e: {  	s12 =	simm.s32 $0x6B40;
	s14 =	simm.s32 $0x8540;
	s15 =	simm.s32 $0x2  }
0x1f: {  	s16 =	simm.s32 $0x5;
	s17 =	simm.s32 $0x3;
	s18 =	simm.s32 $0x6  }
0x20: {  	s19 =	simm.s32 $0x4;
	s20 =	simm.s32 $0x7;
	[dreg:$0x9] =	wrdreg s7  }
0x21: {  	v0 =	vimm.f32 $0.0e+00;
	s21 =	simm.s32 $0x8;
	[dreg:$0x19] =	wrdreg s25;
	s7 =	simm.s32 $0x9F40  }
.LBB2_1:
0x22: {  	s23 =	simm.s32 $0x100;
	s22 =	simm.s32 $0x0  }
.LBB2_2:
0x23: {  	p0 =	sne.s32 s23, $0x1F00;
	[tilespmem:s22+$0xB970] =	vst v0;
	s24 =	smov.u32 s23;
	s23 =	sadd.s32 $0x100, s23  }
.Ltmp0:
0x24: {  	[tilespmem:s22+$0xB960] =	vst v0;
	(pc) =	sbr.rel @p0 .LBB2_2-.Ltmp0, $3  }
0x25: {  	[tilespmem:s22+$0xB940] =	vst v0  }
0x26: {  	[tilespmem:s22+$0xB950] =	vst v0;
	_ =	sdelay $0x1  }
0x27: {  	s22 =	sshra.s32 s24, $0x2  }
0x28: {  	[tilespmem:s22+$0xB970] =	vst v0  }
0x29: {  	[tilespmem:s22+$0xB960] =	vst v0  }
0x2a: {  	[tilespmem:s22+$0xB940] =	vst v0  }
0x2b: {  	[tilespmem:s22+$0xB950] =	vst v0;
	s24 =	simm.s32 $0x0;
	s23 =	rddreg [dreg:$0x5]  }
0x2c: {  	[tilespmem:s24], [sflag:$0x9] =	stream.linear.gather [hbm4b:s23+s24], $0x28A0, $0x38;
	[tilespmem:$0x1FD80] =	vst v63  }
0x2d: {  	_ =	swait.ge [sflag:s6], $0x28A0  }
0x2e: {  	s26 =	simm.s32 $0x28A0;
	[sflag:s6] =	ssyncset.done $0x0  }
0x2f: {  	s23 =	stileid.u32;
	s25 =	rddreg [dreg:$0x6];
	[sflag:s6] =	ssyncadd.s32 $0xFFFFD760  }
0x30: {  	[tilespmem:s26], [sflag:$0x9] =	stream.linear.gather [hbm4b:s25+s24], $0x28A0, $0x38;
	[tilespmem:$0x1FD80] =	vst v63  }
0x31: {  	s22 =	sshll.u32 s23, $0x6;
	_ =	swait.ge [sflag:s6], $0x28A0  }
0x32: {  	s22 =	sor.u32 $0x1C09, s22;
	[sflag:s6] =	ssyncset.done $0x0;
	s23 =	rddreg [dreg:$0x7]  }
0x33: {  	s25 =	rddreg [dreg:$0x8];
	[sflag:s6] =	ssyncadd.s32 $0xFFFFD760;
	s23 =	sshrl.u32 s23, $0x3  }
0x34: {  	[spmem:s23], [sflag:s22] =	dma.local [hbm:s25], $0x1388  }
0x35: {  	_ =	swait.ge [sflag:s6], $0x1388  }
0x36: {  	[sflag:s6] =	ssyncset.done $0x0  }
0x37: {  	[sflag:s6] =	ssyncadd.s32 $0xFFFFEC78  }
0x38: {  	[spmem:s9] =	stream.linear.scatter [tilespmem:s8], [sflag:$0x9], $0x800, $0x38;
	[tilespmem:$0x1FD80] =	vst v63  }
0x39: {  	_ =	swait.ge [sflag:s6], $0x800  }
0x3a: {  	[sflag:s6] =	ssyncset.done $0x0  }
0x3b: {  	s25 =	rddreg [dreg:$0xe];
	[sflag:s6] =	ssyncadd.s32 $0xFFFFF800  }
0x3c: {  	[spmem:s25] =	stream.linear.scatter [tilespmem:s8], [sflag:$0x9], $0x800, $0x38;
	[tilespmem:$0x1FD80] =	vst v63  }
0x3d: {  	_ =	swait.ge [sflag:s6], $0x800  }
0x3e: {  	[sflag:s6] =	ssyncset.done $0x0  }
0x3f: {  	s25 =	rddreg [dreg:$0xf];
	[sflag:s6] =	ssyncadd.s32 $0xFFFFF800  }
0x40: {  	[spmem:s25] =	stream.linear.scatter [tilespmem:s8], [sflag:$0x9], $0x800, $0x38;
	[tilespmem:$0x1FD80] =	vst v63  }
0x41: {  	_ =	swait.ge [sflag:s6], $0x800  }
0x42: {  	[sflag:s6] =	ssyncset.done $0x0  }
0x43: {  	s25 =	rddreg [dreg:$0x10];
	[sflag:s6] =	ssyncadd.s32 $0xFFFFF800  }
0x44: {  	[spmem:s25] =	stream.linear.scatter [tilespmem:s8], [sflag:$0x9], $0x800, $0x38;
	[tilespmem:$0x1FD80] =	vst v63  }
0x45: {  	_ =	swait.ge [sflag:s6], $0x800  }
0x46: {  	[sflag:s6] =	ssyncset.done $0x0  }
0x47: {  	s25 =	rddreg [dreg:$0x11];
	[sflag:s6] =	ssyncadd.s32 $0xFFFFF800  }
0x48: {  	[spmem:s25] =	stream.linear.scatter [tilespmem:s8], [sflag:$0x9], $0x800, $0x38;
	[tilespmem:$0x1FD80] =	vst v63  }
0x49: {  	_ =	swait.ge [sflag:s6], $0x800  }
0x4a: {  	[sflag:s6] =	ssyncset.done $0x0  }
0x4b: {  	s25 =	rddreg [dreg:$0x12];
	[sflag:s6] =	ssyncadd.s32 $0xFFFFF800  }
0x4c: {  	[spmem:s25] =	stream.linear.scatter [tilespmem:s8], [sflag:$0x9], $0x800, $0x38;
	[tilespmem:$0x1FD80] =	vst v63  }
0x4d: {  	_ =	swait.ge [sflag:s6], $0x800  }
0x4e: {  	[sflag:s6] =	ssyncset.done $0x0  }
0x4f: {  	s25 =	rddreg [dreg:$0x13];
	[sflag:s6] =	ssyncadd.s32 $0xFFFFF800  }
0x50: {  	[spmem:s25] =	stream.linear.scatter [tilespmem:s8], [sflag:$0x9], $0x800, $0x38;
	[tilespmem:$0x1FD80] =	vst v63  }
0x51: {  	_ =	swait.ge [sflag:s6], $0x800  }
0x52: {  	[sflag:s6] =	ssyncset.done $0x0  }
0x53: {  	s25 =	rddreg [dreg:$0x14];
	[sflag:s6] =	ssyncadd.s32 $0xFFFFF800  }
0x54: {  	[spmem:s25] =	stream.linear.scatter [tilespmem:s8], [sflag:$0x9], $0x800, $0x38;
	[tilespmem:$0x1FD80] =	vst v63  }
0x55: {  	_ =	swait.ge [sflag:s6], $0x800  }
0x56: {  	[sflag:s6] =	ssyncset.done $0x0  }
0x57: {  	s25 =	rddreg [dreg:$0x15];
	[sflag:s6] =	ssyncadd.s32 $0xFFFFF800  }
0x58: {  	[spmem:s25] =	stream.linear.scatter [tilespmem:s8], [sflag:$0x9], $0x800, $0x38;
	[tilespmem:$0x1FD80] =	vst v63  }
0x59: {  	_ =	swait.ge [sflag:s6], $0x800  }
0x5a: {  	[sflag:s6] =	ssyncset.done $0x0  }
0x5b: {  	s25 =	rddreg [dreg:$0x16];
	[sflag:s6] =	ssyncadd.s32 $0xFFFFF800  }
0x5c: {  	[spmem:s25] =	stream.linear.scatter [tilespmem:s8], [sflag:$0x9], $0x800, $0x38;
	[tilespmem:$0x1FD80] =	vst v63  }
0x5d: {  	_ =	swait.ge [sflag:s6], $0x800  }
0x5e: {  	[sflag:s6] =	ssyncset.done $0x0  }
0x5f: {  	s25 =	rddreg [dreg:$0x17];
	[sflag:s6] =	ssyncadd.s32 $0xFFFFF800  }
0x60: {  	[spmem:s25] =	stream.linear.scatter [tilespmem:s8], [sflag:$0x9], $0x800, $0x38;
	[tilespmem:$0x1FD80] =	vst v63  }
0x61: {  	_ =	swait.ge [sflag:s6], $0x800  }
0x62: {  	[sflag:s6] =	ssyncset.done $0x0  }
0x63: {  	s25 =	rddreg [dreg:$0x18];
	[sflag:s6] =	ssyncadd.s32 $0xFFFFF800  }
0x64: {  	[spmem:s25] =	stream.linear.scatter [tilespmem:s8], [sflag:$0x9], $0x800, $0x38;
	[tilespmem:$0x1FD80] =	vst v63  }
0x65: {  	_ =	swait.ge [sflag:s6], $0x800  }
0x66: {  	[sflag:s6] =	ssyncset.done $0x0  }
0x67: {  	s25 =	rddreg [dreg:$0x19];
	[sflag:s6] =	ssyncadd.s32 $0xFFFFF800  }
0x68: {  	[spmem:s25] =	stream.linear.scatter [tilespmem:s8], [sflag:$0x9], $0x800, $0x38;
	[tilespmem:$0x1FD80] =	vst v63  }
0x69: {  	_ =	swait.ge [sflag:s6], $0x800  }
0x6a: {  	[sflag:s6] =	ssyncset.done $0x0  }
0x6b: {  	s25 =	rddreg [dreg:$0x1a];
	[sflag:s6] =	ssyncadd.s32 $0xFFFFF800  }
0x6c: {  	[spmem:s25] =	stream.linear.scatter [tilespmem:s8], [sflag:$0x9], $0x800, $0x38;
	[tilespmem:$0x1FD80] =	vst v63  }
0x6d: {  	_ =	swait.ge [sflag:s6], $0x800  }
0x6e: {  	[sflag:s6] =	ssyncset.done $0x0  }
0x6f: {  	[sflag:s6] =	ssyncadd.s32 $0xFFFFF800  }
0x70: {  	[spmem:s29] =	stream.linear.scatter [tilespmem:s8], [sflag:$0x9], $0x800, $0x38;
	[tilespmem:$0x1FD80] =	vst v63  }
0x71: {  	_ =	swait.ge [sflag:s6], $0x800  }
0x72: {  	[sflag:s6] =	ssyncset.done $0x0  }
0x73: {  	[sflag:s6] =	ssyncadd.s32 $0xFFFFF800  }
0x74: {  	[spmem:s30] =	stream.linear.scatter [tilespmem:s8], [sflag:$0x9], $0x800, $0x38;
	[tilespmem:$0x1FD80] =	vst v63  }
0x75: {  	_ =	swait.ge [sflag:s6], $0x800  }
0x76: {  	[sflag:s6] =	ssyncset.done $0x0  }
0x77: {  	[sflag:s6] =	ssyncadd.s32 $0xFFFFF800  }
0x78: {  	[spmem:s31] =	stream.linear.scatter [tilespmem:s8], [sflag:$0x9], $0x800, $0x38;
	[tilespmem:$0x1FD80] =	vst v63  }
0x79: {  	_ =	swait.ge [sflag:s6], $0x800  }
0x7a: {  	[sflag:s6] =	ssyncset.done $0x0  }
0x7b: {  	[sflag:s6] =	ssyncadd.s32 $0xFFFFF800  }
0x7c: {  	[spmem:s1] =	stream.linear.scatter [tilespmem:s8], [sflag:$0x9], $0x800, $0x38;
	[tilespmem:$0x1FD80] =	vst v63  }
0x7d: {  	_ =	swait.ge [sflag:s6], $0x800  }
0x7e: {  	[sflag:s6] =	ssyncset.done $0x0  }
0x7f: {  	[sflag:s6] =	ssyncadd.s32 $0xFFFFF800  }
0x80: {  	[spmem:s0] =	stream.linear.scatter [tilespmem:s8], [sflag:$0x9], $0x800, $0x38;
	[tilespmem:$0x1FD80] =	vst v63  }
0x81: {  	_ =	swait.ge [sflag:s6], $0x800  }
0x82: {  	[sflag:s6] =	ssyncset.done $0x0  }
0x83: {  	[sflag:s6] =	ssyncadd.s32 $0xFFFFF800  }
0x84: {  	[spmem:s5] =	stream.linear.scatter [tilespmem:s8], [sflag:$0x9], $0x800, $0x38;
	[tilespmem:$0x1FD80] =	vst v63  }
0x85: {  	_ =	swait.ge [sflag:s6], $0x800  }
0x86: {  	[sflag:s6] =	ssyncset.done $0x0  }
0x87: {  	[sflag:s6] =	ssyncadd.s32 $0xFFFFF800  }
0x88: {  	[bflag:$0x0] =	sbarrier.arrive $0xFFFF  }
0x89: {  	[tilespmem:s11], [sflag:$0x1] =	stream.indirect.gather [spmem:s2], $0x40, s24, s10, $0xb8;
	[tilespmem:$0x1FD80] =	vst v63  }
0x8a: {  	_ = 	snop  }
0x8b: {  	[tilespmem:s12], [sflag:$0x2] =	stream.indirect.gather [spmem:s2], $0x40, s10, s10, $0xb8;
	[tilespmem:$0x1FD80] =	vst v63  }
0x8c: {  	s25 =	simm.s32 $0xD0  }
0x8d: {  	[tilespmem:s14], [sflag:$0x3] =	stream.indirect.gather [spmem:s2], $0x40, s25, s10, $0xb8;
	[tilespmem:$0x1FD80] =	vst v63  }
0x8e: {  	_ =	swait.ge [sflag:s13], $0x1A00  }
0x8f: {  	[sflag:s13] =	ssyncset.done $0x0  }
0x90: {  	[sflag:s13] =	ssyncadd.s32 $0xFFFFE600  }
0x91: {  	[spmem:s3] =	stream.indirect.scatter.add.f32 [tilespmem:s11], [sflag:$0x5], $0x40, s26, s10, $0xb8;
	[tilespmem:$0x1FD80] =	vst v63  }
0x92: {  	s26 =	simm.s32 $0x138  }
0x93: {  	[tilespmem:s7], [sflag:$0x4] =	stream.indirect.gather [spmem:s2], $0x40, s26, s10, $0xb8;
	[tilespmem:$0x1FD80] =	vst v63  }
0x94: {  	_ =	swait.ge [sflag:s15], $0x1A00  }
0x95: {  	[sflag:s15] =	ssyncset.done $0x0  }
0x96: {  	s25 =	simm.s32 $0x2908;
	[sflag:s15] =	ssyncadd.s32 $0xFFFFE600  }
0x97: {  	[spmem:s3] =	stream.indirect.scatter.add.f32 [tilespmem:s12], [sflag:$0x6], $0x40, s25, s10, $0xb8;
	[tilespmem:$0x1FD80] =	vst v63  }
0x98: {  	_ =	swait.ge [sflag:s16], $0x1A00  }
0x99: {  	[sflag:s16] =	ssyncset.done $0x0  }
0x9a: {  	s26 =	simm.s32 $0x1A0;
	[sflag:s16] =	ssyncadd.s32 $0xFFFFE600  }
0x9b: {  	[tilespmem:s11], [sflag:$0x1] =	stream.indirect.gather [spmem:s2], $0x40, s26, s10, $0xb8;
	[tilespmem:$0x1FD80] =	vst v63  }
0x9c: {  	_ =	swait.ge [sflag:s17], $0x1A00  }
0x9d: {  	[sflag:s17] =	ssyncset.done $0x0  }
0x9e: {  	s25 =	simm.s32 $0x2970;
	[sflag:s17] =	ssyncadd.s32 $0xFFFFE600  }
0x9f: {  	[spmem:s3] =	stream.indirect.scatter.add.f32 [tilespmem:s14], [sflag:$0x7], $0x40, s25, s10, $0xb8;
	[tilespmem:$0x1FD80] =	vst v63  }
0xa0: {  	_ =	swait.ge [sflag:s18], $0x1A00  }
0xa1: {  	[sflag:s18] =	ssyncset.done $0x0  }
0xa2: {  	s26 =	simm.s32 $0x208;
	[sflag:s18] =	ssyncadd.s32 $0xFFFFE600  }
0xa3: {  	[tilespmem:s12], [sflag:$0x2] =	stream.indirect.gather [spmem:s2], $0x40, s26, s10, $0xb8;
	[tilespmem:$0x1FD80] =	vst v63  }
0xa4: {  	_ =	swait.ge [sflag:s19], $0x1A00  }
0xa5: {  	[sflag:s19] =	ssyncset.done $0x0  }
0xa6: {  	s25 =	simm.s32 $0x29D8;
	[sflag:s19] =	ssyncadd.s32 $0xFFFFE600  }
0xa7: {  	[spmem:s3] =	stream.indirect.scatter.add.f32 [tilespmem:s7], [sflag:$0x8], $0x40, s25, s10, $0xb8;
	[tilespmem:$0x1FD80] =	vst v63  }
0xa8: {  	_ =	swait.ge [sflag:s20], $0x1A00  }
0xa9: {  	[sflag:s20] =	ssyncset.done $0x0  }
0xaa: {  	s26 =	simm.s32 $0x270;
	[sflag:s20] =	ssyncadd.s32 $0xFFFFE600  }
0xab: {  	[tilespmem:s14], [sflag:$0x3] =	stream.indirect.gather [spmem:s2], $0x40, s26, s10, $0xb8;
	[tilespmem:$0x1FD80] =	vst v63  }
0xac: {  	_ =	swait.ge [sflag:s13], $0x1A00  }
0xad: {  	[sflag:s13] =	ssyncset.done $0x0  }
0xae: {  	s25 =	simm.s32 $0x2A40;
	[sflag:s13] =	ssyncadd.s32 $0xFFFFE600  }
0xaf: {  	[spmem:s3] =	stream.indirect.scatter.add.f32 [tilespmem:s11], [sflag:$0x5], $0x40, s25, s10, $0xb8;
	[tilespmem:$0x1FD80] =	vst v63  }
0xb0: {  	_ =	swait.ge [sflag:s21], $0x1A00  }
0xb1: {  	[sflag:s21] =	ssyncset.done $0x0  }
0xb2: {  	s26 =	simm.s32 $0x2D8;
	[sflag:s21] =	ssyncadd.s32 $0xFFFFE600  }
0xb3: {  	[tilespmem:s7], [sflag:$0x4] =	stream.indirect.gather [spmem:s2], $0x40, s26, s10, $0xb8;
	[tilespmem:$0x1FD80] =	vst v63  }
0xb4: {  	_ =	swait.ge [sflag:s15], $0x1A00  }
0xb5: {  	[sflag:s15] =	ssyncset.done $0x0  }
0xb6: {  	s25 =	simm.s32 $0x2AA8;
	[sflag:s15] =	ssyncadd.s32 $0xFFFFE600  }
0xb7: {  	[spmem:s3] =	stream.indirect.scatter.add.f32 [tilespmem:s12], [sflag:$0x6], $0x40, s25, s10, $0xb8;
	[tilespmem:$0x1FD80] =	vst v63  }
0xb8: {  	_ =	swait.ge [sflag:s16], $0x1A00  }
0xb9: {  	[sflag:s16] =	ssyncset.done $0x0  }
0xba: {  	s26 =	simm.s32 $0x340;
	[sflag:s16] =	ssyncadd.s32 $0xFFFFE600  }
0xbb: {  	[tilespmem:s11], [sflag:$0x1] =	stream.indirect.gather [spmem:s2], $0x40, s26, s10, $0xb8;
	[tilespmem:$0x1FD80] =	vst v63  }
0xbc: {  	_ =	swait.ge [sflag:s17], $0x1A00  }
0xbd: {  	[sflag:s17] =	ssyncset.done $0x0  }
0xbe: {  	s25 =	simm.s32 $0x2B10;
	[sflag:s17] =	ssyncadd.s32 $0xFFFFE600  }
0xbf: {  	[spmem:s3] =	stream.indirect.scatter.add.f32 [tilespmem:s14], [sflag:$0x7], $0x40, s25, s10, $0xb8;
	[tilespmem:$0x1FD80] =	vst v63  }
0xc0: {  	_ =	swait.ge [sflag:s18], $0x1A00  }
0xc1: {  	[sflag:s18] =	ssyncset.done $0x0  }
0xc2: {  	s26 =	simm.s32 $0x3A8;
	[sflag:s18] =	ssyncadd.s32 $0xFFFFE600  }
0xc3: {  	[tilespmem:s12], [sflag:$0x2] =	stream.indirect.gather [spmem:s2], $0x40, s26, s10, $0xb8;
	[tilespmem:$0x1FD80] =	vst v63  }
0xc4: {  	_ =	swait.ge [sflag:s19], $0x1A00  }
0xc5: {  	[sflag:s19] =	ssyncset.done $0x0  }
0xc6: {  	s24 =	simm.s32 $0x680;
	s25 =	simm.s32 $0x2B78;
	[sflag:s19] =	ssyncadd.s32 $0xFFFFE600  }
.LBB2_4:
0xc7: {  	[spmem:s3] =	stream.indirect.scatter.add.f32 [tilespmem:s7], [sflag:$0x8], $0x40, s25, s10, $0xb8;
	[tilespmem:$0x1FD80] =	vst v63  }
0xc8: {  	s25 =	smov.u32 s24;
	s24 =	sadd.s32 $0x680, s24;
	_ =	swait.ge [sflag:s20], $0x1A00  }
0xc9: {  	s25 =	sshra.s32 s25, $0x2;
	p0 =	sne.s32 s24, $0x9580;
	[sflag:s20] =	ssyncset.done $0x0  }
0xca: {  	s26 =	sadd.s32 $0x270, s25;
	[sflag:s20] =	ssyncadd.s32 $0xFFFFE600  }
0xcb: {  	[tilespmem:s14], [sflag:$0x3] =	stream.indirect.gather [spmem:s2], $0x40, s26, s10, $0xb8;
	[tilespmem:$0x1FD80] =	vst v63  }
0xcc: {  	_ =	swait.ge [sflag:s13], $0x1A00  }
0xcd: {  	[sflag:s13] =	ssyncset.done $0x0  }
0xce: {  	s26 =	sadd.s32 $0x2A40, s25;
	[sflag:s13] =	ssyncadd.s32 $0xFFFFE600  }
0xcf: {  	[spmem:s3] =	stream.indirect.scatter.add.f32 [tilespmem:s11], [sflag:$0x5], $0x40, s26, s10, $0xb8;
	[tilespmem:$0x1FD80] =	vst v63  }
0xd0: {  	_ =	swait.ge [sflag:s21], $0x1A00  }
0xd1: {  	[sflag:s21] =	ssyncset.done $0x0  }
0xd2: {  	s26 =	sadd.s32 $0x2D8, s25;
	[sflag:s21] =	ssyncadd.s32 $0xFFFFE600  }
0xd3: {  	[tilespmem:s7], [sflag:$0x4] =	stream.indirect.gather [spmem:s2], $0x40, s26, s10, $0xb8;
	[tilespmem:$0x1FD80] =	vst v63  }
0xd4: {  	_ =	swait.ge [sflag:s15], $0x1A00  }
0xd5: {  	[sflag:s15] =	ssyncset.done $0x0  }
0xd6: {  	s26 =	sadd.s32 $0x2AA8, s25;
	[sflag:s15] =	ssyncadd.s32 $0xFFFFE600  }
0xd7: {  	[spmem:s3] =	stream.indirect.scatter.add.f32 [tilespmem:s12], [sflag:$0x6], $0x40, s26, s10, $0xb8;
	[tilespmem:$0x1FD80] =	vst v63  }
0xd8: {  	_ =	swait.ge [sflag:s16], $0x1A00  }
0xd9: {  	[sflag:s16] =	ssyncset.done $0x0  }
0xda: {  	s26 =	sadd.s32 $0x340, s25;
	[sflag:s16] =	ssyncadd.s32 $0xFFFFE600  }
0xdb: {  	[tilespmem:s11], [sflag:$0x1] =	stream.indirect.gather [spmem:s2], $0x40, s26, s10, $0xb8;
	[tilespmem:$0x1FD80] =	vst v63  }
0xdc: {  	_ =	swait.ge [sflag:s17], $0x1A00  }
0xdd: {  	[sflag:s17] =	ssyncset.done $0x0  }
0xde: {  	s26 =	sadd.s32 $0x2B10, s25;
	[sflag:s17] =	ssyncadd.s32 $0xFFFFE600  }
0xdf: {  	[spmem:s3] =	stream.indirect.scatter.add.f32 [tilespmem:s14], [sflag:$0x7], $0x40, s26, s10, $0xb8;
	[tilespmem:$0x1FD80] =	vst v63  }
0xe0: {  	_ =	swait.ge [sflag:s18], $0x1A00  }
0xe1: {  	[sflag:s18] =	ssyncset.done $0x0  }
.Ltmp1:
0xe2: {  	s26 =	sadd.s32 $0x3A8, s25;
	[sflag:s18] =	ssyncadd.s32 $0xFFFFE600;
	(pc) =	sbr.rel @p0 .LBB2_4-.Ltmp1, $4  }
0xe3: {  	[tilespmem:s12], [sflag:$0x2] =	stream.indirect.gather [spmem:s2], $0x40, s26, s10, $0xb8;
	[tilespmem:$0x1FD80] =	vst v63  }
0xe4: {  	_ =	swait.ge [sflag:s19], $0x1A00  }
0xe5: {  	[sflag:s19] =	ssyncset.done $0x0  }
0xe6: {  	s25 =	sadd.s32 $0x2B78, s25;
	[sflag:s19] =	ssyncadd.s32 $0xFFFFE600  }
0xe7: {  	[spmem:s3] =	stream.indirect.scatter.add.f32 [tilespmem:s7], [sflag:$0x8], $0x40, s25, s10, $0xb8;
	[tilespmem:$0x1FD80] =	vst v63  }
0xe8: {  	_ =	swait.ge [sflag:s20], $0x1A00  }
0xe9: {  	[sflag:s20] =	ssyncset.done $0x0  }
0xea: {  	s26 =	simm.s32 $0x27D0;
	[sflag:s20] =	ssyncadd.s32 $0xFFFFE600  }
0xeb: {  	[tilespmem:s14], [sflag:$0x3] =	stream.indirect.gather [spmem:s2], $0x40, s26, s10, $0xb8;
	[tilespmem:$0x1FD80] =	vst v63  }
0xec: {  	_ =	swait.ge [sflag:s13], $0x1A00  }
0xed: {  	s24 =	sshra.s32 s24, $0x2;
	[sflag:s13] =	ssyncset.done $0x0  }
0xee: {  	s26 =	sadd.s32 $0x2A40, s24;
	[sflag:s13] =	ssyncadd.s32 $0xFFFFE600  }
0xef: {  	[spmem:s3] =	stream.indirect.scatter.add.f32 [tilespmem:s11], [sflag:$0x5], $0x40, s26, s10, $0xb8;
	[tilespmem:$0x1FD80] =	vst v63  }
0xf0: {  	_ =	swait.ge [sflag:s21], $0x1A00  }
0xf1: {  	[sflag:s21] =	ssyncset.done $0x0  }
0xf2: {  	s26 =	sadd.s32 $0x2D8, s24;
	[sflag:s21] =	ssyncadd.s32 $0xFFFFE600  }
0xf3: {  	[tilespmem:s7], [sflag:$0x4] =	stream.indirect.gather [spmem:s2], $0x40, s26, s10, $0xb8;
	[tilespmem:$0x1FD80] =	vst v63  }
0xf4: {  	_ =	swait.ge [sflag:s15], $0x1A00  }
0xf5: {  	[sflag:s15] =	ssyncset.done $0x0  }
0xf6: {  	s26 =	sadd.s32 $0x2AA8, s24;
	[sflag:s15] =	ssyncadd.s32 $0xFFFFE600  }
0xf7: {  	[spmem:s3] =	stream.indirect.scatter.add.f32 [tilespmem:s12], [sflag:$0x6], $0x40, s26, s10, $0xb8;
	[tilespmem:$0x1FD80] =	vst v63  }
0xf8: {  	_ =	swait.ge [sflag:s16], $0x1A00  }
0xf9: {  	[sflag:s16] =	ssyncset.done $0x0  }
0xfa: {  	[sflag:s16] =	ssyncadd.s32 $0xFFFFE600  }
0xfb: {  	_ =	swait.ge [sflag:s17], $0x1A00  }
0xfc: {  	[sflag:s17] =	ssyncset.done $0x0  }
0xfd: {  	s26 =	simm.s32 $0x5070;
	[sflag:s17] =	ssyncadd.s32 $0xFFFFE600  }
0xfe: {  	[spmem:s3] =	stream.indirect.scatter.add.f32 [tilespmem:s14], [sflag:$0x7], $0x40, s26, s10, $0xb8;
	[tilespmem:$0x1FD80] =	vst v63  }
0xff: {  	_ =	swait.ge [sflag:s18], $0x1A00  }
0x100: {  	[sflag:s18] =	ssyncset.done $0x0  }
0x101: {  	[sflag:s18] =	ssyncadd.s32 $0xFFFFE600  }
0x102: {  	_ =	swait.ge [sflag:s19], $0x1A00  }
0x103: {  	[sflag:s19] =	ssyncset.done $0x0  }
0x104: {  	s24 =	sadd.s32 $0x2B78, s24;
	[sflag:s19] =	ssyncadd.s32 $0xFFFFE600  }
0x105: {  	[spmem:s3] =	stream.indirect.scatter.add.f32 [tilespmem:s7], [sflag:$0x8], $0x40, s24, s10, $0xb8;
	[tilespmem:$0x1FD80] =	vst v63  }
0x106: {  	_ =	swait.ge [sflag:s20], $0x1A00  }
0x107: {  	[sflag:s20] =	ssyncset.done $0x0  }
0x108: {  	[sflag:s20] =	ssyncadd.s32 $0xFFFFE600  }
0x109: {  	_ =	swait.ge [sflag:s21], $0x1A00  }
0x10a: {  	[sflag:s21] =	ssyncset.done $0x0  }
0x10b: {  	[sflag:s21] =	ssyncadd.s32 $0xFFFFE600  }
0x10c: {  	[bflag:$0x0] =	sbarrier.arrive $0xFFFF  }
0x10d: {  	s25 =	rddreg [dreg:$0xa]  }
0x10e: {  	s26 =	rddreg [dreg:$0x9];
	s24 =	sshrl.u32 s25, $0x3  }
0x10f: {  	[hbm:s26], [sflag:s22] =	dma.local [spmem:s24], $0x1400  }
0x110: {  	_ =	swait.ge [sflag:s6], $0x1400  }
0x111: {  	[sflag:s6] =	ssyncset.done $0x0  }
0x112: {  	s26 =	rddreg [dreg:$0xb];
	[sflag:s6] =	ssyncadd.s32 $0xFFFFEC00  }
0x113: {  	[spmem:s23], [sflag:s22] =	dma.local [hbm:s26], $0x1388  }
0x114: {  	_ =	swait.ge [sflag:s6], $0x1388  }
0x115: {  	[sflag:s6] =	ssyncset.done $0x0  }
0x116: {  	[sflag:s6] =	ssyncadd.s32 $0xFFFFEC78  }
0x117: {  	[spmem:s9] =	stream.linear.scatter [tilespmem:s8], [sflag:$0x9], $0x800, $0x38;
	[tilespmem:$0x1FD80] =	vst v63  }
0x118: {  	_ =	swait.ge [sflag:s6], $0x800  }
0x119: {  	[sflag:s6] =	ssyncset.done $0x0  }
0x11a: {  	s25 =	rddreg [dreg:$0xe];
	[sflag:s6] =	ssyncadd.s32 $0xFFFFF800  }
0x11b: {  	[spmem:s25] =	stream.linear.scatter [tilespmem:s8], [sflag:$0x9], $0x800, $0x38;
	[tilespmem:$0x1FD80] =	vst v63  }
0x11c: {  	_ =	swait.ge [sflag:s6], $0x800  }
0x11d: {  	[sflag:s6] =	ssyncset.done $0x0  }
0x11e: {  	s26 =	rddreg [dreg:$0xf];
	[sflag:s6] =	ssyncadd.s32 $0xFFFFF800  }
0x11f: {  	[spmem:s26] =	stream.linear.scatter [tilespmem:s8], [sflag:$0x9], $0x800, $0x38;
	[tilespmem:$0x1FD80] =	vst v63  }
0x120: {  	_ =	swait.ge [sflag:s6], $0x800  }
0x121: {  	[sflag:s6] =	ssyncset.done $0x0  }
0x122: {  	s25 =	rddreg [dreg:$0x10];
	[sflag:s6] =	ssyncadd.s32 $0xFFFFF800  }
0x123: {  	[spmem:s25] =	stream.linear.scatter [tilespmem:s8], [sflag:$0x9], $0x800, $0x38;
	[tilespmem:$0x1FD80] =	vst v63  }
0x124: {  	_ =	swait.ge [sflag:s6], $0x800  }
0x125: {  	[sflag:s6] =	ssyncset.done $0x0  }
0x126: {  	s26 =	rddreg [dreg:$0x11];
	[sflag:s6] =	ssyncadd.s32 $0xFFFFF800  }
0x127: {  	[spmem:s26] =	stream.linear.scatter [tilespmem:s8], [sflag:$0x9], $0x800, $0x38;
	[tilespmem:$0x1FD80] =	vst v63  }
0x128: {  	_ =	swait.ge [sflag:s6], $0x800  }
0x129: {  	[sflag:s6] =	ssyncset.done $0x0  }
0x12a: {  	s25 =	rddreg [dreg:$0x12];
	[sflag:s6] =	ssyncadd.s32 $0xFFFFF800  }
0x12b: {  	[spmem:s25] =	stream.linear.scatter [tilespmem:s8], [sflag:$0x9], $0x800, $0x38;
	[tilespmem:$0x1FD80] =	vst v63  }
0x12c: {  	_ =	swait.ge [sflag:s6], $0x800  }
0x12d: {  	[sflag:s6] =	ssyncset.done $0x0  }
0x12e: {  	s26 =	rddreg [dreg:$0x13];
	[sflag:s6] =	ssyncadd.s32 $0xFFFFF800  }
0x12f: {  	[spmem:s26] =	stream.linear.scatter [tilespmem:s8], [sflag:$0x9], $0x800, $0x38;
	[tilespmem:$0x1FD80] =	vst v63  }
0x130: {  	_ =	swait.ge [sflag:s6], $0x800  }
0x131: {  	[sflag:s6] =	ssyncset.done $0x0  }
0x132: {  	s25 =	rddreg [dreg:$0x14];
	[sflag:s6] =	ssyncadd.s32 $0xFFFFF800  }
0x133: {  	[spmem:s25] =	stream.linear.scatter [tilespmem:s8], [sflag:$0x9], $0x800, $0x38;
	[tilespmem:$0x1FD80] =	vst v63  }
0x134: {  	_ =	swait.ge [sflag:s6], $0x800  }
0x135: {  	[sflag:s6] =	ssyncset.done $0x0  }
0x136: {  	s26 =	rddreg [dreg:$0x15];
	[sflag:s6] =	ssyncadd.s32 $0xFFFFF800  }
0x137: {  	[spmem:s26] =	stream.linear.scatter [tilespmem:s8], [sflag:$0x9], $0x800, $0x38;
	[tilespmem:$0x1FD80] =	vst v63  }
0x138: {  	_ =	swait.ge [sflag:s6], $0x800  }
0x139: {  	[sflag:s6] =	ssyncset.done $0x0  }
0x13a: {  	s25 =	rddreg [dreg:$0x16];
	[sflag:s6] =	ssyncadd.s32 $0xFFFFF800  }
0x13b: {  	[spmem:s25] =	stream.linear.scatter [tilespmem:s8], [sflag:$0x9], $0x800, $0x38;
	[tilespmem:$0x1FD80] =	vst v63  }
0x13c: {  	_ =	swait.ge [sflag:s6], $0x800  }
0x13d: {  	[sflag:s6] =	ssyncset.done $0x0  }
0x13e: {  	s26 =	rddreg [dreg:$0x17];
	[sflag:s6] =	ssyncadd.s32 $0xFFFFF800  }
0x13f: {  	[spmem:s26] =	stream.linear.scatter [tilespmem:s8], [sflag:$0x9], $0x800, $0x38;
	[tilespmem:$0x1FD80] =	vst v63  }
0x140: {  	_ =	swait.ge [sflag:s6], $0x800  }
0x141: {  	[sflag:s6] =	ssyncset.done $0x0  }
0x142: {  	s25 =	rddreg [dreg:$0x18];
	[sflag:s6] =	ssyncadd.s32 $0xFFFFF800  }
0x143: {  	[spmem:s25] =	stream.linear.scatter [tilespmem:s8], [sflag:$0x9], $0x800, $0x38;
	[tilespmem:$0x1FD80] =	vst v63  }
0x144: {  	_ =	swait.ge [sflag:s6], $0x800  }
0x145: {  	[sflag:s6] =	ssyncset.done $0x0  }
0x146: {  	s26 =	rddreg [dreg:$0x19];
	[sflag:s6] =	ssyncadd.s32 $0xFFFFF800  }
0x147: {  	[spmem:s26] =	stream.linear.scatter [tilespmem:s8], [sflag:$0x9], $0x800, $0x38;
	[tilespmem:$0x1FD80] =	vst v63  }
0x148: {  	_ =	swait.ge [sflag:s6], $0x800  }
0x149: {  	[sflag:s6] =	ssyncset.done $0x0  }
0x14a: {  	s25 =	rddreg [dreg:$0x1a];
	[sflag:s6] =	ssyncadd.s32 $0xFFFFF800  }
0x14b: {  	[spmem:s25] =	stream.linear.scatter [tilespmem:s8], [sflag:$0x9], $0x800, $0x38;
	[tilespmem:$0x1FD80] =	vst v63  }
0x14c: {  	_ =	swait.ge [sflag:s6], $0x800  }
0x14d: {  	[sflag:s6] =	ssyncset.done $0x0  }
0x14e: {  	[sflag:s6] =	ssyncadd.s32 $0xFFFFF800  }
0x14f: {  	[spmem:s29] =	stream.linear.scatter [tilespmem:s8], [sflag:$0x9], $0x800, $0x38;
	[tilespmem:$0x1FD80] =	vst v63  }
0x150: {  	_ =	swait.ge [sflag:s6], $0x800  }
0x151: {  	[sflag:s6] =	ssyncset.done $0x0  }
0x152: {  	[sflag:s6] =	ssyncadd.s32 $0xFFFFF800  }
0x153: {  	[spmem:s30] =	stream.linear.scatter [tilespmem:s8], [sflag:$0x9], $0x800, $0x38;
	[tilespmem:$0x1FD80] =	vst v63  }
0x154: {  	_ =	swait.ge [sflag:s6], $0x800  }
0x155: {  	[sflag:s6] =	ssyncset.done $0x0  }
0x156: {  	[sflag:s6] =	ssyncadd.s32 $0xFFFFF800  }
0x157: {  	[spmem:s31] =	stream.linear.scatter [tilespmem:s8], [sflag:$0x9], $0x800, $0x38;
	[tilespmem:$0x1FD80] =	vst v63  }
0x158: {  	_ =	swait.ge [sflag:s6], $0x800  }
0x159: {  	[sflag:s6] =	ssyncset.done $0x0  }
0x15a: {  	[sflag:s6] =	ssyncadd.s32 $0xFFFFF800  }
0x15b: {  	[spmem:s1] =	stream.linear.scatter [tilespmem:s8], [sflag:$0x9], $0x800, $0x38;
	[tilespmem:$0x1FD80] =	vst v63  }
0x15c: {  	_ =	swait.ge [sflag:s6], $0x800  }
0x15d: {  	[sflag:s6] =	ssyncset.done $0x0  }
0x15e: {  	[sflag:s6] =	ssyncadd.s32 $0xFFFFF800  }
0x15f: {  	[spmem:s0] =	stream.linear.scatter [tilespmem:s8], [sflag:$0x9], $0x800, $0x38;
	[tilespmem:$0x1FD80] =	vst v63  }
0x160: {  	_ =	swait.ge [sflag:s6], $0x800  }
0x161: {  	[sflag:s6] =	ssyncset.done $0x0  }
0x162: {  	[sflag:s6] =	ssyncadd.s32 $0xFFFFF800  }
0x163: {  	[spmem:s5] =	stream.linear.scatter [tilespmem:s8], [sflag:$0x9], $0x800, $0x38;
	[tilespmem:$0x1FD80] =	vst v63  }
0x164: {  	_ =	swait.ge [sflag:s6], $0x800  }
0x165: {  	[sflag:s6] =	ssyncset.done $0x0  }
0x166: {  	[sflag:s6] =	ssyncadd.s32 $0xFFFFF800  }
0x167: {  	s26 =	simm.s32 $0x0;
	[bflag:$0x0] =	sbarrier.arrive $0xFFFF  }
0x168: {  	[tilespmem:s11], [sflag:$0x1] =	stream.indirect.gather [spmem:s2], $0x40, s26, s10, $0xb8;
	[tilespmem:$0x1FD80] =	vst v63  }
0x169: {  	_ = 	snop  }
0x16a: {  	[tilespmem:s12], [sflag:$0x2] =	stream.indirect.gather [spmem:s2], $0x40, s10, s10, $0xb8;
	[tilespmem:$0x1FD80] =	vst v63  }
0x16b: {  	s25 =	simm.s32 $0xD0  }
0x16c: {  	[tilespmem:s14], [sflag:$0x3] =	stream.indirect.gather [spmem:s2], $0x40, s25, s10, $0xb8;
	[tilespmem:$0x1FD80] =	vst v63  }
0x16d: {  	_ =	swait.ge [sflag:s13], $0x1A00  }
0x16e: {  	[sflag:s13] =	ssyncset.done $0x0  }
0x16f: {  	[sflag:s13] =	ssyncadd.s32 $0xFFFFE600  }
0x170: {  	[spmem:s3] =	stream.indirect.scatter.add.f32 [tilespmem:s11], [sflag:$0x5], $0x40, s28, s10, $0xb8;
	[tilespmem:$0x1FD80] =	vst v63  }
0x171: {  	s26 =	simm.s32 $0x138  }
0x172: {  	[tilespmem:s7], [sflag:$0x4] =	stream.indirect.gather [spmem:s2], $0x40, s26, s10, $0xb8;
	[tilespmem:$0x1FD80] =	vst v63  }
0x173: {  	_ =	swait.ge [sflag:s15], $0x1A00  }
0x174: {  	[sflag:s15] =	ssyncset.done $0x0  }
0x175: {  	s25 =	simm.s32 $0x2908;
	[sflag:s15] =	ssyncadd.s32 $0xFFFFE600  }
0x176: {  	[spmem:s3] =	stream.indirect.scatter.add.f32 [tilespmem:s12], [sflag:$0x6], $0x40, s25, s10, $0xb8;
	[tilespmem:$0x1FD80] =	vst v63  }
0x177: {  	_ =	swait.ge [sflag:s16], $0x1A00  }
0x178: {  	[sflag:s16] =	ssyncset.done $0x0  }
0x179: {  	s26 =	simm.s32 $0x1A0;
	[sflag:s16] =	ssyncadd.s32 $0xFFFFE600  }
0x17a: {  	[tilespmem:s11], [sflag:$0x1] =	stream.indirect.gather [spmem:s2], $0x40, s26, s10, $0xb8;
	[tilespmem:$0x1FD80] =	vst v63  }
0x17b: {  	_ =	swait.ge [sflag:s17], $0x1A00  }
0x17c: {  	[sflag:s17] =	ssyncset.done $0x0  }
0x17d: {  	s25 =	simm.s32 $0x2970;
	[sflag:s17] =	ssyncadd.s32 $0xFFFFE600  }
0x17e: {  	[spmem:s3] =	stream.indirect.scatter.add.f32 [tilespmem:s14], [sflag:$0x7], $0x40, s25, s10, $0xb8;
	[tilespmem:$0x1FD80] =	vst v63  }
0x17f: {  	_ =	swait.ge [sflag:s18], $0x1A00  }
0x180: {  	[sflag:s18] =	ssyncset.done $0x0  }
0x181: {  	s26 =	simm.s32 $0x208;
	[sflag:s18] =	ssyncadd.s32 $0xFFFFE600  }
0x182: {  	[tilespmem:s12], [sflag:$0x2] =	stream.indirect.gather [spmem:s2], $0x40, s26, s10, $0xb8;
	[tilespmem:$0x1FD80] =	vst v63  }
0x183: {  	_ =	swait.ge [sflag:s19], $0x1A00  }
0x184: {  	[sflag:s19] =	ssyncset.done $0x0  }
0x185: {  	s25 =	simm.s32 $0x29D8;
	[sflag:s19] =	ssyncadd.s32 $0xFFFFE600  }
0x186: {  	[spmem:s3] =	stream.indirect.scatter.add.f32 [tilespmem:s7], [sflag:$0x8], $0x40, s25, s10, $0xb8;
	[tilespmem:$0x1FD80] =	vst v63  }
0x187: {  	_ =	swait.ge [sflag:s20], $0x1A00  }
0x188: {  	[sflag:s20] =	ssyncset.done $0x0  }
0x189: {  	s26 =	simm.s32 $0x270;
	[sflag:s20] =	ssyncadd.s32 $0xFFFFE600  }
0x18a: {  	[tilespmem:s14], [sflag:$0x3] =	stream.indirect.gather [spmem:s2], $0x40, s26, s10, $0xb8;
	[tilespmem:$0x1FD80] =	vst v63  }
0x18b: {  	_ =	swait.ge [sflag:s13], $0x1A00  }
0x18c: {  	[sflag:s13] =	ssyncset.done $0x0  }
0x18d: {  	s25 =	simm.s32 $0x2A40;
	[sflag:s13] =	ssyncadd.s32 $0xFFFFE600  }
0x18e: {  	[spmem:s3] =	stream.indirect.scatter.add.f32 [tilespmem:s11], [sflag:$0x5], $0x40, s25, s10, $0xb8;
	[tilespmem:$0x1FD80] =	vst v63  }
0x18f: {  	_ =	swait.ge [sflag:s21], $0x1A00  }
0x190: {  	[sflag:s21] =	ssyncset.done $0x0  }
0x191: {  	s26 =	simm.s32 $0x2D8;
	[sflag:s21] =	ssyncadd.s32 $0xFFFFE600  }
0x192: {  	[tilespmem:s7], [sflag:$0x4] =	stream.indirect.gather [spmem:s2], $0x40, s26, s10, $0xb8;
	[tilespmem:$0x1FD80] =	vst v63  }
0x193: {  	_ =	swait.ge [sflag:s15], $0x1A00  }
0x194: {  	[sflag:s15] =	ssyncset.done $0x0  }
0x195: {  	s25 =	simm.s32 $0x2AA8;
	[sflag:s15] =	ssyncadd.s32 $0xFFFFE600  }
0x196: {  	[spmem:s3] =	stream.indirect.scatter.add.f32 [tilespmem:s12], [sflag:$0x6], $0x40, s25, s10, $0xb8;
	[tilespmem:$0x1FD80] =	vst v63  }
0x197: {  	_ =	swait.ge [sflag:s16], $0x1A00  }
0x198: {  	[sflag:s16] =	ssyncset.done $0x0  }
0x199: {  	s26 =	simm.s32 $0x340;
	[sflag:s16] =	ssyncadd.s32 $0xFFFFE600  }
0x19a: {  	[tilespmem:s11], [sflag:$0x1] =	stream.indirect.gather [spmem:s2], $0x40, s26, s10, $0xb8;
	[tilespmem:$0x1FD80] =	vst v63  }
0x19b: {  	_ =	swait.ge [sflag:s17], $0x1A00  }
0x19c: {  	[sflag:s17] =	ssyncset.done $0x0  }
0x19d: {  	s25 =	simm.s32 $0x2B10;
	[sflag:s17] =	ssyncadd.s32 $0xFFFFE600  }
0x19e: {  	[spmem:s3] =	stream.indirect.scatter.add.f32 [tilespmem:s14], [sflag:$0x7], $0x40, s25, s10, $0xb8;
	[tilespmem:$0x1FD80] =	vst v63  }
0x19f: {  	_ =	swait.ge [sflag:s18], $0x1A00  }
0x1a0: {  	[sflag:s18] =	ssyncset.done $0x0  }
0x1a1: {  	s26 =	simm.s32 $0x3A8;
	[sflag:s18] =	ssyncadd.s32 $0xFFFFE600  }
0x1a2: {  	[tilespmem:s12], [sflag:$0x2] =	stream.indirect.gather [spmem:s2], $0x40, s26, s10, $0xb8;
	[tilespmem:$0x1FD80] =	vst v63  }
0x1a3: {  	_ =	swait.ge [sflag:s19], $0x1A00  }
0x1a4: {  	[sflag:s19] =	ssyncset.done $0x0  }
0x1a5: {  	s23 =	simm.s32 $0x680;
	s25 =	simm.s32 $0x2B78;
	[sflag:s19] =	ssyncadd.s32 $0xFFFFE600  }
.LBB2_6:
0x1a6: {  	[spmem:s3] =	stream.indirect.scatter.add.f32 [tilespmem:s7], [sflag:$0x8], $0x40, s25, s10, $0xb8;
	[tilespmem:$0x1FD80] =	vst v63  }
0x1a7: {  	s25 =	smov.u32 s23;
	s23 =	sadd.s32 $0x680, s23;
	_ =	swait.ge [sflag:s20], $0x1A00  }
0x1a8: {  	s25 =	sshra.s32 s25, $0x2;
	p0 =	sne.s32 s23, $0x9580;
	[sflag:s20] =	ssyncset.done $0x0  }
0x1a9: {  	s26 =	sadd.s32 $0x270, s25;
	[sflag:s20] =	ssyncadd.s32 $0xFFFFE600  }
0x1aa: {  	[tilespmem:s14], [sflag:$0x3] =	stream.indirect.gather [spmem:s2], $0x40, s26, s10, $0xb8;
	[tilespmem:$0x1FD80] =	vst v63  }
0x1ab: {  	_ =	swait.ge [sflag:s13], $0x1A00  }
0x1ac: {  	[sflag:s13] =	ssyncset.done $0x0  }
0x1ad: {  	s26 =	sadd.s32 $0x2A40, s25;
	[sflag:s13] =	ssyncadd.s32 $0xFFFFE600  }
0x1ae: {  	[spmem:s3] =	stream.indirect.scatter.add.f32 [tilespmem:s11], [sflag:$0x5], $0x40, s26, s10, $0xb8;
	[tilespmem:$0x1FD80] =	vst v63  }
0x1af: {  	_ =	swait.ge [sflag:s21], $0x1A00  }
0x1b0: {  	[sflag:s21] =	ssyncset.done $0x0  }
0x1b1: {  	s26 =	sadd.s32 $0x2D8, s25;
	[sflag:s21] =	ssyncadd.s32 $0xFFFFE600  }
0x1b2: {  	[tilespmem:s7], [sflag:$0x4] =	stream.indirect.gather [spmem:s2], $0x40, s26, s10, $0xb8;
	[tilespmem:$0x1FD80] =	vst v63  }
0x1b3: {  	_ =	swait.ge [sflag:s15], $0x1A00  }
0x1b4: {  	[sflag:s15] =	ssyncset.done $0x0  }
0x1b5: {  	s26 =	sadd.s32 $0x2AA8, s25;
	[sflag:s15] =	ssyncadd.s32 $0xFFFFE600  }
0x1b6: {  	[spmem:s3] =	stream.indirect.scatter.add.f32 [tilespmem:s12], [sflag:$0x6], $0x40, s26, s10, $0xb8;
	[tilespmem:$0x1FD80] =	vst v63  }
0x1b7: {  	_ =	swait.ge [sflag:s16], $0x1A00  }
0x1b8: {  	[sflag:s16] =	ssyncset.done $0x0  }
0x1b9: {  	s26 =	sadd.s32 $0x340, s25;
	[sflag:s16] =	ssyncadd.s32 $0xFFFFE600  }
0x1ba: {  	[tilespmem:s11], [sflag:$0x1] =	stream.indirect.gather [spmem:s2], $0x40, s26, s10, $0xb8;
	[tilespmem:$0x1FD80] =	vst v63  }
0x1bb: {  	_ =	swait.ge [sflag:s17], $0x1A00  }
0x1bc: {  	[sflag:s17] =	ssyncset.done $0x0  }
0x1bd: {  	s26 =	sadd.s32 $0x2B10, s25;
	[sflag:s17] =	ssyncadd.s32 $0xFFFFE600  }
0x1be: {  	[spmem:s3] =	stream.indirect.scatter.add.f32 [tilespmem:s14], [sflag:$0x7], $0x40, s26, s10, $0xb8;
	[tilespmem:$0x1FD80] =	vst v63  }
0x1bf: {  	_ =	swait.ge [sflag:s18], $0x1A00  }
0x1c0: {  	[sflag:s18] =	ssyncset.done $0x0  }
.Ltmp2:
0x1c1: {  	s26 =	sadd.s32 $0x3A8, s25;
	[sflag:s18] =	ssyncadd.s32 $0xFFFFE600;
	(pc) =	sbr.rel @p0 .LBB2_6-.Ltmp2, $4  }
0x1c2: {  	[tilespmem:s12], [sflag:$0x2] =	stream.indirect.gather [spmem:s2], $0x40, s26, s10, $0xb8;
	[tilespmem:$0x1FD80] =	vst v63  }
0x1c3: {  	_ =	swait.ge [sflag:s19], $0x1A00  }
0x1c4: {  	[sflag:s19] =	ssyncset.done $0x0  }
0x1c5: {  	s25 =	sadd.s32 $0x2B78, s25;
	[sflag:s19] =	ssyncadd.s32 $0xFFFFE600  }
0x1c6: {  	[spmem:s3] =	stream.indirect.scatter.add.f32 [tilespmem:s7], [sflag:$0x8], $0x40, s25, s10, $0xb8;
	[tilespmem:$0x1FD80] =	vst v63  }
0x1c7: {  	_ =	swait.ge [sflag:s20], $0x1A00  }
0x1c8: {  	[sflag:s20] =	ssyncset.done $0x0  }
0x1c9: {  	s26 =	simm.s32 $0x27D0;
	[sflag:s20] =	ssyncadd.s32 $0xFFFFE600  }
0x1ca: {  	[tilespmem:s14], [sflag:$0x3] =	stream.indirect.gather [spmem:s2], $0x40, s26, s10, $0xb8;
	[tilespmem:$0x1FD80] =	vst v63  }
0x1cb: {  	_ =	swait.ge [sflag:s13], $0x1A00  }
0x1cc: {  	s23 =	sshra.s32 s23, $0x2;
	[sflag:s13] =	ssyncset.done $0x0  }
0x1cd: {  	s26 =	sadd.s32 $0x2A40, s23;
	[sflag:s13] =	ssyncadd.s32 $0xFFFFE600  }
0x1ce: {  	[spmem:s3] =	stream.indirect.scatter.add.f32 [tilespmem:s11], [sflag:$0x5], $0x40, s26, s10, $0xb8;
	[tilespmem:$0x1FD80] =	vst v63  }
0x1cf: {  	_ =	swait.ge [sflag:s21], $0x1A00  }
0x1d0: {  	[sflag:s21] =	ssyncset.done $0x0  }
0x1d1: {  	s26 =	sadd.s32 $0x2D8, s23;
	[sflag:s21] =	ssyncadd.s32 $0xFFFFE600  }
0x1d2: {  	[tilespmem:s7], [sflag:$0x4] =	stream.indirect.gather [spmem:s2], $0x40, s26, s10, $0xb8;
	[tilespmem:$0x1FD80] =	vst v63  }
0x1d3: {  	_ =	swait.ge [sflag:s15], $0x1A00  }
0x1d4: {  	[sflag:s15] =	ssyncset.done $0x0  }
0x1d5: {  	s26 =	sadd.s32 $0x2AA8, s23;
	[sflag:s15] =	ssyncadd.s32 $0xFFFFE600  }
0x1d6: {  	[spmem:s3] =	stream.indirect.scatter.add.f32 [tilespmem:s12], [sflag:$0x6], $0x40, s26, s10, $0xb8;
	[tilespmem:$0x1FD80] =	vst v63  }
0x1d7: {  	_ =	swait.ge [sflag:s16], $0x1A00  }
0x1d8: {  	[sflag:s16] =	ssyncset.done $0x0  }
0x1d9: {  	[sflag:s16] =	ssyncadd.s32 $0xFFFFE600  }
0x1da: {  	_ =	swait.ge [sflag:s17], $0x1A00  }
0x1db: {  	[sflag:s17] =	ssyncset.done $0x0  }
0x1dc: {  	s26 =	simm.s32 $0x5070;
	[sflag:s17] =	ssyncadd.s32 $0xFFFFE600  }
0x1dd: {  	[spmem:s3] =	stream.indirect.scatter.add.f32 [tilespmem:s14], [sflag:$0x7], $0x40, s26, s10, $0xb8;
	[tilespmem:$0x1FD80] =	vst v63  }
0x1de: {  	_ =	swait.ge [sflag:s18], $0x1A00  }
0x1df: {  	[sflag:s18] =	ssyncset.done $0x0  }
0x1e0: {  	[sflag:s18] =	ssyncadd.s32 $0xFFFFE600  }
0x1e1: {  	_ =	swait.ge [sflag:s19], $0x1A00  }
0x1e2: {  	[sflag:s19] =	ssyncset.done $0x0  }
0x1e3: {  	s23 =	sadd.s32 $0x2B78, s23;
	[sflag:s19] =	ssyncadd.s32 $0xFFFFE600  }
0x1e4: {  	[spmem:s3] =	stream.indirect.scatter.add.f32 [tilespmem:s7], [sflag:$0x8], $0x40, s23, s10, $0xb8;
	[tilespmem:$0x1FD80] =	vst v63  }
0x1e5: {  	_ =	swait.ge [sflag:s20], $0x1A00  }
0x1e6: {  	[sflag:s20] =	ssyncset.done $0x0  }
0x1e7: {  	[sflag:s20] =	ssyncadd.s32 $0xFFFFE600  }
0x1e8: {  	_ =	swait.ge [sflag:s21], $0x1A00  }
0x1e9: {  	[sflag:s21] =	ssyncset.done $0x0  }
0x1ea: {  	[sflag:s21] =	ssyncadd.s32 $0xFFFFE600  }
0x1eb: {  	[bflag:$0x0] =	sbarrier.arrive $0xFFFF  }
0x1ec: {  	s25 =	rddreg [dreg:$0xc]  }
0x1ed: {  	[hbm:s25], [sflag:s22] =	dma.local [spmem:s24], $0x1400  }
0x1ee: {  	_ =	swait.ge [sflag:s6], $0x1400  }
0x1ef: {  	s4 =	sadd.s32 $0x1, s4;
	s26 =	rddreg [dreg:$0xd]  }
0x1f0: {  	p0 =	sne.s32 s4, s26  }
.Ltmp3:
0x1f1: {  	_ = 	snop;
	(pc) =	sbr.rel @p0 .LBB2_1-.Ltmp3, $3  }
0x1f2: {  	_ =	sdelay $0x1  }
0x1f3: {  	[sflag:s6] =	ssyncset.done $0x0  }
0x1f4: {  	[sflag:s6] =	ssyncadd.s32 $0xFFFFEC00  }
0x1f5: {  	_ =	sfence.sel $0x180000  }
0x1f6: {  	[bflag:$0x0] =	sbarrier.arrive $0xFFFF  }
0x1f7: {  	_ =	strace $0x9000004D  }
0x1f8: {  	s0 =	stileid.u32;
	[bflag:$0x2] =	sbarrier.arrive $0xFFFF  }
0x1f9: {  	p0 =	sne.s32 s0, $0x0;
	s0 =	rddreg [dreg:$0x4]  }
0x1fa: {  	s0 =	sadd.s32 @!p0 $0x100000, s0  }
0x1fb: {  	[sflag:s0] =	ssyncadd.tile.s32 @!p0 $0x1;
	_ =	shalt  }
.Lfunc_end2:
_tile_overlayer_lowered:
.L_overlay_start_2:
0x1fc: {  	(tag) =	ssettag $0x2  }
0x1fd: {  	s0 =	rddreg [dreg:$0x0];
	s2 =	stileid.u32  }
0x1fe: {  	s1 =	rddreg [dreg:$0x1];
	p0 =	sne.s32 s2, $0x0  }
0x1ff: {  	s3 =	rddreg [dreg:$0x2];
	[bflag:$0x3] =	sbarrier.arrive $0xFFFF;
	s2 =	simm.s32 @!p0 $0x1C09  }
0x200: {  	[timem:s3], [sflag:s2] =	dma.local @!p0 [hbm:s0], s1  }
0x201: {  	s0 =	simm.s32 @!p0 $0x9  }
0x202: {  	_ =	swait.ge @!p0 [sflag:s0], s1  }
0x203: {  	s1 =	ssub.s32 @!p0 $0x0, s1;
	[sflag:s0] =	ssyncset.done @!p0 $0x0  }
0x204: {  	[sflag:s0] =	ssyncadd.s32 @!p0 s1  }
0x205: {  	[bflag:$0x3] =	sbarrier.arrive $0xFFFF  }
0x206: {  	_ =	shalt  }

// kernel: kernel.8.cloned.1.call-start
scs
__scs_entry_jumppad:
0x0: {  	(pc) =	sbr.rel $0x88, $3  }
0x1: {  	(tag) =	ssettag $0x0;
	lr =	simm.s32 $0x1  }
0x2: {  	[smem:$0x3F9B] =	sst lr;
	_ =	strace $0xD0000000  }
0x3: {  	_ = 	snop  }
0x4: {  	_ = 	snop  }
0x5: {  	_ = 	snop  }
0x6: {  	_ = 	snop  }
0x7: {  	_ = 	snop  }
__scs_overlays_trampoline_lowered:
0x8: {  	[smem:$0x3FAA] =	sst s0  }
0x9: {  	[smem:$0x3FAB] =	sst s1  }
0xa: {  	[smem:$0x3FAC] =	sst s2  }
0xb: {  	[smem:$0x3FAD] =	sst s3  }
0xc: {  	[smem:$0x3FAE] =	sst s4  }
0xd: {  	[smem:$0x3FAF] =	sst s5  }
0xe: {  	[smem:$0x3FB0] =	sst s6  }
0xf: {  	[smem:$0x3FB1] =	sst s7  }
0x10: {  	[smem:$0x3FB2] =	sst s8  }
0x11: {  	[smem:$0x3FB3] =	sst s9;
	s0 =	simm.s32 @!p0 $0x0  }
0x12: {  	s1 =	sld [smem:$0x3F99];
	s0 =	simm.s32 @p0 $0x1  }
0x13: {  	[smem:$0x3FB4] =	sst s0;
	s0 =	simm.s32 @!p1 $0x0  }
0x14: {  	s2 =	sld [smem:$0x3F98];
	s0 =	simm.s32 @p1 $0x1  }
0x15: {  	[smem:$0x3FB5] =	sst s0;
	s0 =	simm.s32 @!p2 $0x0  }
0x16: {  	s3 =	sld [smem:$0x3FDB];
	s0 =	simm.s32 @p2 $0x1  }
0x17: {  	s4 =	simm.s32 $0x1BF5;
	[smem:$0x3FB7] =	sst s0  }
0x18: {  	s0 =	sld [smem:$0x3F9A];
	_ =	swait.ge [sflag:s4], $0x0  }
0x19: {  	s7 =	sld [smem:$0x3F9B]  }
0x1a: {  	s8 =	sadd.s32 $0xFFFFE003, lr  }
0x1b: {  	s9 =	sadd.s32 $0xFFFFFEF7, lr;
	s5 =	simm.s32 $0xFFFFFFFF;
	p2 =	slt.u32 s8, $0xFFFFF086  }
0x1c: {  	p1 =	slt.u32 s9, $0xF7A;
	s5 =	simm.s32 @!p2 $0x0  }
0x1d: {  	s5 =	simm.s32 @p1 $0x1;
	p0 =	seq.s32 s7, s2  }
0x1e: {  	s7 =	smul.u32 @!p0 $0xF7A, s2;
	p2 =	seq.s32 @!p0 s5, $0x0  }
0x1f: {  	s9 =	smul.u32 $0xF7A, s1;
	s8 =	simm.s32 @!p0 $0x1BF5;
	p2 =	por !p2, p0  }
0x20: {  	[sflag:s8] =	ssyncset.s32 @!p0 $0xFFFFF086;
	s6 =	sadd.s32 @!p0 s3, s7;
	s7 =	simm.s32 @!p0 $0x108  }
0x21: {  	s3 =	sadd.s32 s3, s9;
	s6 =	sadd.s32 @!p0 $0x88, s6;
	s7 =	simm.s32 @p2 $0x1082  }
0x22: {  	[simem:s7], [sflag:s8] =	dma.local @!p0 [hbm:s6], $0xF7A  }
0x23: {  	s9 =	sor.u32 $0xD0000000, s2;
	s6 =	simm.s32 $0x108;
	_ =	swait.ge @!p0 [sflag:s8], $0x0  }
0x24: {  	s3 =	sadd.s32 $0x88, s3;
	s6 =	simm.s32 @!p1 $0x1082;
	[sflag:s4] =	ssyncset.s32 $0xFFFFF086  }
0x25: {  	[simem:s6], [sflag:s4] =	dma.local [hbm:s3], $0xF7A  }
0x26: {  	[smem:$0x3F9B] =	sst s1;
	(tag) =	ssettag s2;
	_ =	strace s9  }
0x27: {  	s1 =	sld [smem:$0x3FAB]  }
0x28: {  	s2 =	sld [smem:$0x3FAC]  }
0x29: {  	s4 =	sld [smem:$0x3FAE]  }
0x2a: {  	p0 =	seq.s32 s5, $0x0;
	s5 =	sld [smem:$0x3FAF]  }
0x2b: {  	s6 =	sld [smem:$0x3FB0]  }
0x2c: {  	s7 =	sld [smem:$0x3FB1]  }
0x2d: {  	s3 =	simm.s32 $0x108;
	s8 =	sld [smem:$0x3FB2]  }
0x2e: {  	s3 =	simm.s32 @!p0 $0x1082;
	s9 =	sld [smem:$0x3FB3]  }
0x2f: {  	lr =	sadd.s32 s0, s3;
	s0 =	sld [smem:$0x3FAA]  }
0x30: {  	s3 =	sld [smem:$0x3FAD]  }
0x31: {  	[smem:$0x3FB6] =	sst s10  }
0x32: {  	s10 =	sld [smem:$0x3FB4];
	_ =	sdelay $0x3  }
0x33: {  	p0 =	seq.s32 s10, $0x1;
	s10 =	sld [smem:$0x3FB6];
	_ =	sdelay $0x3  }
0x34: {  	[smem:$0x3FB6] =	sst s10  }
0x35: {  	s10 =	sld [smem:$0x3FB5];
	_ =	sdelay $0x3  }
0x36: {  	p1 =	seq.s32 s10, $0x1;
	s10 =	sld [smem:$0x3FB6];
	_ =	sdelay $0x3  }
0x37: {  	[smem:$0x3FB6] =	sst s10  }
0x38: {  	s10 =	sld [smem:$0x3FB7]  }
0x39: {  	_ = 	snop;
	(pc) =	sbr.ind lr, $3  }
0x3a: {  	_ = 	snop  }
0x3b: {  	_ = 	snop  }
0x3c: {  	p2 =	seq.s32 s10, $0x1;
	s10 =	sld [smem:$0x3FB6]  }
0x3d: {  	_ =	shalt  }
0x3e: {  	_ =	shalt  }
0x3f: {  	_ =	shalt  }
0x40: {  	_ =	shalt  }
0x41: {  	_ =	shalt  }
0x42: {  	_ =	shalt  }
0x43: {  	_ =	shalt  }
0x44: {  	_ =	shalt  }
0x45: {  	_ =	shalt  }
0x46: {  	_ =	shalt  }
0x47: {  	_ =	shalt  }
0x48: {  	_ =	shalt  }
0x49: {  	_ =	shalt  }
0x4a: {  	_ =	shalt  }
0x4b: {  	_ =	shalt  }
0x4c: {  	_ =	shalt  }
0x4d: {  	_ =	shalt  }
0x4e: {  	_ =	shalt  }
0x4f: {  	_ =	shalt  }
0x50: {  	_ =	shalt  }
0x51: {  	_ =	shalt  }
0x52: {  	_ =	shalt  }
0x53: {  	_ =	shalt  }
0x54: {  	_ =	shalt  }
0x55: {  	_ =	shalt  }
0x56: {  	_ =	shalt  }
0x57: {  	_ =	shalt  }
0x58: {  	_ =	shalt  }
0x59: {  	_ =	shalt  }
0x5a: {  	_ =	shalt  }
0x5b: {  	_ =	shalt  }
0x5c: {  	_ =	shalt  }
0x5d: {  	_ =	shalt  }
0x5e: {  	_ =	shalt  }
0x5f: {  	_ =	shalt  }
0x60: {  	_ =	shalt  }
0x61: {  	_ =	shalt  }
0x62: {  	_ =	shalt  }
0x63: {  	_ =	shalt  }
0x64: {  	_ =	shalt  }
0x65: {  	_ =	shalt  }
0x66: {  	_ =	shalt  }
0x67: {  	_ =	shalt  }
0x68: {  	_ =	shalt  }
0x69: {  	_ =	shalt  }
0x6a: {  	_ =	shalt  }
0x6b: {  	_ =	shalt  }
0x6c: {  	_ =	shalt  }
0x6d: {  	_ =	shalt  }
0x6e: {  	_ =	shalt  }
0x6f: {  	_ =	shalt  }
0x70: {  	_ =	shalt  }
0x71: {  	_ =	shalt  }
0x72: {  	_ =	shalt  }
0x73: {  	_ =	shalt  }
0x74: {  	_ =	shalt  }
0x75: {  	_ =	shalt  }
0x76: {  	_ =	shalt  }
0x77: {  	_ =	shalt  }
0x78: {  	_ =	shalt  }
0x79: {  	_ =	shalt  }
0x7a: {  	_ =	shalt  }
0x7b: {  	_ =	shalt  }
0x7c: {  	_ =	shalt  }
0x7d: {  	_ =	shalt  }
0x7e: {  	_ =	shalt  }
0x7f: {  	_ =	shalt  }
0x80: {  	_ =	shalt  }
0x81: {  	_ =	shalt  }
0x82: {  	_ =	shalt  }
0x83: {  	_ =	shalt  }
0x84: {  	_ =	shalt  }
0x85: {  	_ =	shalt  }
0x86: {  	_ =	shalt  }
0x87: {  	_ =	shalt  }
.Lfunc_end0:
.L_simem_size_0:
called_computation_lowered:
.L_overlay_start_0:
0x88: {  	s2 =	sld [smem:$0x3FD9]  }
0x89: {  	s3 =	sld [smem:$0x3FFE];
	_ =	sdelay $0x1  }
0x8a: {  	s1 =	srdreg.scid  }
0x8b: {  	s0 =	sand.u32 $0x1, s1  }
0x8c: {  	s17 =	sshll.u32 s0, $0xA;
	s2 =	sadd.s32 s3, s2  }
0x8d: {  	s2 =	sadd.s32 s2, s17  }
0x8e: {  	[smem:$0x3FC2] =	sst s2  }
0x8f: {  	_ = 	snop  }
0x90: {  	s2 =	sld [smem:$0x3FD0];
	(tm) =	ssettm $0x1  }
0x91: {  	s18 =	sld [smem:$0x3FFB];
	_ =	sdelay $0x3  }
0x92: {  	_ =	strace s18  }
0x93: {  	s3 =	sld [smem:$0x3FFC];
	_ =	sdelay $0x3  }
0x94: {  	_ =	strace s3  }
0x95: {  	s3 =	sld [smem:$0x3FFD];
	_ =	sdelay $0x3  }
0x96: {  	_ =	strace s3  }
0x97: {  	_ =	strace $0x8FFFFFFF  }
0x98: {  	s19 =	sld [smem:$0x3FDB];
	_ =	sdelay $0x1  }
0x99: {  	s4 =	simm.s32 $_scs_section_size  }
0x9a: {  	s5 =	simm.s32 $_size__tile_overlayer_lowered;
	s6 =	simm.s32 $_tile_overlayer_lowered  }
0x9b: {  	s22 =	simm.s32 $0x1BFF;
	s21 =	sshll.u32 s6, $0x1;
	s3 =	sadd.s32 s4, s19  }
0x9c: {  	s7 =	simm.s32 $0x0;
	s20 =	sshll.u32 s5, $0x1;
	s5 =	sadd.s32 s21, s3  }
0x9d: {  	[timem:s7], [sflag:s22] =	dma.local [hbm:s5], s20  }
0x9e: {  	_ =	swait.ge [sflag:s22], s20  }
0x9f: {  	s4 =	ssub.s32 $0x0, s20;
	[sflag:s22] =	ssyncset.done $0x0  }
0xa0: {  	[sflag:s22] =	ssyncadd.s32 s4;
	_ =	sdelay $0x1  }
0xa1: {  	s23 =	simm.s32 $0x1B8B  }
0xa2: {  	_ =	swait.ge [sflag:s23], $0x1  }
0xa3: {  	[sflag:s23] =	ssyncset.done $0x0  }
0xa4: {  	s25 =	simm.s32 $0x1B8E;
	s24 =	sld [smem:$0x3FFE];
	[sflag:s23] =	ssyncadd.s32 $0xFFFFFFFF  }
0xa5: {  	s26 =	simm.s32 $execute0_lowered;
	[smem:$0x3FD2] =	sst s25  }
0xa6: {  	s5 =	sshll.u32 s26, $0x1;
	_ =	strace $0x80000046;
	[dreg:$0x1] =	wrdreg $0xFFFFFFFF  }
0xa7: {  	s28 =	simm.s32 $_size_execute0_lowered;
	s3 =	sadd.s32 s3, s5;
	[dreg:$0x0] =	wrdreg $0x0  }
0xa8: {  	s5 =	sshll.u32 s28, $0x1;
	[dreg:$0x2] =	wrdreg s3  }
0xa9: {  	[dreg:$0x3] =	wrdreg s5  }
0xaa: {  	[dreg:$0x4] =	wrdreg $0xC0  }
0xab: {  	_ =	task [dreg:s7], $0x5FFFF  }
0xac: {  	[dreg:$0x1] =	wrdreg $0xFFFFFFFF  }
0xad: {  	[dreg:$0x0] =	wrdreg $0x60  }
0xae: {  	[dreg:$0x2] =	wrdreg s24  }
0xaf: {  	[dreg:$0x3] =	wrdreg s2  }
0xb0: {  	[dreg:$0x4] =	wrdreg $0x31200  }
0xb1: {  	[dreg:$0x5] =	wrdreg $0x9  }
0xb2: {  	_ =	task.clear_ibuf [dreg:s7], $0x6FFFF;
	_ =	strace $0x90000046  }
0xb3: {  	s29 =	simm.s32 $0x9;
	_ =	strace $0x80000048  }
0xb4: {  	_ =	swait.ge [sflag:s29], $0x1  }
0xb5: {  	[sflag:s29] =	ssyncadd.s32 $0xFFFFFFFF  }
0xb6: {  	_ =	strace $0x90000048  }
0xb7: {  	_ =	sfence  }
0xb8: {  	s30 =	sld [smem:$0x0];
	_ =	sdelay $0x2  }
0xb9: {  	s31 =	sshll.u32 s1, $0xD;
	s1 =	sshrl.u32 s1, $0x2  }
0xba: {  	s3 =	sand.u32 $0x4000, s31;
	s1 =	sadd.s32 s1, s30  }
0xbb: {  	s0 =	sor.u32 s3, s0;
	s1 =	sshll.u32 s1, $0x11  }
0xbc: {  	s0 =	sor.u32 s1, s0  }
0xbd: {  	s0 =	sadd.s32 $0x8F2B, s0  }
0xbe: {  	[sflag:s0] =	ssyncadd.remote.s32 $0x1  }
0xbf: {  	_ =	sfence.sel $0xFFFF  }
0xc0: {  	[dreg:$0x0] =	wrdreg $0xFFFFFFFF;
	(pc) =	sbr.abs _section_cstart, $3  }
0xc1: {  	[dreg:$0x1] =	wrdreg $0xFFFFFFFF  }
0xc2: {  	_ =	task.clear_ibuf [dreg:s7], $0x2FFFF;
	_ =	strace $0x9FFFFFFF  }
0xc3: {  	(tm) =	ssettm $0x7FFFFFFF  }
tec
execute0_lowered:
.L_overlay_start_1:
0x0: {  	(tag) =	ssettag $0x1  }
0x1: {  	s0 =	rddreg [dreg:$0x0]  }
0x2: {  	s1 =	srdreg.scid;
	s8 =	stileid.u32  }
0x3: {  	s5 =	rddreg [dreg:$0x1];
	s6 =	smul.u32 $0x28A0, s8  }
0x4: {  	s2 =	rddreg [dreg:$0x2];
	s3 =	simm.s32 $0x0;
	s7 =	smul.u32 $0xA000, s8  }
0x5: {  	s29 =	simm.s32 $0x2F20;
	s1 =	sand.u32 $0x1, s1;
	s8 =	smul.u32 $0x2800, s8  }
0x6: {  	s30 =	simm.s32 $0x1;
	s31 =	simm.s32 $0x68;
	s4 =	smul.u32 $0x28A00, s1  }
0x7: {  	[smem:$0x7FF] =	sst s3;
	s22 =	smul.u32 $0x28000, s1;
	s1 =	ssub.s32 $0x2, s1  }
0x8: {  	_ =	strace $0x80000047;
	s23 =	sshrl.u32 s1, $0x1;
	s24 =	sshrl.u32 s7, $0x2  }
0x9: {  	s26 =	sadd.s32 s8, s2;
	s4 =	sadd.s32 s6, s4;
	s6 =	sadd.s32 s8, s22  }
0xa: {  	s1 =	ssub.s32 s1, s23;
	s4 =	sshrl.u32 s4, $0x3;
	s25 =	sshrl.u32 s6, $0x3  }
0xb: {  	s7 =	smax.u32 s1, $0x1;
	s1 =	simm.s32 $0x28A0;
	s0 =	sadd.s32 s4, s0  }
0xc: {  	s4 =	sadd.s32 s24, s2;
	s6 =	sadd.s32 s5, s25;
	s25 =	sshrl.u32 s26, $0x3  }
0xd: {  	s0 =	sadd.s32 $0x1C00, s0;
	s8 =	sadd.s32 $0x200, s4;
	s9 =	sadd.s32 $0x400, s4  }
0xe: {  	s10 =	sadd.s32 $0x600, s4;
	s11 =	sadd.s32 $0x800, s4;
	s12 =	sadd.s32 $0xA00, s4  }
0xf: {  	s13 =	sadd.s32 $0xC00, s4;
	s14 =	sadd.s32 $0xE00, s4;
	s15 =	sadd.s32 $0x1000, s4  }
0x10: {  	s16 =	sadd.s32 $0x1200, s4;
	s17 =	sadd.s32 $0x1400, s4;
	s18 =	sadd.s32 $0x1600, s4  }
0x11: {  	s19 =	sadd.s32 $0x1800, s4;
	s20 =	sadd.s32 $0x1A00, s4;
	s21 =	sadd.s32 $0x1C00, s4  }
0x12: {  	v0 =	vimm.f32 $0.0e+00;
	vm0 =	vcmask $0x300;
	s22 =	sadd.s32 $0x1E00, s4;
	s23 =	sadd.s32 $0x2000, s4;
	s24 =	sadd.s32 $0x2200, s4  }
0x13: {  	v1 =	vsel vm0, $0x3F800000, v0;
	s26 =	sadd.s32 $0x2400, s4;
	s28 =	sadd.s32 $0x2600, s4;
	[dreg:$0x4] =	wrdreg s0  }
.LBB2_1:
0x14: {  	s0 =	simm.s32 $0x40;
	s5 =	simm.s32 $0x0  }
.LBB2_2:
0x15: {  	p0 =	sne.s32 s0, $0x19C0;
	[tilespmem:s5+$0x28A0] =	vst v1;
	s5 =	smov.u32 s0;
	s0 =	sadd.s32 $0x40, s0  }
.Ltmp0:
0x16: {  	(pc) =	sbr.rel @p0 .LBB2_2-.Ltmp0, $2  }
0x17: {  	_ =	sdelay $0x2  }
0x18: {  	s5 =	sshra.s32 s5, $0x2  }
0x19: {  	[tilespmem:s5+$0x28A0] =	vst v1  }
0x1a: {  	[tilespmem:$0x2F20] =	vst v0  }
0x1b: {  	[tilespmem:$0x2F30] =	vst v0  }
0x1c: {  	[tilespmem:$0x2F40] =	vst v0  }
0x1d: {  	[tilespmem:$0x2F50] =	vst v0  }
0x1e: {  	[tilespmem:$0x2F60] =	vst v0  }
0x1f: {  	[tilespmem:$0x2F70] =	vst v0  }
0x20: {  	[tilespmem:$0x2F80] =	vst v0  }
0x21: {  	[tilespmem:$0x2F90] =	vst v0  }
0x22: {  	[tilespmem:$0x2FA0] =	vst v0  }
0x23: {  	[tilespmem:$0x2FB0] =	vst v0  }
0x24: {  	[tilespmem:$0x2FC0] =	vst v0  }
0x25: {  	[tilespmem:$0x2FD0] =	vst v0  }
0x26: {  	[tilespmem:$0x2FE0] =	vst v0  }
0x27: {  	[tilespmem:$0x2FF0] =	vst v0  }
0x28: {  	[tilespmem:$0x3000] =	vst v0  }
0x29: {  	[tilespmem:$0x3010] =	vst v0  }
0x2a: {  	[tilespmem:$0x3020] =	vst v0  }
0x2b: {  	[tilespmem:$0x3030] =	vst v0  }
0x2c: {  	[tilespmem:$0x3040] =	vst v0  }
0x2d: {  	[tilespmem:$0x3050] =	vst v0  }
0x2e: {  	[tilespmem:$0x3060] =	vst v0  }
0x2f: {  	[tilespmem:$0x3070] =	vst v0  }
0x30: {  	[tilespmem:$0x3080] =	vst v0  }
0x31: {  	[tilespmem:$0x3090] =	vst v0  }
0x32: {  	[tilespmem:$0x30A0] =	vst v0  }
0x33: {  	[tilespmem:$0x30B0] =	vst v0  }
0x34: {  	[tilespmem:$0x30C0] =	vst v0  }
0x35: {  	[tilespmem:$0x30D0] =	vst v0  }
0x36: {  	[tilespmem:$0x30E0] =	vst v0  }
0x37: {  	[tilespmem:$0x30F0] =	vst v0  }
0x38: {  	[tilespmem:$0x3100] =	vst v0  }
0x39: {  	[tilespmem:$0x3110] =	vst v0  }
0x3a: {  	[spmem:s4] =	stream.linear.scatter [tilespmem:s29], [sflag:$0x1], $0x200, $0x38;
	[tilespmem:$0x5920] =	vst v63  }
0x3b: {  	_ =	swait.ge [sflag:s30], $0x200  }
0x3c: {  	[sflag:s30] =	ssyncset.done $0x0  }
0x3d: {  	[sflag:s30] =	ssyncadd.s32 $0xFFFFFE00  }
0x3e: {  	[spmem:s8] =	stream.linear.scatter [tilespmem:s29], [sflag:$0x1], $0x200, $0x38;
	[tilespmem:$0x5920] =	vst v63  }
0x3f: {  	_ =	swait.ge [sflag:s30], $0x200  }
0x40: {  	[sflag:s30] =	ssyncset.done $0x0  }
0x41: {  	[sflag:s30] =	ssyncadd.s32 $0xFFFFFE00  }
0x42: {  	[spmem:s9] =	stream.linear.scatter [tilespmem:s29], [sflag:$0x1], $0x200, $0x38;
	[tilespmem:$0x5920] =	vst v63  }
0x43: {  	_ =	swait.ge [sflag:s30], $0x200  }
0x44: {  	[sflag:s30] =	ssyncset.done $0x0  }
0x45: {  	[sflag:s30] =	ssyncadd.s32 $0xFFFFFE00  }
0x46: {  	[spmem:s10] =	stream.linear.scatter [tilespmem:s29], [sflag:$0x1], $0x200, $0x38;
	[tilespmem:$0x5920] =	vst v63  }
0x47: {  	_ =	swait.ge [sflag:s30], $0x200  }
0x48: {  	[sflag:s30] =	ssyncset.done $0x0  }
0x49: {  	[sflag:s30] =	ssyncadd.s32 $0xFFFFFE00  }
0x4a: {  	[spmem:s11] =	stream.linear.scatter [tilespmem:s29], [sflag:$0x1], $0x200, $0x38;
	[tilespmem:$0x5920] =	vst v63  }
0x4b: {  	_ =	swait.ge [sflag:s30], $0x200  }
0x4c: {  	[sflag:s30] =	ssyncset.done $0x0  }
0x4d: {  	[sflag:s30] =	ssyncadd.s32 $0xFFFFFE00  }
0x4e: {  	[spmem:s12] =	stream.linear.scatter [tilespmem:s29], [sflag:$0x1], $0x200, $0x38;
	[tilespmem:$0x5920] =	vst v63  }
0x4f: {  	_ =	swait.ge [sflag:s30], $0x200  }
0x50: {  	[sflag:s30] =	ssyncset.done $0x0  }
0x51: {  	[sflag:s30] =	ssyncadd.s32 $0xFFFFFE00  }
0x52: {  	[spmem:s13] =	stream.linear.scatter [tilespmem:s29], [sflag:$0x1], $0x200, $0x38;
	[tilespmem:$0x5920] =	vst v63  }
0x53: {  	_ =	swait.ge [sflag:s30], $0x200  }
0x54: {  	[sflag:s30] =	ssyncset.done $0x0  }
0x55: {  	[sflag:s30] =	ssyncadd.s32 $0xFFFFFE00  }
0x56: {  	[spmem:s14] =	stream.linear.scatter [tilespmem:s29], [sflag:$0x1], $0x200, $0x38;
	[tilespmem:$0x5920] =	vst v63  }
0x57: {  	_ =	swait.ge [sflag:s30], $0x200  }
0x58: {  	[sflag:s30] =	ssyncset.done $0x0  }
0x59: {  	[sflag:s30] =	ssyncadd.s32 $0xFFFFFE00  }
0x5a: {  	[spmem:s15] =	stream.linear.scatter [tilespmem:s29], [sflag:$0x1], $0x200, $0x38;
	[tilespmem:$0x5920] =	vst v63  }
0x5b: {  	_ =	swait.ge [sflag:s30], $0x200  }
0x5c: {  	[sflag:s30] =	ssyncset.done $0x0  }
0x5d: {  	[sflag:s30] =	ssyncadd.s32 $0xFFFFFE00  }
0x5e: {  	[spmem:s16] =	stream.linear.scatter [tilespmem:s29], [sflag:$0x1], $0x200, $0x38;
	[tilespmem:$0x5920] =	vst v63  }
0x5f: {  	_ =	swait.ge [sflag:s30], $0x200  }
0x60: {  	[sflag:s30] =	ssyncset.done $0x0  }
0x61: {  	[sflag:s30] =	ssyncadd.s32 $0xFFFFFE00  }
0x62: {  	[spmem:s17] =	stream.linear.scatter [tilespmem:s29], [sflag:$0x1], $0x200, $0x38;
	[tilespmem:$0x5920] =	vst v63  }
0x63: {  	_ =	swait.ge [sflag:s30], $0x200  }
0x64: {  	[sflag:s30] =	ssyncset.done $0x0  }
0x65: {  	[sflag:s30] =	ssyncadd.s32 $0xFFFFFE00  }
0x66: {  	[spmem:s18] =	stream.linear.scatter [tilespmem:s29], [sflag:$0x1], $0x200, $0x38;
	[tilespmem:$0x5920] =	vst v63  }
0x67: {  	_ =	swait.ge [sflag:s30], $0x200  }
0x68: {  	[sflag:s30] =	ssyncset.done $0x0  }
0x69: {  	[sflag:s30] =	ssyncadd.s32 $0xFFFFFE00  }
0x6a: {  	[spmem:s19] =	stream.linear.scatter [tilespmem:s29], [sflag:$0x1], $0x200, $0x38;
	[tilespmem:$0x5920] =	vst v63  }
0x6b: {  	_ =	swait.ge [sflag:s30], $0x200  }
0x6c: {  	[sflag:s30] =	ssyncset.done $0x0  }
0x6d: {  	[sflag:s30] =	ssyncadd.s32 $0xFFFFFE00  }
0x6e: {  	[spmem:s20] =	stream.linear.scatter [tilespmem:s29], [sflag:$0x1], $0x200, $0x38;
	[tilespmem:$0x5920] =	vst v63  }
0x6f: {  	_ =	swait.ge [sflag:s30], $0x200  }
0x70: {  	[sflag:s30] =	ssyncset.done $0x0  }
0x71: {  	[sflag:s30] =	ssyncadd.s32 $0xFFFFFE00  }
0x72: {  	[spmem:s21] =	stream.linear.scatter [tilespmem:s29], [sflag:$0x1], $0x200, $0x38;
	[tilespmem:$0x5920] =	vst v63  }
0x73: {  	_ =	swait.ge [sflag:s30], $0x200  }
0x74: {  	[sflag:s30] =	ssyncset.done $0x0  }
0x75: {  	[sflag:s30] =	ssyncadd.s32 $0xFFFFFE00  }
0x76: {  	[spmem:s22] =	stream.linear.scatter [tilespmem:s29], [sflag:$0x1], $0x200, $0x38;
	[tilespmem:$0x5920] =	vst v63  }
0x77: {  	_ =	swait.ge [sflag:s30], $0x200  }
0x78: {  	[sflag:s30] =	ssyncset.done $0x0  }
0x79: {  	[sflag:s30] =	ssyncadd.s32 $0xFFFFFE00  }
0x7a: {  	[spmem:s23] =	stream.linear.scatter [tilespmem:s29], [sflag:$0x1], $0x200, $0x38;
	[tilespmem:$0x5920] =	vst v63  }
0x7b: {  	_ =	swait.ge [sflag:s30], $0x200  }
0x7c: {  	[sflag:s30] =	ssyncset.done $0x0  }
0x7d: {  	[sflag:s30] =	ssyncadd.s32 $0xFFFFFE00  }
0x7e: {  	[spmem:s24] =	stream.linear.scatter [tilespmem:s29], [sflag:$0x1], $0x200, $0x38;
	[tilespmem:$0x5920] =	vst v63  }
0x7f: {  	_ =	swait.ge [sflag:s30], $0x200  }
0x80: {  	[sflag:s30] =	ssyncset.done $0x0  }
0x81: {  	[sflag:s30] =	ssyncadd.s32 $0xFFFFFE00  }
0x82: {  	[spmem:s26] =	stream.linear.scatter [tilespmem:s29], [sflag:$0x1], $0x200, $0x38;
	[tilespmem:$0x5920] =	vst v63  }
0x83: {  	_ =	swait.ge [sflag:s30], $0x200  }
0x84: {  	[sflag:s30] =	ssyncset.done $0x0  }
0x85: {  	[sflag:s30] =	ssyncadd.s32 $0xFFFFFE00  }
0x86: {  	[spmem:s28] =	stream.linear.scatter [tilespmem:s29], [sflag:$0x1], $0x200, $0x38;
	[tilespmem:$0x5920] =	vst v63  }
0x87: {  	_ =	swait.ge [sflag:s30], $0x200  }
0x88: {  	[sflag:s30] =	ssyncset.done $0x0  }
0x89: {  	[sflag:s30] =	ssyncadd.s32 $0xFFFFFE00  }
0x8a: {  	[bflag:$0x0] =	sbarrier.arrive $0xFFFF  }
0x8b: {  	s0 =	simm.s32 $0x0;
	s5 =	rddreg [dreg:$0x4]  }
0x8c: {  	[tilespmem:s0], [sflag:$0x1] =	stream.linear.gather [hbm4b:s5+s0], $0x28A0, $0x38;
	[tilespmem:$0x5920] =	vst v63  }
0x8d: {  	_ =	swait.ge [sflag:s30], $0x28A0  }
0x8e: {  	[sflag:s30] =	ssyncset.done $0x0  }
0x8f: {  	s5 =	simm.s32 $0x0;
	[sflag:s30] =	ssyncadd.s32 $0xFFFFD760  }
0x90: {  	[spmem:s2] =	stream.indirect.scatter.add.f32 [tilespmem:s1], [sflag:$0x1], $0x10, s5, s31, $0xb8;
	[tilespmem:$0x5920] =	vst v63  }
0x91: {  	_ =	swait.ge [sflag:s30], $0x680  }
0x92: {  	s0 =	simm.s32 $0x1A0;
	[sflag:s30] =	ssyncset.done $0x0  }
.LBB2_4:
0x93: {  	s5 =	sshra.s32 s0, $0x2;
	[sflag:s30] =	ssyncadd.s32 $0xFFFFF980;
	p0 =	sne.s32 s0, $0xA0E0  }
0x94: {  	[spmem:s2] =	stream.indirect.scatter.add.f32 [tilespmem:s1], [sflag:$0x1], $0x10, s5, s31, $0xb8;
	[tilespmem:$0x5920] =	vst v63  }
.Ltmp1:
0x95: {  	_ = 	snop;
	(pc) =	sbr.rel @p0 .LBB2_4-.Ltmp1, $4  }
0x96: {  	_ = 	snop  }
0x97: {  	s0 =	sadd.s32 $0x1A0, s0  }
0x98: {  	_ =	swait.ge [sflag:s30], $0x680  }
0x99: {  	[sflag:s30] =	ssyncset.done $0x0  }
0x9a: {  	s0 =	stileid.u32;
	s3 =	sadd.s32 $0x1, s3  }
0x9b: {  	[sflag:s30] =	ssyncadd.s32 $0xFFFFF980;
	s0 =	sshll.u32 s0, $0x6;
	p0 =	sne.s32 s3, s7  }
.Ltmp2:
0x9c: {  	[bflag:$0x0] =	sbarrier.arrive $0xFFFF;
	s0 =	sor.u32 $0x1C01, s0;
	(pc) =	sbr.rel @p0 .LBB2_1-.Ltmp2, $4  }
0x9d: {  	[hbm:s6], [sflag:s0] =	dma.local [spmem:s25], $0x500  }
0x9e: {  	_ =	swait.ge [sflag:s30], $0x500  }
0x9f: {  	[sflag:s30] =	ssyncset.done $0x0  }
0xa0: {  	[sflag:s30] =	ssyncadd.s32 $0xFFFFFB00  }
0xa1: {  	_ =	sfence.sel $0x180000  }
0xa2: {  	[bflag:$0x0] =	sbarrier.arrive $0xFFFF  }
0xa3: {  	_ =	strace $0x90000047  }
0xa4: {  	s0 =	stileid.u32;
	[bflag:$0x2] =	sbarrier.arrive $0xFFFF  }
0xa5: {  	p0 =	sne.s32 s0, $0x0;
	s0 =	rddreg [dreg:$0x3]  }
0xa6: {  	s0 =	sadd.s32 @!p0 $0x100000, s0  }
0xa7: {  	[sflag:s0] =	ssyncadd.tile.s32 @!p0 $0x1;
	_ =	shalt  }
.Lfunc_end2:
_tile_overlayer_lowered:
.L_overlay_start_2:
0xa8: {  	(tag) =	ssettag $0x2  }
0xa9: {  	s0 =	rddreg [dreg:$0x0];
	s2 =	stileid.u32  }
0xaa: {  	s1 =	rddreg [dreg:$0x1];
	p0 =	sne.s32 s2, $0x0  }
0xab: {  	s3 =	rddreg [dreg:$0x2];
	[bflag:$0x3] =	sbarrier.arrive $0xFFFF;
	s2 =	simm.s32 @!p0 $0x1C01  }
0xac: {  	[timem:s3], [sflag:s2] =	dma.local @!p0 [hbm:s0], s1  }
0xad: {  	s0 =	simm.s32 @!p0 $0x1  }
0xae: {  	_ =	swait.ge @!p0 [sflag:s0], s1  }
0xaf: {  	s1 =	ssub.s32 @!p0 $0x0, s1;
	[sflag:s0] =	ssyncset.done @!p0 $0x0  }
0xb0: {  	[sflag:s0] =	ssyncadd.s32 @!p0 s1  }
0xb1: {  	[bflag:$0x3] =	sbarrier.arrive $0xFFFF  }
0xb2: {  	_ =	shalt  }

</sc_bundles>
